<compile_context>
chip_gen: v7x
topology: tpu7x:2x2x1
jax: 0.10.2.dev20260603
libtpu: 0.0.44.dev20260713+nightly
codegen_flags: <defaults>
</compile_context>

<pallas_src>
import functools

import jax
import jax.numpy as jnp
from jax import lax
from jax.experimental import pallas as pl
from jax.experimental.pallas import tpu as pltpu
from jax.experimental.pallas import tpu_sc as plsc

NC = 2
NS = 16
NW = NC * NS
C = 128



def _make_deg(K, NP, RPT):
    mesh = plsc.VectorSubcoreMesh(core_axis_name="c", subcore_axis_name="s")

    @functools.partial(
        pl.kernel,
        out_type=jax.ShapeDtypeStruct((NC, NP), jnp.float32),
        mesh=mesh,
        compiler_params=pltpu.CompilerParams(use_tc_tiling_on_sc=False),
        scratch_types=[
            pltpu.VMEM((K, C), jnp.int32),
            pltpu.VMEM((C,), jnp.float32),
            pltpu.VMEM_SHARED((NP,), jnp.float32),
        ],
    )
    def deg(dst_hbm, z_hbm, out_hbm, dst_v, ones_v, acc):
        cid = lax.axis_index("c")
        sid = lax.axis_index("s")
        wid = sid * NC + cid
        pltpu.sync_copy(dst_hbm.at[wid], dst_v)
        for r in range(C // 16):
            ones_v[pl.ds(r * 16, 16)] = jnp.full((16,), 1.0, jnp.float32)
        pltpu.sync_copy(z_hbm, acc.at[pl.ds(sid * RPT, RPT)])
        plsc.subcore_barrier()

        def body(j, carry):
            pltpu.sync_copy(ones_v, acc.at[dst_v.at[j]], add=True)
            return carry

        lax.fori_loop(0, K, body, 0)
        plsc.subcore_barrier()
        pltpu.sync_copy(acc.at[pl.ds(sid * RPT, RPT)],
                        out_hbm.at[cid, pl.ds(sid * RPT, RPT)])

    return deg


def _make_agg(D, K, NP, RPT):
    mesh = plsc.VectorSubcoreMesh(core_axis_name="c", subcore_axis_name="s")

    @functools.partial(
        pl.kernel,
        out_type=jax.ShapeDtypeStruct((NC, NP, D), jnp.float32),
        mesh=mesh,
        compiler_params=pltpu.CompilerParams(use_tc_tiling_on_sc=False),
        scratch_types=[
            pltpu.VMEM((K, C), jnp.int32),
            pltpu.VMEM((K, C), jnp.int32),
            pltpu.VMEM((8, C, D), jnp.float32),
            pltpu.VMEM_SHARED((NP, D), jnp.float32),
        ] + [pltpu.SemaphoreType.DMA] * 16,
    )
    def agg(g_hbm, src_hbm, dst_hbm, z_hbm, out_hbm,
            src_v, dst_v, bufs, acc, *sems):
        gsem, ssem = sems[:8], sems[8:]
        cid = lax.axis_index("c")
        sid = lax.axis_index("s")
        wid = sid * NC + cid
        pltpu.sync_copy(src_hbm.at[wid], src_v)
        pltpu.sync_copy(dst_hbm.at[wid], dst_v)
        pltpu.sync_copy(z_hbm, acc.at[pl.ds(sid * RPT, RPT)])
        for b in range(8):
            pltpu.async_copy(g_hbm.at[src_v.at[b]], bufs.at[b], gsem[b])
        plsc.subcore_barrier()

        def body(jj, carry):
            for g in range(2):
                bs = range(4 * g, 4 * g + 4)
                for b in bs:
                    j = 8 * jj + b
                    pltpu.make_async_copy(
                        g_hbm.at[src_v.at[j]], bufs.at[b], gsem[b]).wait()
                    pltpu.async_copy(
                        bufs.at[b], acc.at[dst_v.at[j]], ssem[b], add=True)
                for b in bs:
                    j = 8 * jj + b
                    pltpu.make_async_copy(
                        bufs.at[b], acc.at[dst_v.at[j]], ssem[b]).wait()
                    pltpu.async_copy(
                        g_hbm.at[src_v.at[jnp.minimum(j + 8, K - 1)]],
                        bufs.at[b], gsem[b])
            return carry

        lax.fori_loop(0, K // 8, body, 0)
        for b in range(8):
            pltpu.make_async_copy(
                g_hbm.at[src_v.at[0]], bufs.at[b], gsem[b]).wait()
        plsc.subcore_barrier()
        pltpu.sync_copy(acc.at[pl.ds(sid * RPT, RPT)],
                        out_hbm.at[cid, pl.ds(sid * RPT, RPT)])

    return agg



def _mm_scale_body(x_ref, w_ref, d_ref, o_ref):
    o_ref[...] = jnp.dot(x_ref[...], w_ref[...],
                         preferred_element_type=jnp.float32) * d_ref[...]


def _mm_scale(x, w, d, R):
    N, DIN = x.shape
    DH = w.shape[1]
    return pl.pallas_call(
        _mm_scale_body,
        grid=(pl.cdiv(N, R),),
        in_specs=[
            pl.BlockSpec((R, DIN), lambda i: (i, 0)),
            pl.BlockSpec((DIN, DH), lambda i: (0, 0)),
            pl.BlockSpec((R, 1), lambda i: (i, 0)),
        ],
        out_specs=pl.BlockSpec((R, DH), lambda i: (i, 0)),
        out_shape=jax.ShapeDtypeStruct((N, DH), jnp.float32),
    )(x, w, d)


def _fuse1_body(pa_ref, pb_ref, g1_ref, d_ref, b1_ref, w2_ref, o_ref):
    s = pa_ref[0] + pb_ref[0] + g1_ref[...]
    h = jnp.maximum(d_ref[...] * s + b1_ref[...], 0.0)
    o_ref[...] = jnp.dot(h, w2_ref[...],
                         preferred_element_type=jnp.float32) * d_ref[...]


def _fuse1(p1, g1, d, b1, w2, R):
    N, DH = g1.shape
    DP = w2.shape[1]
    return pl.pallas_call(
        _fuse1_body,
        grid=(pl.cdiv(N, R),),
        in_specs=[
            pl.BlockSpec((1, R, DH), lambda i: (0, i, 0)),
            pl.BlockSpec((1, R, DH), lambda i: (1, i, 0)),
            pl.BlockSpec((R, DH), lambda i: (i, 0)),
            pl.BlockSpec((R, 1), lambda i: (i, 0)),
            pl.BlockSpec((1, DH), lambda i: (0, 0)),
            pl.BlockSpec((DH, DP), lambda i: (0, 0)),
        ],
        out_specs=pl.BlockSpec((R, DP), lambda i: (i, 0)),
        out_shape=jax.ShapeDtypeStruct((N, DP), jnp.float32),
    )(p1, p1, g1, d, b1, w2)


def _fuse2_body(pa_ref, pb_ref, g2_ref, d_ref, b2_ref, o_ref, *, DOUT):
    s = d_ref[...] * (pa_ref[0] + pb_ref[0] + g2_ref[...]) + b2_ref[...]
    s = s[:, :DOUT]
    m = jnp.max(s, axis=1, keepdims=True)
    e = jnp.exp(s - m)
    o_ref[...] = e / jnp.sum(e, axis=1, keepdims=True)


def _fuse2(p2, g2, d, b2, DOUT, R):
    N, DP = g2.shape
    return pl.pallas_call(
        functools.partial(_fuse2_body, DOUT=DOUT),
        grid=(pl.cdiv(N, R),),
        in_specs=[
            pl.BlockSpec((1, R, DP), lambda i: (0, i, 0)),
            pl.BlockSpec((1, R, DP), lambda i: (1, i, 0)),
            pl.BlockSpec((R, DP), lambda i: (i, 0)),
            pl.BlockSpec((R, 1), lambda i: (i, 0)),
            pl.BlockSpec((1, DP), lambda i: (0, 0)),
        ],
        out_specs=pl.BlockSpec((R, DOUT), lambda i: (i, 0)),
        out_shape=jax.ShapeDtypeStruct((N, DOUT), jnp.float32),
    )(p2, p2, g2, d, b2)



def kernel(x, edge_index, W1, b1, W2, b2):
    N, DIN = x.shape
    DH = W1.shape[1]
    DOUT = W2.shape[1]
    DP = 48
    E = edge_index.shape[1]

    K = 8 * (-(-E // (NW * C * 8)))
    pad = NW * K * C - E

    NP = (NS * 8) * (-(-(N + 1) // (NS * 8)))
    RPT = NP // NS

    dump = N + jnp.arange(pad, dtype=jnp.int32) % jnp.int32(NP - N)
    psrc = jnp.arange(pad, dtype=jnp.int32) % jnp.int32(N)
    src = jnp.concatenate(
        [edge_index[0], psrc]).reshape(NW, K, C)
    dst = jnp.concatenate(
        [edge_index[1], dump]).reshape(NW, K, C)

    degp = _make_deg(K, NP, RPT)(dst, jnp.zeros((RPT,), jnp.float32))
    deg = degp[0, :N] + degp[1, :N] + 1.0
    dcol = (deg ** -0.5).reshape(N, 1)

    R = 2000 if N % 2000 == 0 else 8 * (-(-N // 80) // 8 * 8 or 8)

    g1 = _mm_scale(x, W1, dcol, R)
    p1 = _make_agg(DH, K, NP, RPT)(
        g1, src, dst, jnp.zeros((RPT, DH), jnp.float32))

    W2p = jnp.pad(W2, ((0, 0), (0, DP - DOUT)))
    b2p = jnp.pad(b2, (0, DP - DOUT)).reshape(1, DP)
    g2 = _fuse1(p1, g1, dcol, b1.reshape(1, DH), W2p, R)
    p2 = _make_agg(DP, K, NP, RPT)(
        g2, src, dst, jnp.zeros((RPT, DP), jnp.float32))

    return _fuse2(p2, g2, dcol, b2p, DOUT, R)

# --- scband reference (transcript-rebuilt; emitter-appended) ---
"""Pipeline reference for scband-gcn-36344013259390 (READ-ONLY COPY).

The authoritative reference and input builder live on the scoring server;
editing this copy changes nothing except your own understanding.
"""

import jax, jax.numpy as jnp
import numpy as np


def gcn_conv(x, edge_index, W, b):
    # Faithful PyG GCNConv: add self-loops, linear transform, symmetric (D^-1/2 A D^-1/2) normalization,
    # scatter-add aggregation over destination nodes, then bias.
    N = x.shape[0]
    loop = jnp.arange(N, dtype=edge_index.dtype)
    src = jnp.concatenate([edge_index[0], loop])
    dst = jnp.concatenate([edge_index[1], loop])
    h = x @ W
    deg = jax.ops.segment_sum(jnp.ones_like(dst, dtype=h.dtype), dst, num_segments=N)
    deg_inv_sqrt = jnp.where(deg > 0, deg ** -0.5, 0.0)
    norm = deg_inv_sqrt[src] * deg_inv_sqrt[dst]
    msg = h[src] * norm[:, None]
    out = jax.ops.segment_sum(msg, dst, num_segments=N)
    return out + b


def setup_inputs(seed: int = 0) -> dict:
    key = jax.random.key(seed)
    k1, k2, k3, k4, k5, k6 = jax.random.split(key, 6)
    N, E = 10000, 320000
    din, dh, dout = 128, 64, 40
    x = jax.random.normal(k1, (N, din), dtype=jnp.float32)
    edge_index = jax.random.randint(k2, (2, E), 0, N, dtype=jnp.int32)
    s1 = float(np.sqrt(6.0 / (din + dh)))
    s2 = float(np.sqrt(6.0 / (dh + dout)))
    W1 = jax.random.uniform(k3, (din, dh), dtype=jnp.float32, minval=-s1, maxval=s1)
    b1 = jnp.zeros((dh,), dtype=jnp.float32)
    W2 = jax.random.uniform(k4, (dh, dout), dtype=jnp.float32, minval=-s2, maxval=s2)
    b2 = jnp.zeros((dout,), dtype=jnp.float32)
    return {"x": x, "edge_index": edge_index, "W1": W1, "b1": b1, "W2": W2, "b2": b2}


def reference(x, edge_index, W1, b1, W2, b2):
    # Eval mode: dropout (p=0.6) is identity.
    h = gcn_conv(x, edge_index, W1, b1)
    h = jax.nn.relu(h)
    h = gcn_conv(h, edge_index, W2, b2)
    return jax.nn.softmax(h, axis=-1)

if __name__ == "__main__":
    import jax
    _d = setup_inputs()
    print(jax.jit(kernel)(*tuple(_d.values())))

</pallas_src>

<mosaic_0001>
#map = affine_map<(d0, d1) -> (0, 0, 0)>
#map1 = affine_map<(d0, d1) -> (0)>
#map2 = affine_map<(d0, d1) -> (0, 0)>
module attributes {stable_mosaic.version = 14 : i64} {
  func.func @deg(%arg0: i32, %arg1: i32, %arg2: memref<32x80x128xi32, #tpu.memory_space<hbm>>, %arg3: memref<632xf32, #tpu.memory_space<hbm>>, %arg4: memref<2x10112xf32, #tpu.memory_space<hbm>>, %arg5: memref<80x128xi32, #tpu.memory_space<vmem>>, %arg6: memref<128xf32, #tpu.memory_space<vmem>>, %arg7: memref<10112xf32, #tpu.memory_space<vmem_shared>>) attributes {dimension_semantics = [#tpu.dimension_semantics<core_parallel>, #tpu.dimension_semantics<subcore_parallel>], iteration_bounds = array<i64: 2, 16>, scalar_prefetch = 0 : i64, scratch_operands = 3 : i64, tpu.core_type = #tpu.core_type<sc_vector_subcore>, window_params = [{transform_indices = #map}, {transform_indices = #map1}, {transform_indices = #map2}]} {
    %mul3A = arith.constant 2 : i32
    %mul3A_0 = arith.muli %arg1, %mul3A : i32
    %add3A = arith.addi %mul3A_0, %arg0 : i32
    "tpu.region"() ({
      %run_scoped3A = tpu.sem_alloc : memref<!tpu.dma_semaphore, #tpu.memory_space<semaphore_mem>>
      %dma_start3A = arith.constant 0 : i32
      %dma_start3A_59 = arith.constant 0 : i32
      %dma_start3A_60 = tpu.memref_slice %arg2[%add3A, %dma_start3A, %dma_start3A_59] : memref<32x80x128xi32, #tpu.memory_space<hbm>> -> memref<1x80x128xi32, #tpu.memory_space<hbm>>
      %dma_start3A_61 = tpu.memref_squeeze %dma_start3A_60 : memref<1x80x128xi32, #tpu.memory_space<hbm>> -> memref<80x128xi32, #tpu.memory_space<hbm>>
      %dma_start3A_62 = arith.constant 0 : i32
      %dma_start3A_63 = arith.constant 0 : i32
      %dma_start3A_64 = tpu.memref_slice %arg2[%add3A, %dma_start3A_62, %dma_start3A_63] : memref<32x80x128xi32, #tpu.memory_space<hbm>> -> memref<1x80x128xi32, #tpu.memory_space<hbm>>
      %dma_start3A_65 = tpu.memref_squeeze %dma_start3A_64 : memref<1x80x128xi32, #tpu.memory_space<hbm>> -> memref<80x128xi32, #tpu.memory_space<hbm>>
      tpu.enqueue_dma source(%dma_start3A_65 : memref<80x128xi32, #tpu.memory_space<hbm>>) target(%arg5 : memref<80x128xi32, #tpu.memory_space<vmem>>) target_semaphore(%run_scoped3A : memref<!tpu.dma_semaphore, #tpu.memory_space<semaphore_mem>>)
      %dma_wait3A = arith.constant 0 : i32
      %dma_wait3A_66 = arith.constant 0 : i32
      %dma_wait3A_67 = tpu.memref_slice %arg2[%add3A, %dma_wait3A, %dma_wait3A_66] : memref<32x80x128xi32, #tpu.memory_space<hbm>> -> memref<1x80x128xi32, #tpu.memory_space<hbm>>
      %dma_wait3A_68 = tpu.memref_squeeze %dma_wait3A_67 : memref<1x80x128xi32, #tpu.memory_space<hbm>> -> memref<80x128xi32, #tpu.memory_space<hbm>>
      %dma_wait3A_69 = arith.constant 0 : i32
      %dma_wait3A_70 = arith.constant 0 : i32
      %dma_wait3A_71 = tpu.memref_slice %arg2[%add3A, %dma_wait3A_69, %dma_wait3A_70] : memref<32x80x128xi32, #tpu.memory_space<hbm>> -> memref<1x80x128xi32, #tpu.memory_space<hbm>>
      %dma_wait3A_72 = tpu.memref_squeeze %dma_wait3A_71 : memref<1x80x128xi32, #tpu.memory_space<hbm>> -> memref<80x128xi32, #tpu.memory_space<hbm>>
      tpu.wait_dma2 semaphore(%run_scoped3A : memref<!tpu.dma_semaphore, #tpu.memory_space<semaphore_mem>>) src(%dma_wait3A_72 : memref<80x128xi32, #tpu.memory_space<hbm>>) dst(%arg5 : memref<80x128xi32, #tpu.memory_space<vmem>>)
      tpu.yield
    }) : () -> ()
    %broadcast_in_dim3A = arith.constant 1.000000e+00 : f32
    %broadcast_in_dim3A_1 = vector.broadcast %broadcast_in_dim3A : f32 to vector<16xf32>
    %swap3A = arith.constant 0 : index
    %swap3A_2 = tpu.vector_load %arg6[%swap3A] {strides = array<i32>} : memref<128xf32, #tpu.memory_space<vmem>>, vector<16xf32>,
    %swap3A_3 = vector.shape_cast %swap3A_2 : vector<16xf32> to vector<16xf32>
    %swap3A_4 = vector.shape_cast %broadcast_in_dim3A_1 : vector<16xf32> to vector<16xf32>
    tpu.vector_store %arg6[%swap3A], %swap3A_4 {strides = array<i32>} : memref<128xf32, #tpu.memory_space<vmem>>, vector<16xf32>,
    %broadcast_in_dim3A_5 = arith.constant 1.000000e+00 : f32
    %broadcast_in_dim3A_6 = vector.broadcast %broadcast_in_dim3A_5 : f32 to vector<16xf32>
    %swap3A_7 = arith.constant 16 : index
    %swap3A_8 = tpu.vector_load %arg6[%swap3A_7] {strides = array<i32>} : memref<128xf32, #tpu.memory_space<vmem>>, vector<16xf32>,
    %swap3A_9 = vector.shape_cast %swap3A_8 : vector<16xf32> to vector<16xf32>
    %swap3A_10 = vector.shape_cast %broadcast_in_dim3A_6 : vector<16xf32> to vector<16xf32>
    tpu.vector_store %arg6[%swap3A_7], %swap3A_10 {strides = array<i32>} : memref<128xf32, #tpu.memory_space<vmem>>, vector<16xf32>,
    %broadcast_in_dim3A_11 = arith.constant 1.000000e+00 : f32
    %broadcast_in_dim3A_12 = vector.broadcast %broadcast_in_dim3A_11 : f32 to vector<16xf32>
    %swap3A_13 = arith.constant 32 : index
    %swap3A_14 = tpu.vector_load %arg6[%swap3A_13] {strides = array<i32>} : memref<128xf32, #tpu.memory_space<vmem>>, vector<16xf32>,
    %swap3A_15 = vector.shape_cast %swap3A_14 : vector<16xf32> to vector<16xf32>
    %swap3A_16 = vector.shape_cast %broadcast_in_dim3A_12 : vector<16xf32> to vector<16xf32>
    tpu.vector_store %arg6[%swap3A_13], %swap3A_16 {strides = array<i32>} : memref<128xf32, #tpu.memory_space<vmem>>, vector<16xf32>,
    %broadcast_in_dim3A_17 = arith.constant 1.000000e+00 : f32
    %broadcast_in_dim3A_18 = vector.broadcast %broadcast_in_dim3A_17 : f32 to vector<16xf32>
    %swap3A_19 = arith.constant 48 : index
    %swap3A_20 = tpu.vector_load %arg6[%swap3A_19] {strides = array<i32>} : memref<128xf32, #tpu.memory_space<vmem>>, vector<16xf32>,
    %swap3A_21 = vector.shape_cast %swap3A_20 : vector<16xf32> to vector<16xf32>
    %swap3A_22 = vector.shape_cast %broadcast_in_dim3A_18 : vector<16xf32> to vector<16xf32>
    tpu.vector_store %arg6[%swap3A_19], %swap3A_22 {strides = array<i32>} : memref<128xf32, #tpu.memory_space<vmem>>, vector<16xf32>,
    %broadcast_in_dim3A_23 = arith.constant 1.000000e+00 : f32
    %broadcast_in_dim3A_24 = vector.broadcast %broadcast_in_dim3A_23 : f32 to vector<16xf32>
    %swap3A_25 = arith.constant 64 : index
    %swap3A_26 = tpu.vector_load %arg6[%swap3A_25] {strides = array<i32>} : memref<128xf32, #tpu.memory_space<vmem>>, vector<16xf32>,
    %swap3A_27 = vector.shape_cast %swap3A_26 : vector<16xf32> to vector<16xf32>
    %swap3A_28 = vector.shape_cast %broadcast_in_dim3A_24 : vector<16xf32> to vector<16xf32>
    tpu.vector_store %arg6[%swap3A_25], %swap3A_28 {strides = array<i32>} : memref<128xf32, #tpu.memory_space<vmem>>, vector<16xf32>,
    %broadcast_in_dim3A_29 = arith.constant 1.000000e+00 : f32
    %broadcast_in_dim3A_30 = vector.broadcast %broadcast_in_dim3A_29 : f32 to vector<16xf32>
    %swap3A_31 = arith.constant 80 : index
    %swap3A_32 = tpu.vector_load %arg6[%swap3A_31] {strides = array<i32>} : memref<128xf32, #tpu.memory_space<vmem>>, vector<16xf32>,
    %swap3A_33 = vector.shape_cast %swap3A_32 : vector<16xf32> to vector<16xf32>
    %swap3A_34 = vector.shape_cast %broadcast_in_dim3A_30 : vector<16xf32> to vector<16xf32>
    tpu.vector_store %arg6[%swap3A_31], %swap3A_34 {strides = array<i32>} : memref<128xf32, #tpu.memory_space<vmem>>, vector<16xf32>,
    %broadcast_in_dim3A_35 = arith.constant 1.000000e+00 : f32
    %broadcast_in_dim3A_36 = vector.broadcast %broadcast_in_dim3A_35 : f32 to vector<16xf32>
    %swap3A_37 = arith.constant 96 : index
    %swap3A_38 = tpu.vector_load %arg6[%swap3A_37] {strides = array<i32>} : memref<128xf32, #tpu.memory_space<vmem>>, vector<16xf32>,
    %swap3A_39 = vector.shape_cast %swap3A_38 : vector<16xf32> to vector<16xf32>
    %swap3A_40 = vector.shape_cast %broadcast_in_dim3A_36 : vector<16xf32> to vector<16xf32>
    tpu.vector_store %arg6[%swap3A_37], %swap3A_40 {strides = array<i32>} : memref<128xf32, #tpu.memory_space<vmem>>, vector<16xf32>,
    %broadcast_in_dim3A_41 = arith.constant 1.000000e+00 : f32
    %broadcast_in_dim3A_42 = vector.broadcast %broadcast_in_dim3A_41 : f32 to vector<16xf32>
    %swap3A_43 = arith.constant 112 : index
    %swap3A_44 = tpu.vector_load %arg6[%swap3A_43] {strides = array<i32>} : memref<128xf32, #tpu.memory_space<vmem>>, vector<16xf32>,
    %swap3A_45 = vector.shape_cast %swap3A_44 : vector<16xf32> to vector<16xf32>
    %swap3A_46 = vector.shape_cast %broadcast_in_dim3A_42 : vector<16xf32> to vector<16xf32>
    tpu.vector_store %arg6[%swap3A_43], %swap3A_46 {strides = array<i32>} : memref<128xf32, #tpu.memory_space<vmem>>, vector<16xf32>,
    %mul3A_47 = arith.constant 632 : i32
    %mul3A_48 = arith.muli %arg1, %mul3A_47 : i32
    "tpu.region"() ({
      %run_scoped3A = tpu.sem_alloc : memref<!tpu.dma_semaphore, #tpu.memory_space<semaphore_mem>>
      %dma_start3A = tpu.memref_slice %arg7[%mul3A_48] : memref<10112xf32, #tpu.memory_space<vmem_shared>> -> memref<632xf32, #tpu.memory_space<vmem_shared>>
      tpu.enqueue_dma source(%arg3 : memref<632xf32, #tpu.memory_space<hbm>>) target(%dma_start3A : memref<632xf32, #tpu.memory_space<vmem_shared>>) target_semaphore(%run_scoped3A : memref<!tpu.dma_semaphore, #tpu.memory_space<semaphore_mem>>)
      %dma_wait3A = tpu.memref_slice %arg7[%mul3A_48] : memref<10112xf32, #tpu.memory_space<vmem_shared>> -> memref<632xf32, #tpu.memory_space<vmem_shared>>
      tpu.wait_dma2 semaphore(%run_scoped3A : memref<!tpu.dma_semaphore, #tpu.memory_space<semaphore_mem>>) src(%arg3 : memref<632xf32, #tpu.memory_space<hbm>>) dst(%dma_wait3A : memref<632xf32, #tpu.memory_space<vmem_shared>>)
      tpu.yield
    }) : () -> ()
    %barrier3A = arith.constant 0 : index
    tpu.barrier barrier_id(%barrier3A)
    %scan3A = arith.constant 0 : i32
    %scan3A_49 = arith.constant 0 : i32
    %scan3A_50 = arith.constant 80 : i32
    %scan3A_51 = arith.addi %scan3A_49, %scan3A_50 : i32
    %scan3A_52 = arith.constant 1 : i32
    scf.for %scan3A_59 = %scan3A_49 to %scan3A_51 step %scan3A_52  : i32 {
      "tpu.region"() ({
        %run_scoped3A = tpu.sem_alloc : memref<!tpu.dma_semaphore, #tpu.memory_space<semaphore_mem>>
        %dma_start3A = arith.constant 0 : i32
        %dma_start3A_60 = tpu.memref_slice %arg5[%scan3A_59, %dma_start3A] : memref<80x128xi32, #tpu.memory_space<vmem>> -> memref<1x128xi32, #tpu.memory_space<vmem>>
        %dma_start3A_61 = tpu.memref_squeeze %dma_start3A_60 : memref<1x128xi32, #tpu.memory_space<vmem>> -> memref<128xi32, #tpu.memory_space<vmem>>
        %dma_start3A_62 = arith.constant 0 : i32
        %dma_start3A_63 = tpu.memref_slice %arg7[%dma_start3A_62] : memref<10112xf32, #tpu.memory_space<vmem_shared>> -> memref<10112xf32, #tpu.memory_space<vmem_shared>>
        tpu.enqueue_indirect_dma source(%arg6 : memref<128xf32, #tpu.memory_space<vmem>>) target(%dma_start3A_63 : memref<10112xf32, #tpu.memory_space<vmem_shared>>) offsets(%dma_start3A_61 : memref<128xi32, #tpu.memory_space<vmem>>) semaphore(%run_scoped3A : memref<!tpu.dma_semaphore, #tpu.memory_space<semaphore_mem>>) {add = true}
        %dma_wait3A = arith.constant 0 : i32
        %dma_wait3A_64 = tpu.memref_slice %arg5[%scan3A_59, %dma_wait3A] : memref<80x128xi32, #tpu.memory_space<vmem>> -> memref<1x128xi32, #tpu.memory_space<vmem>>
        %dma_wait3A_65 = tpu.memref_squeeze %dma_wait3A_64 : memref<1x128xi32, #tpu.memory_space<vmem>> -> memref<128xi32, #tpu.memory_space<vmem>>
        %dma_wait3A_66 = arith.constant 0 : i32
        %dma_wait3A_67 = tpu.memref_slice %arg7[%dma_wait3A_66] : memref<10112xf32, #tpu.memory_space<vmem_shared>> -> memref<10112xf32, #tpu.memory_space<vmem_shared>>
        tpu.wait_indirect_dma semaphore(%run_scoped3A : memref<!tpu.dma_semaphore, #tpu.memory_space<semaphore_mem>>) src(%arg6 : memref<128xf32, #tpu.memory_space<vmem>>) dst(%dma_wait3A_67 : memref<10112xf32, #tpu.memory_space<vmem_shared>>)
        tpu.yield
      }) : () -> ()
    }
    %scan3A_53 = arith.constant 80 : i32
    %barrier3A_54 = arith.constant 0 : index
    tpu.barrier barrier_id(%barrier3A_54)
    %mul3A_55 = arith.constant 632 : i32
    %mul3A_56 = arith.muli %arg1, %mul3A_55 : i32
    %mul3A_57 = arith.constant 632 : i32
    %mul3A_58 = arith.muli %arg1, %mul3A_57 : i32
    "tpu.region"() ({
      %run_scoped3A = tpu.sem_alloc : memref<!tpu.dma_semaphore, #tpu.memory_space<semaphore_mem>>
      %dma_start3A = tpu.memref_slice %arg4[%arg0, %mul3A_58] : memref<2x10112xf32, #tpu.memory_space<hbm>> -> memref<1x632xf32, #tpu.memory_space<hbm>>
      %dma_start3A_59 = tpu.memref_squeeze %dma_start3A : memref<1x632xf32, #tpu.memory_space<hbm>> -> memref<632xf32, #tpu.memory_space<hbm>>
      %dma_start3A_60 = tpu.memref_slice %arg7[%mul3A_56] : memref<10112xf32, #tpu.memory_space<vmem_shared>> -> memref<632xf32, #tpu.memory_space<vmem_shared>>
      tpu.enqueue_dma source(%dma_start3A_60 : memref<632xf32, #tpu.memory_space<vmem_shared>>) target(%dma_start3A_59 : memref<632xf32, #tpu.memory_space<hbm>>) target_semaphore(%run_scoped3A : memref<!tpu.dma_semaphore, #tpu.memory_space<semaphore_mem>>)
      %dma_wait3A = tpu.memref_slice %arg4[%arg0, %mul3A_58] : memref<2x10112xf32, #tpu.memory_space<hbm>> -> memref<1x632xf32, #tpu.memory_space<hbm>>
      %dma_wait3A_61 = tpu.memref_squeeze %dma_wait3A : memref<1x632xf32, #tpu.memory_space<hbm>> -> memref<632xf32, #tpu.memory_space<hbm>>
      %dma_wait3A_62 = tpu.memref_slice %arg7[%mul3A_56] : memref<10112xf32, #tpu.memory_space<vmem_shared>> -> memref<632xf32, #tpu.memory_space<vmem_shared>>
      tpu.wait_dma2 semaphore(%run_scoped3A : memref<!tpu.dma_semaphore, #tpu.memory_space<semaphore_mem>>) src(%dma_wait3A_62 : memref<632xf32, #tpu.memory_space<vmem_shared>>) dst(%dma_wait3A_61 : memref<632xf32, #tpu.memory_space<hbm>>)
      tpu.yield
    }) : () -> ()
    return
  }
}

#map = affine_map<(d0, d1) -> (0, 0)>
#map1 = affine_map<(d0, d1) -> (0, 0, 0)>
module attributes {stable_mosaic.version = 14 : i64} {
  func.func @agg(%arg0: i32, %arg1: i32, %arg2: memref<10000x64xf32, #tpu.memory_space<hbm>>, %arg3: memref<32x80x128xi32, #tpu.memory_space<hbm>>, %arg4: memref<32x80x128xi32, #tpu.memory_space<hbm>>, %arg5: memref<632x64xf32, #tpu.memory_space<hbm>>, %arg6: memref<2x10112x64xf32, #tpu.memory_space<hbm>>, %arg7: memref<80x128xi32, #tpu.memory_space<vmem>>, %arg8: memref<80x128xi32, #tpu.memory_space<vmem>>, %arg9: memref<8x128x64xf32, #tpu.memory_space<vmem>>, %arg10: memref<10112x64xf32, #tpu.memory_space<vmem_shared>>, %arg11: memref<!tpu.dma_semaphore, #tpu.memory_space<semaphore_mem>>, %arg12: memref<!tpu.dma_semaphore, #tpu.memory_space<semaphore_mem>>, %arg13: memref<!tpu.dma_semaphore, #tpu.memory_space<semaphore_mem>>, %arg14: memref<!tpu.dma_semaphore, #tpu.memory_space<semaphore_mem>>, %arg15: memref<!tpu.dma_semaphore, #tpu.memory_space<semaphore_mem>>, %arg16: memref<!tpu.dma_semaphore, #tpu.memory_space<semaphore_mem>>, %arg17: memref<!tpu.dma_semaphore, #tpu.memory_space<semaphore_mem>>, %arg18: memref<!tpu.dma_semaphore, #tpu.memory_space<semaphore_mem>>, %arg19: memref<!tpu.dma_semaphore, #tpu.memory_space<semaphore_mem>>, %arg20: memref<!tpu.dma_semaphore, #tpu.memory_space<semaphore_mem>>, %arg21: memref<!tpu.dma_semaphore, #tpu.memory_space<semaphore_mem>>, %arg22: memref<!tpu.dma_semaphore, #tpu.memory_space<semaphore_mem>>, %arg23: memref<!tpu.dma_semaphore, #tpu.memory_space<semaphore_mem>>, %arg24: memref<!tpu.dma_semaphore, #tpu.memory_space<semaphore_mem>>, %arg25: memref<!tpu.dma_semaphore, #tpu.memory_space<semaphore_mem>>, %arg26: memref<!tpu.dma_semaphore, #tpu.memory_space<semaphore_mem>>) attributes {dimension_semantics = [#tpu.dimension_semantics<core_parallel>, #tpu.dimension_semantics<subcore_parallel>], iteration_bounds = array<i64: 2, 16>, scalar_prefetch = 0 : i64, scratch_operands = 20 : i64, tpu.core_type = #tpu.core_type<sc_vector_subcore>, window_params = [{transform_indices = #map}, {transform_indices = #map1}, {transform_indices = #map1}, {transform_indices = #map}, {transform_indices = #map1}]} {
    %mul3A = arith.constant 2 : i32
    %mul3A_0 = arith.muli %arg1, %mul3A : i32
    %add3A = arith.addi %mul3A_0, %arg0 : i32
    "tpu.region"() ({
      %run_scoped3A = tpu.sem_alloc : memref<!tpu.dma_semaphore, #tpu.memory_space<semaphore_mem>>
      %dma_start3A_203 = arith.constant 0 : i32
      %dma_start3A_204 = arith.constant 0 : i32
      %dma_start3A_205 = tpu.memref_slice %arg3[%add3A, %dma_start3A_203, %dma_start3A_204] : memref<32x80x128xi32, #tpu.memory_space<hbm>> -> memref<1x80x128xi32, #tpu.memory_space<hbm>>
      %dma_start3A_206 = tpu.memref_squeeze %dma_start3A_205 : memref<1x80x128xi32, #tpu.memory_space<hbm>> -> memref<80x128xi32, #tpu.memory_space<hbm>>
      %dma_start3A_207 = arith.constant 0 : i32
      %dma_start3A_208 = arith.constant 0 : i32
      %dma_start3A_209 = tpu.memref_slice %arg3[%add3A, %dma_start3A_207, %dma_start3A_208] : memref<32x80x128xi32, #tpu.memory_space<hbm>> -> memref<1x80x128xi32, #tpu.memory_space<hbm>>
      %dma_start3A_210 = tpu.memref_squeeze %dma_start3A_209 : memref<1x80x128xi32, #tpu.memory_space<hbm>> -> memref<80x128xi32, #tpu.memory_space<hbm>>
      tpu.enqueue_dma source(%dma_start3A_210 : memref<80x128xi32, #tpu.memory_space<hbm>>) target(%arg7 : memref<80x128xi32, #tpu.memory_space<vmem>>) target_semaphore(%run_scoped3A : memref<!tpu.dma_semaphore, #tpu.memory_space<semaphore_mem>>)
      %dma_wait3A_211 = arith.constant 0 : i32
      %dma_wait3A_212 = arith.constant 0 : i32
      %dma_wait3A_213 = tpu.memref_slice %arg3[%add3A, %dma_wait3A_211, %dma_wait3A_212] : memref<32x80x128xi32, #tpu.memory_space<hbm>> -> memref<1x80x128xi32, #tpu.memory_space<hbm>>
      %dma_wait3A_214 = tpu.memref_squeeze %dma_wait3A_213 : memref<1x80x128xi32, #tpu.memory_space<hbm>> -> memref<80x128xi32, #tpu.memory_space<hbm>>
      %dma_wait3A_215 = arith.constant 0 : i32
      %dma_wait3A_216 = arith.constant 0 : i32
      %dma_wait3A_217 = tpu.memref_slice %arg3[%add3A, %dma_wait3A_215, %dma_wait3A_216] : memref<32x80x128xi32, #tpu.memory_space<hbm>> -> memref<1x80x128xi32, #tpu.memory_space<hbm>>
      %dma_wait3A_218 = tpu.memref_squeeze %dma_wait3A_217 : memref<1x80x128xi32, #tpu.memory_space<hbm>> -> memref<80x128xi32, #tpu.memory_space<hbm>>
      tpu.wait_dma2 semaphore(%run_scoped3A : memref<!tpu.dma_semaphore, #tpu.memory_space<semaphore_mem>>) src(%dma_wait3A_218 : memref<80x128xi32, #tpu.memory_space<hbm>>) dst(%arg7 : memref<80x128xi32, #tpu.memory_space<vmem>>)
      tpu.yield
    }) : () -> ()
    "tpu.region"() ({
      %run_scoped3A = tpu.sem_alloc : memref<!tpu.dma_semaphore, #tpu.memory_space<semaphore_mem>>
      %dma_start3A_203 = arith.constant 0 : i32
      %dma_start3A_204 = arith.constant 0 : i32
      %dma_start3A_205 = tpu.memref_slice %arg4[%add3A, %dma_start3A_203, %dma_start3A_204] : memref<32x80x128xi32, #tpu.memory_space<hbm>> -> memref<1x80x128xi32, #tpu.memory_space<hbm>>
      %dma_start3A_206 = tpu.memref_squeeze %dma_start3A_205 : memref<1x80x128xi32, #tpu.memory_space<hbm>> -> memref<80x128xi32, #tpu.memory_space<hbm>>
      %dma_start3A_207 = arith.constant 0 : i32
      %dma_start3A_208 = arith.constant 0 : i32
      %dma_start3A_209 = tpu.memref_slice %arg4[%add3A, %dma_start3A_207, %dma_start3A_208] : memref<32x80x128xi32, #tpu.memory_space<hbm>> -> memref<1x80x128xi32, #tpu.memory_space<hbm>>
      %dma_start3A_210 = tpu.memref_squeeze %dma_start3A_209 : memref<1x80x128xi32, #tpu.memory_space<hbm>> -> memref<80x128xi32, #tpu.memory_space<hbm>>
      tpu.enqueue_dma source(%dma_start3A_210 : memref<80x128xi32, #tpu.memory_space<hbm>>) target(%arg8 : memref<80x128xi32, #tpu.memory_space<vmem>>) target_semaphore(%run_scoped3A : memref<!tpu.dma_semaphore, #tpu.memory_space<semaphore_mem>>)
      %dma_wait3A_211 = arith.constant 0 : i32
      %dma_wait3A_212 = arith.constant 0 : i32
      %dma_wait3A_213 = tpu.memref_slice %arg4[%add3A, %dma_wait3A_211, %dma_wait3A_212] : memref<32x80x128xi32, #tpu.memory_space<hbm>> -> memref<1x80x128xi32, #tpu.memory_space<hbm>>
      %dma_wait3A_214 = tpu.memref_squeeze %dma_wait3A_213 : memref<1x80x128xi32, #tpu.memory_space<hbm>> -> memref<80x128xi32, #tpu.memory_space<hbm>>
      %dma_wait3A_215 = arith.constant 0 : i32
      %dma_wait3A_216 = arith.constant 0 : i32
      %dma_wait3A_217 = tpu.memref_slice %arg4[%add3A, %dma_wait3A_215, %dma_wait3A_216] : memref<32x80x128xi32, #tpu.memory_space<hbm>> -> memref<1x80x128xi32, #tpu.memory_space<hbm>>
      %dma_wait3A_218 = tpu.memref_squeeze %dma_wait3A_217 : memref<1x80x128xi32, #tpu.memory_space<hbm>> -> memref<80x128xi32, #tpu.memory_space<hbm>>
      tpu.wait_dma2 semaphore(%run_scoped3A : memref<!tpu.dma_semaphore, #tpu.memory_space<semaphore_mem>>) src(%dma_wait3A_218 : memref<80x128xi32, #tpu.memory_space<hbm>>) dst(%arg8 : memref<80x128xi32, #tpu.memory_space<vmem>>)
      tpu.yield
    }) : () -> ()
    %mul3A_1 = arith.constant 632 : i32
    %mul3A_2 = arith.muli %arg1, %mul3A_1 : i32
    "tpu.region"() ({
      %run_scoped3A = tpu.sem_alloc : memref<!tpu.dma_semaphore, #tpu.memory_space<semaphore_mem>>
      %dma_start3A_203 = arith.constant 0 : i32
      %dma_start3A_204 = tpu.memref_slice %arg10[%mul3A_2, %dma_start3A_203] : memref<10112x64xf32, #tpu.memory_space<vmem_shared>> -> memref<632x64xf32, #tpu.memory_space<vmem_shared>>
      tpu.enqueue_dma source(%arg5 : memref<632x64xf32, #tpu.memory_space<hbm>>) target(%dma_start3A_204 : memref<632x64xf32, #tpu.memory_space<vmem_shared>>) target_semaphore(%run_scoped3A : memref<!tpu.dma_semaphore, #tpu.memory_space<semaphore_mem>>)
      %dma_wait3A_205 = arith.constant 0 : i32
      %dma_wait3A_206 = tpu.memref_slice %arg10[%mul3A_2, %dma_wait3A_205] : memref<10112x64xf32, #tpu.memory_space<vmem_shared>> -> memref<632x64xf32, #tpu.memory_space<vmem_shared>>
      tpu.wait_dma2 semaphore(%run_scoped3A : memref<!tpu.dma_semaphore, #tpu.memory_space<semaphore_mem>>) src(%arg5 : memref<632x64xf32, #tpu.memory_space<hbm>>) dst(%dma_wait3A_206 : memref<632x64xf32, #tpu.memory_space<vmem_shared>>)
      tpu.yield
    }) : () -> ()
    %dma_start3A = arith.constant 0 : i32
    %dma_start3A_3 = arith.constant 0 : i32
    %dma_start3A_4 = arith.constant 0 : i32
    %dma_start3A_5 = arith.constant 0 : i32
    %dma_start3A_6 = tpu.memref_slice %arg9[%dma_start3A_3, %dma_start3A_4, %dma_start3A_5] : memref<8x128x64xf32, #tpu.memory_space<vmem>> -> memref<1x128x64xf32, #tpu.memory_space<vmem>>
    %dma_start3A_7 = tpu.memref_squeeze %dma_start3A_6 : memref<1x128x64xf32, #tpu.memory_space<vmem>> -> memref<128x64xf32, #tpu.memory_space<vmem>>
    %dma_start3A_8 = arith.constant 0 : i32
    %dma_start3A_9 = tpu.memref_slice %arg7[%dma_start3A, %dma_start3A_8] : memref<80x128xi32, #tpu.memory_space<vmem>> -> memref<1x128xi32, #tpu.memory_space<vmem>>
    %dma_start3A_10 = tpu.memref_squeeze %dma_start3A_9 : memref<1x128xi32, #tpu.memory_space<vmem>> -> memref<128xi32, #tpu.memory_space<vmem>>
    %dma_start3A_11 = arith.constant 0 : i32
    %dma_start3A_12 = arith.constant 0 : i32
    %dma_start3A_13 = tpu.memref_slice %arg2[%dma_start3A_11, %dma_start3A_12] : memref<10000x64xf32, #tpu.memory_space<hbm>> -> memref<10000x64xf32, #tpu.memory_space<hbm>>
    tpu.enqueue_indirect_dma source(%dma_start3A_13 : memref<10000x64xf32, #tpu.memory_space<hbm>>) target(%dma_start3A_7 : memref<128x64xf32, #tpu.memory_space<vmem>>) offsets(%dma_start3A_10 : memref<128xi32, #tpu.memory_space<vmem>>) semaphore(%arg11 : memref<!tpu.dma_semaphore, #tpu.memory_space<semaphore_mem>>)
    %dma_start3A_14 = arith.constant 1 : i32
    %dma_start3A_15 = arith.constant 1 : i32
    %dma_start3A_16 = arith.constant 0 : i32
    %dma_start3A_17 = arith.constant 0 : i32
    %dma_start3A_18 = tpu.memref_slice %arg9[%dma_start3A_15, %dma_start3A_16, %dma_start3A_17] : memref<8x128x64xf32, #tpu.memory_space<vmem>> -> memref<1x128x64xf32, #tpu.memory_space<vmem>>
    %dma_start3A_19 = tpu.memref_squeeze %dma_start3A_18 : memref<1x128x64xf32, #tpu.memory_space<vmem>> -> memref<128x64xf32, #tpu.memory_space<vmem>>
    %dma_start3A_20 = arith.constant 0 : i32
    %dma_start3A_21 = tpu.memref_slice %arg7[%dma_start3A_14, %dma_start3A_20] : memref<80x128xi32, #tpu.memory_space<vmem>> -> memref<1x128xi32, #tpu.memory_space<vmem>>
    %dma_start3A_22 = tpu.memref_squeeze %dma_start3A_21 : memref<1x128xi32, #tpu.memory_space<vmem>> -> memref<128xi32, #tpu.memory_space<vmem>>
    %dma_start3A_23 = arith.constant 0 : i32
    %dma_start3A_24 = arith.constant 0 : i32
    %dma_start3A_25 = tpu.memref_slice %arg2[%dma_start3A_23, %dma_start3A_24] : memref<10000x64xf32, #tpu.memory_space<hbm>> -> memref<10000x64xf32, #tpu.memory_space<hbm>>
    tpu.enqueue_indirect_dma source(%dma_start3A_25 : memref<10000x64xf32, #tpu.memory_space<hbm>>) target(%dma_start3A_19 : memref<128x64xf32, #tpu.memory_space<vmem>>) offsets(%dma_start3A_22 : memref<128xi32, #tpu.memory_space<vmem>>) semaphore(%arg12 : memref<!tpu.dma_semaphore, #tpu.memory_space<semaphore_mem>>)
    %dma_start3A_26 = arith.constant 2 : i32
    %dma_start3A_27 = arith.constant 2 : i32
    %dma_start3A_28 = arith.constant 0 : i32
    %dma_start3A_29 = arith.constant 0 : i32
    %dma_start3A_30 = tpu.memref_slice %arg9[%dma_start3A_27, %dma_start3A_28, %dma_start3A_29] : memref<8x128x64xf32, #tpu.memory_space<vmem>> -> memref<1x128x64xf32, #tpu.memory_space<vmem>>
    %dma_start3A_31 = tpu.memref_squeeze %dma_start3A_30 : memref<1x128x64xf32, #tpu.memory_space<vmem>> -> memref<128x64xf32, #tpu.memory_space<vmem>>
    %dma_start3A_32 = arith.constant 0 : i32
    %dma_start3A_33 = tpu.memref_slice %arg7[%dma_start3A_26, %dma_start3A_32] : memref<80x128xi32, #tpu.memory_space<vmem>> -> memref<1x128xi32, #tpu.memory_space<vmem>>
    %dma_start3A_34 = tpu.memref_squeeze %dma_start3A_33 : memref<1x128xi32, #tpu.memory_space<vmem>> -> memref<128xi32, #tpu.memory_space<vmem>>
    %dma_start3A_35 = arith.constant 0 : i32
    %dma_start3A_36 = arith.constant 0 : i32
    %dma_start3A_37 = tpu.memref_slice %arg2[%dma_start3A_35, %dma_start3A_36] : memref<10000x64xf32, #tpu.memory_space<hbm>> -> memref<10000x64xf32, #tpu.memory_space<hbm>>
    tpu.enqueue_indirect_dma source(%dma_start3A_37 : memref<10000x64xf32, #tpu.memory_space<hbm>>) target(%dma_start3A_31 : memref<128x64xf32, #tpu.memory_space<vmem>>) offsets(%dma_start3A_34 : memref<128xi32, #tpu.memory_space<vmem>>) semaphore(%arg13 : memref<!tpu.dma_semaphore, #tpu.memory_space<semaphore_mem>>)
    %dma_start3A_38 = arith.constant 3 : i32
    %dma_start3A_39 = arith.constant 3 : i32
    %dma_start3A_40 = arith.constant 0 : i32
    %dma_start3A_41 = arith.constant 0 : i32
    %dma_start3A_42 = tpu.memref_slice %arg9[%dma_start3A_39, %dma_start3A_40, %dma_start3A_41] : memref<8x128x64xf32, #tpu.memory_space<vmem>> -> memref<1x128x64xf32, #tpu.memory_space<vmem>>
    %dma_start3A_43 = tpu.memref_squeeze %dma_start3A_42 : memref<1x128x64xf32, #tpu.memory_space<vmem>> -> memref<128x64xf32, #tpu.memory_space<vmem>>
    %dma_start3A_44 = arith.constant 0 : i32
    %dma_start3A_45 = tpu.memref_slice %arg7[%dma_start3A_38, %dma_start3A_44] : memref<80x128xi32, #tpu.memory_space<vmem>> -> memref<1x128xi32, #tpu.memory_space<vmem>>
    %dma_start3A_46 = tpu.memref_squeeze %dma_start3A_45 : memref<1x128xi32, #tpu.memory_space<vmem>> -> memref<128xi32, #tpu.memory_space<vmem>>
    %dma_start3A_47 = arith.constant 0 : i32
    %dma_start3A_48 = arith.constant 0 : i32
    %dma_start3A_49 = tpu.memref_slice %arg2[%dma_start3A_47, %dma_start3A_48] : memref<10000x64xf32, #tpu.memory_space<hbm>> -> memref<10000x64xf32, #tpu.memory_space<hbm>>
    tpu.enqueue_indirect_dma source(%dma_start3A_49 : memref<10000x64xf32, #tpu.memory_space<hbm>>) target(%dma_start3A_43 : memref<128x64xf32, #tpu.memory_space<vmem>>) offsets(%dma_start3A_46 : memref<128xi32, #tpu.memory_space<vmem>>) semaphore(%arg14 : memref<!tpu.dma_semaphore, #tpu.memory_space<semaphore_mem>>)
    %dma_start3A_50 = arith.constant 4 : i32
    %dma_start3A_51 = arith.constant 4 : i32
    %dma_start3A_52 = arith.constant 0 : i32
    %dma_start3A_53 = arith.constant 0 : i32
    %dma_start3A_54 = tpu.memref_slice %arg9[%dma_start3A_51, %dma_start3A_52, %dma_start3A_53] : memref<8x128x64xf32, #tpu.memory_space<vmem>> -> memref<1x128x64xf32, #tpu.memory_space<vmem>>
    %dma_start3A_55 = tpu.memref_squeeze %dma_start3A_54 : memref<1x128x64xf32, #tpu.memory_space<vmem>> -> memref<128x64xf32, #tpu.memory_space<vmem>>
    %dma_start3A_56 = arith.constant 0 : i32
    %dma_start3A_57 = tpu.memref_slice %arg7[%dma_start3A_50, %dma_start3A_56] : memref<80x128xi32, #tpu.memory_space<vmem>> -> memref<1x128xi32, #tpu.memory_space<vmem>>
    %dma_start3A_58 = tpu.memref_squeeze %dma_start3A_57 : memref<1x128xi32, #tpu.memory_space<vmem>> -> memref<128xi32, #tpu.memory_space<vmem>>
    %dma_start3A_59 = arith.constant 0 : i32
    %dma_start3A_60 = arith.constant 0 : i32
    %dma_start3A_61 = tpu.memref_slice %arg2[%dma_start3A_59, %dma_start3A_60] : memref<10000x64xf32, #tpu.memory_space<hbm>> -> memref<10000x64xf32, #tpu.memory_space<hbm>>
    tpu.enqueue_indirect_dma source(%dma_start3A_61 : memref<10000x64xf32, #tpu.memory_space<hbm>>) target(%dma_start3A_55 : memref<128x64xf32, #tpu.memory_space<vmem>>) offsets(%dma_start3A_58 : memref<128xi32, #tpu.memory_space<vmem>>) semaphore(%arg15 : memref<!tpu.dma_semaphore, #tpu.memory_space<semaphore_mem>>)
    %dma_start3A_62 = arith.constant 5 : i32
    %dma_start3A_63 = arith.constant 5 : i32
    %dma_start3A_64 = arith.constant 0 : i32
    %dma_start3A_65 = arith.constant 0 : i32
    %dma_start3A_66 = tpu.memref_slice %arg9[%dma_start3A_63, %dma_start3A_64, %dma_start3A_65] : memref<8x128x64xf32, #tpu.memory_space<vmem>> -> memref<1x128x64xf32, #tpu.memory_space<vmem>>
    %dma_start3A_67 = tpu.memref_squeeze %dma_start3A_66 : memref<1x128x64xf32, #tpu.memory_space<vmem>> -> memref<128x64xf32, #tpu.memory_space<vmem>>
    %dma_start3A_68 = arith.constant 0 : i32
    %dma_start3A_69 = tpu.memref_slice %arg7[%dma_start3A_62, %dma_start3A_68] : memref<80x128xi32, #tpu.memory_space<vmem>> -> memref<1x128xi32, #tpu.memory_space<vmem>>
    %dma_start3A_70 = tpu.memref_squeeze %dma_start3A_69 : memref<1x128xi32, #tpu.memory_space<vmem>> -> memref<128xi32, #tpu.memory_space<vmem>>
    %dma_start3A_71 = arith.constant 0 : i32
    %dma_start3A_72 = arith.constant 0 : i32
    %dma_start3A_73 = tpu.memref_slice %arg2[%dma_start3A_71, %dma_start3A_72] : memref<10000x64xf32, #tpu.memory_space<hbm>> -> memref<10000x64xf32, #tpu.memory_space<hbm>>
    tpu.enqueue_indirect_dma source(%dma_start3A_73 : memref<10000x64xf32, #tpu.memory_space<hbm>>) target(%dma_start3A_67 : memref<128x64xf32, #tpu.memory_space<vmem>>) offsets(%dma_start3A_70 : memref<128xi32, #tpu.memory_space<vmem>>) semaphore(%arg16 : memref<!tpu.dma_semaphore, #tpu.memory_space<semaphore_mem>>)
    %dma_start3A_74 = arith.constant 6 : i32
    %dma_start3A_75 = arith.constant 6 : i32
    %dma_start3A_76 = arith.constant 0 : i32
    %dma_start3A_77 = arith.constant 0 : i32
    %dma_start3A_78 = tpu.memref_slice %arg9[%dma_start3A_75, %dma_start3A_76, %dma_start3A_77] : memref<8x128x64xf32, #tpu.memory_space<vmem>> -> memref<1x128x64xf32, #tpu.memory_space<vmem>>
    %dma_start3A_79 = tpu.memref_squeeze %dma_start3A_78 : memref<1x128x64xf32, #tpu.memory_space<vmem>> -> memref<128x64xf32, #tpu.memory_space<vmem>>
    %dma_start3A_80 = arith.constant 0 : i32
    %dma_start3A_81 = tpu.memref_slice %arg7[%dma_start3A_74, %dma_start3A_80] : memref<80x128xi32, #tpu.memory_space<vmem>> -> memref<1x128xi32, #tpu.memory_space<vmem>>
    %dma_start3A_82 = tpu.memref_squeeze %dma_start3A_81 : memref<1x128xi32, #tpu.memory_space<vmem>> -> memref<128xi32, #tpu.memory_space<vmem>>
    %dma_start3A_83 = arith.constant 0 : i32
    %dma_start3A_84 = arith.constant 0 : i32
    %dma_start3A_85 = tpu.memref_slice %arg2[%dma_start3A_83, %dma_start3A_84] : memref<10000x64xf32, #tpu.memory_space<hbm>> -> memref<10000x64xf32, #tpu.memory_space<hbm>>
    tpu.enqueue_indirect_dma source(%dma_start3A_85 : memref<10000x64xf32, #tpu.memory_space<hbm>>) target(%dma_start3A_79 : memref<128x64xf32, #tpu.memory_space<vmem>>) offsets(%dma_start3A_82 : memref<128xi32, #tpu.memory_space<vmem>>) semaphore(%arg17 : memref<!tpu.dma_semaphore, #tpu.memory_space<semaphore_mem>>)
    %dma_start3A_86 = arith.constant 7 : i32
    %dma_start3A_87 = arith.constant 7 : i32
    %dma_start3A_88 = arith.constant 0 : i32
    %dma_start3A_89 = arith.constant 0 : i32
    %dma_start3A_90 = tpu.memref_slice %arg9[%dma_start3A_87, %dma_start3A_88, %dma_start3A_89] : memref<8x128x64xf32, #tpu.memory_space<vmem>> -> memref<1x128x64xf32, #tpu.memory_space<vmem>>
    %dma_start3A_91 = tpu.memref_squeeze %dma_start3A_90 : memref<1x128x64xf32, #tpu.memory_space<vmem>> -> memref<128x64xf32, #tpu.memory_space<vmem>>
    %dma_start3A_92 = arith.constant 0 : i32
    %dma_start3A_93 = tpu.memref_slice %arg7[%dma_start3A_86, %dma_start3A_92] : memref<80x128xi32, #tpu.memory_space<vmem>> -> memref<1x128xi32, #tpu.memory_space<vmem>>
    %dma_start3A_94 = tpu.memref_squeeze %dma_start3A_93 : memref<1x128xi32, #tpu.memory_space<vmem>> -> memref<128xi32, #tpu.memory_space<vmem>>
    %dma_start3A_95 = arith.constant 0 : i32
    %dma_start3A_96 = arith.constant 0 : i32
    %dma_start3A_97 = tpu.memref_slice %arg2[%dma_start3A_95, %dma_start3A_96] : memref<10000x64xf32, #tpu.memory_space<hbm>> -> memref<10000x64xf32, #tpu.memory_space<hbm>>
    tpu.enqueue_indirect_dma source(%dma_start3A_97 : memref<10000x64xf32, #tpu.memory_space<hbm>>) target(%dma_start3A_91 : memref<128x64xf32, #tpu.memory_space<vmem>>) offsets(%dma_start3A_94 : memref<128xi32, #tpu.memory_space<vmem>>) semaphore(%arg18 : memref<!tpu.dma_semaphore, #tpu.memory_space<semaphore_mem>>)
    %barrier3A = arith.constant 0 : index
    tpu.barrier barrier_id(%barrier3A)
    %scan3A = arith.constant 0 : i32
    %scan3A_98 = arith.constant 0 : i32
    %scan3A_99 = arith.constant 10 : i32
    %scan3A_100 = arith.addi %scan3A_98, %scan3A_99 : i32
    %scan3A_101 = arith.constant 1 : i32
    scf.for %scan3A_203 = %scan3A_98 to %scan3A_100 step %scan3A_101  : i32 {
      %mul3A_204 = arith.constant 8 : i32
      %mul3A_205 = arith.muli %mul3A_204, %scan3A_203 : i32
      %add3A_206 = arith.constant 0 : i32
      %add3A_207 = arith.addi %mul3A_205, %add3A_206 : i32
      %dma_wait3A_208 = arith.constant 0 : i32
      %dma_wait3A_209 = arith.constant 0 : i32
      %dma_wait3A_210 = arith.constant 0 : i32
      %dma_wait3A_211 = tpu.memref_slice %arg9[%dma_wait3A_208, %dma_wait3A_209, %dma_wait3A_210] : memref<8x128x64xf32, #tpu.memory_space<vmem>> -> memref<1x128x64xf32, #tpu.memory_space<vmem>>
      %dma_wait3A_212 = tpu.memref_squeeze %dma_wait3A_211 : memref<1x128x64xf32, #tpu.memory_space<vmem>> -> memref<128x64xf32, #tpu.memory_space<vmem>>
      %dma_wait3A_213 = arith.constant 0 : i32
      %dma_wait3A_214 = tpu.memref_slice %arg7[%add3A_207, %dma_wait3A_213] : memref<80x128xi32, #tpu.memory_space<vmem>> -> memref<1x128xi32, #tpu.memory_space<vmem>>
      %dma_wait3A_215 = tpu.memref_squeeze %dma_wait3A_214 : memref<1x128xi32, #tpu.memory_space<vmem>> -> memref<128xi32, #tpu.memory_space<vmem>>
      %dma_wait3A_216 = arith.constant 0 : i32
      %dma_wait3A_217 = arith.constant 0 : i32
      %dma_wait3A_218 = tpu.memref_slice %arg2[%dma_wait3A_216, %dma_wait3A_217] : memref<10000x64xf32, #tpu.memory_space<hbm>> -> memref<10000x64xf32, #tpu.memory_space<hbm>>
      tpu.wait_indirect_dma semaphore(%arg11 : memref<!tpu.dma_semaphore, #tpu.memory_space<semaphore_mem>>) src(%dma_wait3A_218 : memref<10000x64xf32, #tpu.memory_space<hbm>>) dst(%dma_wait3A_212 : memref<128x64xf32, #tpu.memory_space<vmem>>)
      %dma_start3A_219 = arith.constant 0 : i32
      %dma_start3A_220 = arith.constant 0 : i32
      %dma_start3A_221 = arith.constant 0 : i32
      %dma_start3A_222 = tpu.memref_slice %arg9[%dma_start3A_219, %dma_start3A_220, %dma_start3A_221] : memref<8x128x64xf32, #tpu.memory_space<vmem>> -> memref<1x128x64xf32, #tpu.memory_space<vmem>>
      %dma_start3A_223 = tpu.memref_squeeze %dma_start3A_222 : memref<1x128x64xf32, #tpu.memory_space<vmem>> -> memref<128x64xf32, #tpu.memory_space<vmem>>
      %dma_start3A_224 = arith.constant 0 : i32
      %dma_start3A_225 = tpu.memref_slice %arg8[%add3A_207, %dma_start3A_224] : memref<80x128xi32, #tpu.memory_space<vmem>> -> memref<1x128xi32, #tpu.memory_space<vmem>>
      %dma_start3A_226 = tpu.memref_squeeze %dma_start3A_225 : memref<1x128xi32, #tpu.memory_space<vmem>> -> memref<128xi32, #tpu.memory_space<vmem>>
      %dma_start3A_227 = arith.constant 0 : i32
      %dma_start3A_228 = arith.constant 0 : i32
      %dma_start3A_229 = tpu.memref_slice %arg10[%dma_start3A_227, %dma_start3A_228] : memref<10112x64xf32, #tpu.memory_space<vmem_shared>> -> memref<10112x64xf32, #tpu.memory_space<vmem_shared>>
      tpu.enqueue_indirect_dma source(%dma_start3A_223 : memref<128x64xf32, #tpu.memory_space<vmem>>) target(%dma_start3A_229 : memref<10112x64xf32, #tpu.memory_space<vmem_shared>>) offsets(%dma_start3A_226 : memref<128xi32, #tpu.memory_space<vmem>>) semaphore(%arg19 : memref<!tpu.dma_semaphore, #tpu.memory_space<semaphore_mem>>) {add = true}
      %mul3A_230 = arith.constant 8 : i32
      %mul3A_231 = arith.muli %mul3A_230, %scan3A_203 : i32
      %add3A_232 = arith.constant 1 : i32
      %add3A_233 = arith.addi %mul3A_231, %add3A_232 : i32
      %dma_wait3A_234 = arith.constant 1 : i32
      %dma_wait3A_235 = arith.constant 0 : i32
      %dma_wait3A_236 = arith.constant 0 : i32
      %dma_wait3A_237 = tpu.memref_slice %arg9[%dma_wait3A_234, %dma_wait3A_235, %dma_wait3A_236] : memref<8x128x64xf32, #tpu.memory_space<vmem>> -> memref<1x128x64xf32, #tpu.memory_space<vmem>>
      %dma_wait3A_238 = tpu.memref_squeeze %dma_wait3A_237 : memref<1x128x64xf32, #tpu.memory_space<vmem>> -> memref<128x64xf32, #tpu.memory_space<vmem>>
      %dma_wait3A_239 = arith.constant 0 : i32
      %dma_wait3A_240 = tpu.memref_slice %arg7[%add3A_233, %dma_wait3A_239] : memref<80x128xi32, #tpu.memory_space<vmem>> -> memref<1x128xi32, #tpu.memory_space<vmem>>
      %dma_wait3A_241 = tpu.memref_squeeze %dma_wait3A_240 : memref<1x128xi32, #tpu.memory_space<vmem>> -> memref<128xi32, #tpu.memory_space<vmem>>
      %dma_wait3A_242 = arith.constant 0 : i32
      %dma_wait3A_243 = arith.constant 0 : i32
      %dma_wait3A_244 = tpu.memref_slice %arg2[%dma_wait3A_242, %dma_wait3A_243] : memref<10000x64xf32, #tpu.memory_space<hbm>> -> memref<10000x64xf32, #tpu.memory_space<hbm>>
      tpu.wait_indirect_dma semaphore(%arg12 : memref<!tpu.dma_semaphore, #tpu.memory_space<semaphore_mem>>) src(%dma_wait3A_244 : memref<10000x64xf32, #tpu.memory_space<hbm>>) dst(%dma_wait3A_238 : memref<128x64xf32, #tpu.memory_space<vmem>>)
      %dma_start3A_245 = arith.constant 1 : i32
      %dma_start3A_246 = arith.constant 0 : i32
      %dma_start3A_247 = arith.constant 0 : i32
      %dma_start3A_248 = tpu.memref_slice %arg9[%dma_start3A_245, %dma_start3A_246, %dma_start3A_247] : memref<8x128x64xf32, #tpu.memory_space<vmem>> -> memref<1x128x64xf32, #tpu.memory_space<vmem>>
      %dma_start3A_249 = tpu.memref_squeeze %dma_start3A_248 : memref<1x128x64xf32, #tpu.memory_space<vmem>> -> memref<128x64xf32, #tpu.memory_space<vmem>>
      %dma_start3A_250 = arith.constant 0 : i32
      %dma_start3A_251 = tpu.memref_slice %arg8[%add3A_233, %dma_start3A_250] : memref<80x128xi32, #tpu.memory_space<vmem>> -> memref<1x128xi32, #tpu.memory_space<vmem>>
      %dma_start3A_252 = tpu.memref_squeeze %dma_start3A_251 : memref<1x128xi32, #tpu.memory_space<vmem>> -> memref<128xi32, #tpu.memory_space<vmem>>
      %dma_start3A_253 = arith.constant 0 : i32
      %dma_start3A_254 = arith.constant 0 : i32
      %dma_start3A_255 = tpu.memref_slice %arg10[%dma_start3A_253, %dma_start3A_254] : memref<10112x64xf32, #tpu.memory_space<vmem_shared>> -> memref<10112x64xf32, #tpu.memory_space<vmem_shared>>
      tpu.enqueue_indirect_dma source(%dma_start3A_249 : memref<128x64xf32, #tpu.memory_space<vmem>>) target(%dma_start3A_255 : memref<10112x64xf32, #tpu.memory_space<vmem_shared>>) offsets(%dma_start3A_252 : memref<128xi32, #tpu.memory_space<vmem>>) semaphore(%arg20 : memref<!tpu.dma_semaphore, #tpu.memory_space<semaphore_mem>>) {add = true}
      %mul3A_256 = arith.constant 8 : i32
      %mul3A_257 = arith.muli %mul3A_256, %scan3A_203 : i32
      %add3A_258 = arith.constant 2 : i32
      %add3A_259 = arith.addi %mul3A_257, %add3A_258 : i32
      %dma_wait3A_260 = arith.constant 2 : i32
      %dma_wait3A_261 = arith.constant 0 : i32
      %dma_wait3A_262 = arith.constant 0 : i32
      %dma_wait3A_263 = tpu.memref_slice %arg9[%dma_wait3A_260, %dma_wait3A_261, %dma_wait3A_262] : memref<8x128x64xf32, #tpu.memory_space<vmem>> -> memref<1x128x64xf32, #tpu.memory_space<vmem>>
      %dma_wait3A_264 = tpu.memref_squeeze %dma_wait3A_263 : memref<1x128x64xf32, #tpu.memory_space<vmem>> -> memref<128x64xf32, #tpu.memory_space<vmem>>
      %dma_wait3A_265 = arith.constant 0 : i32
      %dma_wait3A_266 = tpu.memref_slice %arg7[%add3A_259, %dma_wait3A_265] : memref<80x128xi32, #tpu.memory_space<vmem>> -> memref<1x128xi32, #tpu.memory_space<vmem>>
      %dma_wait3A_267 = tpu.memref_squeeze %dma_wait3A_266 : memref<1x128xi32, #tpu.memory_space<vmem>> -> memref<128xi32, #tpu.memory_space<vmem>>
      %dma_wait3A_268 = arith.constant 0 : i32
      %dma_wait3A_269 = arith.constant 0 : i32
      %dma_wait3A_270 = tpu.memref_slice %arg2[%dma_wait3A_268, %dma_wait3A_269] : memref<10000x64xf32, #tpu.memory_space<hbm>> -> memref<10000x64xf32, #tpu.memory_space<hbm>>
      tpu.wait_indirect_dma semaphore(%arg13 : memref<!tpu.dma_semaphore, #tpu.memory_space<semaphore_mem>>) src(%dma_wait3A_270 : memref<10000x64xf32, #tpu.memory_space<hbm>>) dst(%dma_wait3A_264 : memref<128x64xf32, #tpu.memory_space<vmem>>)
      %dma_start3A_271 = arith.constant 2 : i32
      %dma_start3A_272 = arith.constant 0 : i32
      %dma_start3A_273 = arith.constant 0 : i32
      %dma_start3A_274 = tpu.memref_slice %arg9[%dma_start3A_271, %dma_start3A_272, %dma_start3A_273] : memref<8x128x64xf32, #tpu.memory_space<vmem>> -> memref<1x128x64xf32, #tpu.memory_space<vmem>>
      %dma_start3A_275 = tpu.memref_squeeze %dma_start3A_274 : memref<1x128x64xf32, #tpu.memory_space<vmem>> -> memref<128x64xf32, #tpu.memory_space<vmem>>
      %dma_start3A_276 = arith.constant 0 : i32
      %dma_start3A_277 = tpu.memref_slice %arg8[%add3A_259, %dma_start3A_276] : memref<80x128xi32, #tpu.memory_space<vmem>> -> memref<1x128xi32, #tpu.memory_space<vmem>>
      %dma_start3A_278 = tpu.memref_squeeze %dma_start3A_277 : memref<1x128xi32, #tpu.memory_space<vmem>> -> memref<128xi32, #tpu.memory_space<vmem>>
      %dma_start3A_279 = arith.constant 0 : i32
      %dma_start3A_280 = arith.constant 0 : i32
      %dma_start3A_281 = tpu.memref_slice %arg10[%dma_start3A_279, %dma_start3A_280] : memref<10112x64xf32, #tpu.memory_space<vmem_shared>> -> memref<10112x64xf32, #tpu.memory_space<vmem_shared>>
      tpu.enqueue_indirect_dma source(%dma_start3A_275 : memref<128x64xf32, #tpu.memory_space<vmem>>) target(%dma_start3A_281 : memref<10112x64xf32, #tpu.memory_space<vmem_shared>>) offsets(%dma_start3A_278 : memref<128xi32, #tpu.memory_space<vmem>>) semaphore(%arg21 : memref<!tpu.dma_semaphore, #tpu.memory_space<semaphore_mem>>) {add = true}
      %mul3A_282 = arith.constant 8 : i32
      %mul3A_283 = arith.muli %mul3A_282, %scan3A_203 : i32
      %add3A_284 = arith.constant 3 : i32
      %add3A_285 = arith.addi %mul3A_283, %add3A_284 : i32
      %dma_wait3A_286 = arith.constant 3 : i32
      %dma_wait3A_287 = arith.constant 0 : i32
      %dma_wait3A_288 = arith.constant 0 : i32
      %dma_wait3A_289 = tpu.memref_slice %arg9[%dma_wait3A_286, %dma_wait3A_287, %dma_wait3A_288] : memref<8x128x64xf32, #tpu.memory_space<vmem>> -> memref<1x128x64xf32, #tpu.memory_space<vmem>>
      %dma_wait3A_290 = tpu.memref_squeeze %dma_wait3A_289 : memref<1x128x64xf32, #tpu.memory_space<vmem>> -> memref<128x64xf32, #tpu.memory_space<vmem>>
      %dma_wait3A_291 = arith.constant 0 : i32
      %dma_wait3A_292 = tpu.memref_slice %arg7[%add3A_285, %dma_wait3A_291] : memref<80x128xi32, #tpu.memory_space<vmem>> -> memref<1x128xi32, #tpu.memory_space<vmem>>
      %dma_wait3A_293 = tpu.memref_squeeze %dma_wait3A_292 : memref<1x128xi32, #tpu.memory_space<vmem>> -> memref<128xi32, #tpu.memory_space<vmem>>
      %dma_wait3A_294 = arith.constant 0 : i32
      %dma_wait3A_295 = arith.constant 0 : i32
      %dma_wait3A_296 = tpu.memref_slice %arg2[%dma_wait3A_294, %dma_wait3A_295] : memref<10000x64xf32, #tpu.memory_space<hbm>> -> memref<10000x64xf32, #tpu.memory_space<hbm>>
      tpu.wait_indirect_dma semaphore(%arg14 : memref<!tpu.dma_semaphore, #tpu.memory_space<semaphore_mem>>) src(%dma_wait3A_296 : memref<10000x64xf32, #tpu.memory_space<hbm>>) dst(%dma_wait3A_290 : memref<128x64xf32, #tpu.memory_space<vmem>>)
      %dma_start3A_297 = arith.constant 3 : i32
      %dma_start3A_298 = arith.constant 0 : i32
      %dma_start3A_299 = arith.constant 0 : i32
      %dma_start3A_300 = tpu.memref_slice %arg9[%dma_start3A_297, %dma_start3A_298, %dma_start3A_299] : memref<8x128x64xf32, #tpu.memory_space<vmem>> -> memref<1x128x64xf32, #tpu.memory_space<vmem>>
      %dma_start3A_301 = tpu.memref_squeeze %dma_start3A_300 : memref<1x128x64xf32, #tpu.memory_space<vmem>> -> memref<128x64xf32, #tpu.memory_space<vmem>>
      %dma_start3A_302 = arith.constant 0 : i32
      %dma_start3A_303 = tpu.memref_slice %arg8[%add3A_285, %dma_start3A_302] : memref<80x128xi32, #tpu.memory_space<vmem>> -> memref<1x128xi32, #tpu.memory_space<vmem>>
      %dma_start3A_304 = tpu.memref_squeeze %dma_start3A_303 : memref<1x128xi32, #tpu.memory_space<vmem>> -> memref<128xi32, #tpu.memory_space<vmem>>
      %dma_start3A_305 = arith.constant 0 : i32
      %dma_start3A_306 = arith.constant 0 : i32
      %dma_start3A_307 = tpu.memref_slice %arg10[%dma_start3A_305, %dma_start3A_306] : memref<10112x64xf32, #tpu.memory_space<vmem_shared>> -> memref<10112x64xf32, #tpu.memory_space<vmem_shared>>
      tpu.enqueue_indirect_dma source(%dma_start3A_301 : memref<128x64xf32, #tpu.memory_space<vmem>>) target(%dma_start3A_307 : memref<10112x64xf32, #tpu.memory_space<vmem_shared>>) offsets(%dma_start3A_304 : memref<128xi32, #tpu.memory_space<vmem>>) semaphore(%arg22 : memref<!tpu.dma_semaphore, #tpu.memory_space<semaphore_mem>>) {add = true}
      %mul3A_308 = arith.constant 8 : i32
      %mul3A_309 = arith.muli %mul3A_308, %scan3A_203 : i32
      %add3A_310 = arith.constant 0 : i32
      %add3A_311 = arith.addi %mul3A_309, %add3A_310 : i32
      %dma_wait3A_312 = arith.constant 0 : i32
      %dma_wait3A_313 = arith.constant 0 : i32
      %dma_wait3A_314 = arith.constant 0 : i32
      %dma_wait3A_315 = tpu.memref_slice %arg9[%dma_wait3A_312, %dma_wait3A_313, %dma_wait3A_314] : memref<8x128x64xf32, #tpu.memory_space<vmem>> -> memref<1x128x64xf32, #tpu.memory_space<vmem>>
      %dma_wait3A_316 = tpu.memref_squeeze %dma_wait3A_315 : memref<1x128x64xf32, #tpu.memory_space<vmem>> -> memref<128x64xf32, #tpu.memory_space<vmem>>
      %dma_wait3A_317 = arith.constant 0 : i32
      %dma_wait3A_318 = tpu.memref_slice %arg8[%add3A_311, %dma_wait3A_317] : memref<80x128xi32, #tpu.memory_space<vmem>> -> memref<1x128xi32, #tpu.memory_space<vmem>>
      %dma_wait3A_319 = tpu.memref_squeeze %dma_wait3A_318 : memref<1x128xi32, #tpu.memory_space<vmem>> -> memref<128xi32, #tpu.memory_space<vmem>>
      %dma_wait3A_320 = arith.constant 0 : i32
      %dma_wait3A_321 = arith.constant 0 : i32
      %dma_wait3A_322 = tpu.memref_slice %arg10[%dma_wait3A_320, %dma_wait3A_321] : memref<10112x64xf32, #tpu.memory_space<vmem_shared>> -> memref<10112x64xf32, #tpu.memory_space<vmem_shared>>
      tpu.wait_indirect_dma semaphore(%arg19 : memref<!tpu.dma_semaphore, #tpu.memory_space<semaphore_mem>>) src(%dma_wait3A_316 : memref<128x64xf32, #tpu.memory_space<vmem>>) dst(%dma_wait3A_322 : memref<10112x64xf32, #tpu.memory_space<vmem_shared>>)
      %add3A_323 = arith.constant 8 : i32
      %add3A_324 = arith.addi %add3A_311, %add3A_323 : i32
      %min3A = arith.constant 79 : i32
      %min3A_325 = arith.minsi %add3A_324, %min3A : i32
      %dma_start3A_326 = arith.constant 0 : i32
      %dma_start3A_327 = arith.constant 0 : i32
      %dma_start3A_328 = arith.constant 0 : i32
      %dma_start3A_329 = tpu.memref_slice %arg9[%dma_start3A_326, %dma_start3A_327, %dma_start3A_328] : memref<8x128x64xf32, #tpu.memory_space<vmem>> -> memref<1x128x64xf32, #tpu.memory_space<vmem>>
      %dma_start3A_330 = tpu.memref_squeeze %dma_start3A_329 : memref<1x128x64xf32, #tpu.memory_space<vmem>> -> memref<128x64xf32, #tpu.memory_space<vmem>>
      %dma_start3A_331 = arith.constant 0 : i32
      %dma_start3A_332 = tpu.memref_slice %arg7[%min3A_325, %dma_start3A_331] : memref<80x128xi32, #tpu.memory_space<vmem>> -> memref<1x128xi32, #tpu.memory_space<vmem>>
      %dma_start3A_333 = tpu.memref_squeeze %dma_start3A_332 : memref<1x128xi32, #tpu.memory_space<vmem>> -> memref<128xi32, #tpu.memory_space<vmem>>
      %dma_start3A_334 = arith.constant 0 : i32
      %dma_start3A_335 = arith.constant 0 : i32
      %dma_start3A_336 = tpu.memref_slice %arg2[%dma_start3A_334, %dma_start3A_335] : memref<10000x64xf32, #tpu.memory_space<hbm>> -> memref<10000x64xf32, #tpu.memory_space<hbm>>
      tpu.enqueue_indirect_dma source(%dma_start3A_336 : memref<10000x64xf32, #tpu.memory_space<hbm>>) target(%dma_start3A_330 : memref<128x64xf32, #tpu.memory_space<vmem>>) offsets(%dma_start3A_333 : memref<128xi32, #tpu.memory_space<vmem>>) semaphore(%arg11 : memref<!tpu.dma_semaphore, #tpu.memory_space<semaphore_mem>>)
      %mul3A_337 = arith.constant 8 : i32
      %mul3A_338 = arith.muli %mul3A_337, %scan3A_203 : i32
      %add3A_339 = arith.constant 1 : i32
      %add3A_340 = arith.addi %mul3A_338, %add3A_339 : i32
      %dma_wait3A_341 = arith.constant 1 : i32
      %dma_wait3A_342 = arith.constant 0 : i32
      %dma_wait3A_343 = arith.constant 0 : i32
      %dma_wait3A_344 = tpu.memref_slice %arg9[%dma_wait3A_341, %dma_wait3A_342, %dma_wait3A_343] : memref<8x128x64xf32, #tpu.memory_space<vmem>> -> memref<1x128x64xf32, #tpu.memory_space<vmem>>
      %dma_wait3A_345 = tpu.memref_squeeze %dma_wait3A_344 : memref<1x128x64xf32, #tpu.memory_space<vmem>> -> memref<128x64xf32, #tpu.memory_space<vmem>>
      %dma_wait3A_346 = arith.constant 0 : i32
      %dma_wait3A_347 = tpu.memref_slice %arg8[%add3A_340, %dma_wait3A_346] : memref<80x128xi32, #tpu.memory_space<vmem>> -> memref<1x128xi32, #tpu.memory_space<vmem>>
      %dma_wait3A_348 = tpu.memref_squeeze %dma_wait3A_347 : memref<1x128xi32, #tpu.memory_space<vmem>> -> memref<128xi32, #tpu.memory_space<vmem>>
      %dma_wait3A_349 = arith.constant 0 : i32
      %dma_wait3A_350 = arith.constant 0 : i32
      %dma_wait3A_351 = tpu.memref_slice %arg10[%dma_wait3A_349, %dma_wait3A_350] : memref<10112x64xf32, #tpu.memory_space<vmem_shared>> -> memref<10112x64xf32, #tpu.memory_space<vmem_shared>>
      tpu.wait_indirect_dma semaphore(%arg20 : memref<!tpu.dma_semaphore, #tpu.memory_space<semaphore_mem>>) src(%dma_wait3A_345 : memref<128x64xf32, #tpu.memory_space<vmem>>) dst(%dma_wait3A_351 : memref<10112x64xf32, #tpu.memory_space<vmem_shared>>)
      %add3A_352 = arith.constant 8 : i32
      %add3A_353 = arith.addi %add3A_340, %add3A_352 : i32
      %min3A_354 = arith.constant 79 : i32
      %min3A_355 = arith.minsi %add3A_353, %min3A_354 : i32
      %dma_start3A_356 = arith.constant 1 : i32
      %dma_start3A_357 = arith.constant 0 : i32
      %dma_start3A_358 = arith.constant 0 : i32
      %dma_start3A_359 = tpu.memref_slice %arg9[%dma_start3A_356, %dma_start3A_357, %dma_start3A_358] : memref<8x128x64xf32, #tpu.memory_space<vmem>> -> memref<1x128x64xf32, #tpu.memory_space<vmem>>
      %dma_start3A_360 = tpu.memref_squeeze %dma_start3A_359 : memref<1x128x64xf32, #tpu.memory_space<vmem>> -> memref<128x64xf32, #tpu.memory_space<vmem>>
      %dma_start3A_361 = arith.constant 0 : i32
      %dma_start3A_362 = tpu.memref_slice %arg7[%min3A_355, %dma_start3A_361] : memref<80x128xi32, #tpu.memory_space<vmem>> -> memref<1x128xi32, #tpu.memory_space<vmem>>
      %dma_start3A_363 = tpu.memref_squeeze %dma_start3A_362 : memref<1x128xi32, #tpu.memory_space<vmem>> -> memref<128xi32, #tpu.memory_space<vmem>>
      %dma_start3A_364 = arith.constant 0 : i32
      %dma_start3A_365 = arith.constant 0 : i32
      %dma_start3A_366 = tpu.memref_slice %arg2[%dma_start3A_364, %dma_start3A_365] : memref<10000x64xf32, #tpu.memory_space<hbm>> -> memref<10000x64xf32, #tpu.memory_space<hbm>>
      tpu.enqueue_indirect_dma source(%dma_start3A_366 : memref<10000x64xf32, #tpu.memory_space<hbm>>) target(%dma_start3A_360 : memref<128x64xf32, #tpu.memory_space<vmem>>) offsets(%dma_start3A_363 : memref<128xi32, #tpu.memory_space<vmem>>) semaphore(%arg12 : memref<!tpu.dma_semaphore, #tpu.memory_space<semaphore_mem>>)
      %mul3A_367 = arith.constant 8 : i32
      %mul3A_368 = arith.muli %mul3A_367, %scan3A_203 : i32
      %add3A_369 = arith.constant 2 : i32
      %add3A_370 = arith.addi %mul3A_368, %add3A_369 : i32
      %dma_wait3A_371 = arith.constant 2 : i32
      %dma_wait3A_372 = arith.constant 0 : i32
      %dma_wait3A_373 = arith.constant 0 : i32
      %dma_wait3A_374 = tpu.memref_slice %arg9[%dma_wait3A_371, %dma_wait3A_372, %dma_wait3A_373] : memref<8x128x64xf32, #tpu.memory_space<vmem>> -> memref<1x128x64xf32, #tpu.memory_space<vmem>>
      %dma_wait3A_375 = tpu.memref_squeeze %dma_wait3A_374 : memref<1x128x64xf32, #tpu.memory_space<vmem>> -> memref<128x64xf32, #tpu.memory_space<vmem>>
      %dma_wait3A_376 = arith.constant 0 : i32
      %dma_wait3A_377 = tpu.memref_slice %arg8[%add3A_370, %dma_wait3A_376] : memref<80x128xi32, #tpu.memory_space<vmem>> -> memref<1x128xi32, #tpu.memory_space<vmem>>
      %dma_wait3A_378 = tpu.memref_squeeze %dma_wait3A_377 : memref<1x128xi32, #tpu.memory_space<vmem>> -> memref<128xi32, #tpu.memory_space<vmem>>
      %dma_wait3A_379 = arith.constant 0 : i32
      %dma_wait3A_380 = arith.constant 0 : i32
      %dma_wait3A_381 = tpu.memref_slice %arg10[%dma_wait3A_379, %dma_wait3A_380] : memref<10112x64xf32, #tpu.memory_space<vmem_shared>> -> memref<10112x64xf32, #tpu.memory_space<vmem_shared>>
      tpu.wait_indirect_dma semaphore(%arg21 : memref<!tpu.dma_semaphore, #tpu.memory_space<semaphore_mem>>) src(%dma_wait3A_375 : memref<128x64xf32, #tpu.memory_space<vmem>>) dst(%dma_wait3A_381 : memref<10112x64xf32, #tpu.memory_space<vmem_shared>>)
      %add3A_382 = arith.constant 8 : i32
      %add3A_383 = arith.addi %add3A_370, %add3A_382 : i32
      %min3A_384 = arith.constant 79 : i32
      %min3A_385 = arith.minsi %add3A_383, %min3A_384 : i32
      %dma_start3A_386 = arith.constant 2 : i32
      %dma_start3A_387 = arith.constant 0 : i32
      %dma_start3A_388 = arith.constant 0 : i32
      %dma_start3A_389 = tpu.memref_slice %arg9[%dma_start3A_386, %dma_start3A_387, %dma_start3A_388] : memref<8x128x64xf32, #tpu.memory_space<vmem>> -> memref<1x128x64xf32, #tpu.memory_space<vmem>>
      %dma_start3A_390 = tpu.memref_squeeze %dma_start3A_389 : memref<1x128x64xf32, #tpu.memory_space<vmem>> -> memref<128x64xf32, #tpu.memory_space<vmem>>
      %dma_start3A_391 = arith.constant 0 : i32
      %dma_start3A_392 = tpu.memref_slice %arg7[%min3A_385, %dma_start3A_391] : memref<80x128xi32, #tpu.memory_space<vmem>> -> memref<1x128xi32, #tpu.memory_space<vmem>>
      %dma_start3A_393 = tpu.memref_squeeze %dma_start3A_392 : memref<1x128xi32, #tpu.memory_space<vmem>> -> memref<128xi32, #tpu.memory_space<vmem>>
      %dma_start3A_394 = arith.constant 0 : i32
      %dma_start3A_395 = arith.constant 0 : i32
      %dma_start3A_396 = tpu.memref_slice %arg2[%dma_start3A_394, %dma_start3A_395] : memref<10000x64xf32, #tpu.memory_space<hbm>> -> memref<10000x64xf32, #tpu.memory_space<hbm>>
      tpu.enqueue_indirect_dma source(%dma_start3A_396 : memref<10000x64xf32, #tpu.memory_space<hbm>>) target(%dma_start3A_390 : memref<128x64xf32, #tpu.memory_space<vmem>>) offsets(%dma_start3A_393 : memref<128xi32, #tpu.memory_space<vmem>>) semaphore(%arg13 : memref<!tpu.dma_semaphore, #tpu.memory_space<semaphore_mem>>)
      %mul3A_397 = arith.constant 8 : i32
      %mul3A_398 = arith.muli %mul3A_397, %scan3A_203 : i32
      %add3A_399 = arith.constant 3 : i32
      %add3A_400 = arith.addi %mul3A_398, %add3A_399 : i32
      %dma_wait3A_401 = arith.constant 3 : i32
      %dma_wait3A_402 = arith.constant 0 : i32
      %dma_wait3A_403 = arith.constant 0 : i32
      %dma_wait3A_404 = tpu.memref_slice %arg9[%dma_wait3A_401, %dma_wait3A_402, %dma_wait3A_403] : memref<8x128x64xf32, #tpu.memory_space<vmem>> -> memref<1x128x64xf32, #tpu.memory_space<vmem>>
      %dma_wait3A_405 = tpu.memref_squeeze %dma_wait3A_404 : memref<1x128x64xf32, #tpu.memory_space<vmem>> -> memref<128x64xf32, #tpu.memory_space<vmem>>
      %dma_wait3A_406 = arith.constant 0 : i32
      %dma_wait3A_407 = tpu.memref_slice %arg8[%add3A_400, %dma_wait3A_406] : memref<80x128xi32, #tpu.memory_space<vmem>> -> memref<1x128xi32, #tpu.memory_space<vmem>>
      %dma_wait3A_408 = tpu.memref_squeeze %dma_wait3A_407 : memref<1x128xi32, #tpu.memory_space<vmem>> -> memref<128xi32, #tpu.memory_space<vmem>>
      %dma_wait3A_409 = arith.constant 0 : i32
      %dma_wait3A_410 = arith.constant 0 : i32
      %dma_wait3A_411 = tpu.memref_slice %arg10[%dma_wait3A_409, %dma_wait3A_410] : memref<10112x64xf32, #tpu.memory_space<vmem_shared>> -> memref<10112x64xf32, #tpu.memory_space<vmem_shared>>
      tpu.wait_indirect_dma semaphore(%arg22 : memref<!tpu.dma_semaphore, #tpu.memory_space<semaphore_mem>>) src(%dma_wait3A_405 : memref<128x64xf32, #tpu.memory_space<vmem>>) dst(%dma_wait3A_411 : memref<10112x64xf32, #tpu.memory_space<vmem_shared>>)
      %add3A_412 = arith.constant 8 : i32
      %add3A_413 = arith.addi %add3A_400, %add3A_412 : i32
      %min3A_414 = arith.constant 79 : i32
      %min3A_415 = arith.minsi %add3A_413, %min3A_414 : i32
      %dma_start3A_416 = arith.constant 3 : i32
      %dma_start3A_417 = arith.constant 0 : i32
      %dma_start3A_418 = arith.constant 0 : i32
      %dma_start3A_419 = tpu.memref_slice %arg9[%dma_start3A_416, %dma_start3A_417, %dma_start3A_418] : memref<8x128x64xf32, #tpu.memory_space<vmem>> -> memref<1x128x64xf32, #tpu.memory_space<vmem>>
      %dma_start3A_420 = tpu.memref_squeeze %dma_start3A_419 : memref<1x128x64xf32, #tpu.memory_space<vmem>> -> memref<128x64xf32, #tpu.memory_space<vmem>>
      %dma_start3A_421 = arith.constant 0 : i32
      %dma_start3A_422 = tpu.memref_slice %arg7[%min3A_415, %dma_start3A_421] : memref<80x128xi32, #tpu.memory_space<vmem>> -> memref<1x128xi32, #tpu.memory_space<vmem>>
      %dma_start3A_423 = tpu.memref_squeeze %dma_start3A_422 : memref<1x128xi32, #tpu.memory_space<vmem>> -> memref<128xi32, #tpu.memory_space<vmem>>
      %dma_start3A_424 = arith.constant 0 : i32
      %dma_start3A_425 = arith.constant 0 : i32
      %dma_start3A_426 = tpu.memref_slice %arg2[%dma_start3A_424, %dma_start3A_425] : memref<10000x64xf32, #tpu.memory_space<hbm>> -> memref<10000x64xf32, #tpu.memory_space<hbm>>
      tpu.enqueue_indirect_dma source(%dma_start3A_426 : memref<10000x64xf32, #tpu.memory_space<hbm>>) target(%dma_start3A_420 : memref<128x64xf32, #tpu.memory_space<vmem>>) offsets(%dma_start3A_423 : memref<128xi32, #tpu.memory_space<vmem>>) semaphore(%arg14 : memref<!tpu.dma_semaphore, #tpu.memory_space<semaphore_mem>>)
      %mul3A_427 = arith.constant 8 : i32
      %mul3A_428 = arith.muli %mul3A_427, %scan3A_203 : i32
      %add3A_429 = arith.constant 4 : i32
      %add3A_430 = arith.addi %mul3A_428, %add3A_429 : i32
      %dma_wait3A_431 = arith.constant 4 : i32
      %dma_wait3A_432 = arith.constant 0 : i32
      %dma_wait3A_433 = arith.constant 0 : i32
      %dma_wait3A_434 = tpu.memref_slice %arg9[%dma_wait3A_431, %dma_wait3A_432, %dma_wait3A_433] : memref<8x128x64xf32, #tpu.memory_space<vmem>> -> memref<1x128x64xf32, #tpu.memory_space<vmem>>
      %dma_wait3A_435 = tpu.memref_squeeze %dma_wait3A_434 : memref<1x128x64xf32, #tpu.memory_space<vmem>> -> memref<128x64xf32, #tpu.memory_space<vmem>>
      %dma_wait3A_436 = arith.constant 0 : i32
      %dma_wait3A_437 = tpu.memref_slice %arg7[%add3A_430, %dma_wait3A_436] : memref<80x128xi32, #tpu.memory_space<vmem>> -> memref<1x128xi32, #tpu.memory_space<vmem>>
      %dma_wait3A_438 = tpu.memref_squeeze %dma_wait3A_437 : memref<1x128xi32, #tpu.memory_space<vmem>> -> memref<128xi32, #tpu.memory_space<vmem>>
      %dma_wait3A_439 = arith.constant 0 : i32
      %dma_wait3A_440 = arith.constant 0 : i32
      %dma_wait3A_441 = tpu.memref_slice %arg2[%dma_wait3A_439, %dma_wait3A_440] : memref<10000x64xf32, #tpu.memory_space<hbm>> -> memref<10000x64xf32, #tpu.memory_space<hbm>>
      tpu.wait_indirect_dma semaphore(%arg15 : memref<!tpu.dma_semaphore, #tpu.memory_space<semaphore_mem>>) src(%dma_wait3A_441 : memref<10000x64xf32, #tpu.memory_space<hbm>>) dst(%dma_wait3A_435 : memref<128x64xf32, #tpu.memory_space<vmem>>)
      %dma_start3A_442 = arith.constant 4 : i32
      %dma_start3A_443 = arith.constant 0 : i32
      %dma_start3A_444 = arith.constant 0 : i32
      %dma_start3A_445 = tpu.memref_slice %arg9[%dma_start3A_442, %dma_start3A_443, %dma_start3A_444] : memref<8x128x64xf32, #tpu.memory_space<vmem>> -> memref<1x128x64xf32, #tpu.memory_space<vmem>>
      %dma_start3A_446 = tpu.memref_squeeze %dma_start3A_445 : memref<1x128x64xf32, #tpu.memory_space<vmem>> -> memref<128x64xf32, #tpu.memory_space<vmem>>
      %dma_start3A_447 = arith.constant 0 : i32
      %dma_start3A_448 = tpu.memref_slice %arg8[%add3A_430, %dma_start3A_447] : memref<80x128xi32, #tpu.memory_space<vmem>> -> memref<1x128xi32, #tpu.memory_space<vmem>>
      %dma_start3A_449 = tpu.memref_squeeze %dma_start3A_448 : memref<1x128xi32, #tpu.memory_space<vmem>> -> memref<128xi32, #tpu.memory_space<vmem>>
      %dma_start3A_450 = arith.constant 0 : i32
      %dma_start3A_451 = arith.constant 0 : i32
      %dma_start3A_452 = tpu.memref_slice %arg10[%dma_start3A_450, %dma_start3A_451] : memref<10112x64xf32, #tpu.memory_space<vmem_shared>> -> memref<10112x64xf32, #tpu.memory_space<vmem_shared>>
      tpu.enqueue_indirect_dma source(%dma_start3A_446 : memref<128x64xf32, #tpu.memory_space<vmem>>) target(%dma_start3A_452 : memref<10112x64xf32, #tpu.memory_space<vmem_shared>>) offsets(%dma_start3A_449 : memref<128xi32, #tpu.memory_space<vmem>>) semaphore(%arg23 : memref<!tpu.dma_semaphore, #tpu.memory_space<semaphore_mem>>) {add = true}
      %mul3A_453 = arith.constant 8 : i32
      %mul3A_454 = arith.muli %mul3A_453, %scan3A_203 : i32
      %add3A_455 = arith.constant 5 : i32
      %add3A_456 = arith.addi %mul3A_454, %add3A_455 : i32
      %dma_wait3A_457 = arith.constant 5 : i32
      %dma_wait3A_458 = arith.constant 0 : i32
      %dma_wait3A_459 = arith.constant 0 : i32
      %dma_wait3A_460 = tpu.memref_slice %arg9[%dma_wait3A_457, %dma_wait3A_458, %dma_wait3A_459] : memref<8x128x64xf32, #tpu.memory_space<vmem>> -> memref<1x128x64xf32, #tpu.memory_space<vmem>>
      %dma_wait3A_461 = tpu.memref_squeeze %dma_wait3A_460 : memref<1x128x64xf32, #tpu.memory_space<vmem>> -> memref<128x64xf32, #tpu.memory_space<vmem>>
      %dma_wait3A_462 = arith.constant 0 : i32
      %dma_wait3A_463 = tpu.memref_slice %arg7[%add3A_456, %dma_wait3A_462] : memref<80x128xi32, #tpu.memory_space<vmem>> -> memref<1x128xi32, #tpu.memory_space<vmem>>
      %dma_wait3A_464 = tpu.memref_squeeze %dma_wait3A_463 : memref<1x128xi32, #tpu.memory_space<vmem>> -> memref<128xi32, #tpu.memory_space<vmem>>
      %dma_wait3A_465 = arith.constant 0 : i32
      %dma_wait3A_466 = arith.constant 0 : i32
      %dma_wait3A_467 = tpu.memref_slice %arg2[%dma_wait3A_465, %dma_wait3A_466] : memref<10000x64xf32, #tpu.memory_space<hbm>> -> memref<10000x64xf32, #tpu.memory_space<hbm>>
      tpu.wait_indirect_dma semaphore(%arg16 : memref<!tpu.dma_semaphore, #tpu.memory_space<semaphore_mem>>) src(%dma_wait3A_467 : memref<10000x64xf32, #tpu.memory_space<hbm>>) dst(%dma_wait3A_461 : memref<128x64xf32, #tpu.memory_space<vmem>>)
      %dma_start3A_468 = arith.constant 5 : i32
      %dma_start3A_469 = arith.constant 0 : i32
      %dma_start3A_470 = arith.constant 0 : i32
      %dma_start3A_471 = tpu.memref_slice %arg9[%dma_start3A_468, %dma_start3A_469, %dma_start3A_470] : memref<8x128x64xf32, #tpu.memory_space<vmem>> -> memref<1x128x64xf32, #tpu.memory_space<vmem>>
      %dma_start3A_472 = tpu.memref_squeeze %dma_start3A_471 : memref<1x128x64xf32, #tpu.memory_space<vmem>> -> memref<128x64xf32, #tpu.memory_space<vmem>>
      %dma_start3A_473 = arith.constant 0 : i32
      %dma_start3A_474 = tpu.memref_slice %arg8[%add3A_456, %dma_start3A_473] : memref<80x128xi32, #tpu.memory_space<vmem>> -> memref<1x128xi32, #tpu.memory_space<vmem>>
      %dma_start3A_475 = tpu.memref_squeeze %dma_start3A_474 : memref<1x128xi32, #tpu.memory_space<vmem>> -> memref<128xi32, #tpu.memory_space<vmem>>
      %dma_start3A_476 = arith.constant 0 : i32
      %dma_start3A_477 = arith.constant 0 : i32
      %dma_start3A_478 = tpu.memref_slice %arg10[%dma_start3A_476, %dma_start3A_477] : memref<10112x64xf32, #tpu.memory_space<vmem_shared>> -> memref<10112x64xf32, #tpu.memory_space<vmem_shared>>
      tpu.enqueue_indirect_dma source(%dma_start3A_472 : memref<128x64xf32, #tpu.memory_space<vmem>>) target(%dma_start3A_478 : memref<10112x64xf32, #tpu.memory_space<vmem_shared>>) offsets(%dma_start3A_475 : memref<128xi32, #tpu.memory_space<vmem>>) semaphore(%arg24 : memref<!tpu.dma_semaphore, #tpu.memory_space<semaphore_mem>>) {add = true}
      %mul3A_479 = arith.constant 8 : i32
      %mul3A_480 = arith.muli %mul3A_479, %scan3A_203 : i32
      %add3A_481 = arith.constant 6 : i32
      %add3A_482 = arith.addi %mul3A_480, %add3A_481 : i32
      %dma_wait3A_483 = arith.constant 6 : i32
      %dma_wait3A_484 = arith.constant 0 : i32
      %dma_wait3A_485 = arith.constant 0 : i32
      %dma_wait3A_486 = tpu.memref_slice %arg9[%dma_wait3A_483, %dma_wait3A_484, %dma_wait3A_485] : memref<8x128x64xf32, #tpu.memory_space<vmem>> -> memref<1x128x64xf32, #tpu.memory_space<vmem>>
      %dma_wait3A_487 = tpu.memref_squeeze %dma_wait3A_486 : memref<1x128x64xf32, #tpu.memory_space<vmem>> -> memref<128x64xf32, #tpu.memory_space<vmem>>
      %dma_wait3A_488 = arith.constant 0 : i32
      %dma_wait3A_489 = tpu.memref_slice %arg7[%add3A_482, %dma_wait3A_488] : memref<80x128xi32, #tpu.memory_space<vmem>> -> memref<1x128xi32, #tpu.memory_space<vmem>>
      %dma_wait3A_490 = tpu.memref_squeeze %dma_wait3A_489 : memref<1x128xi32, #tpu.memory_space<vmem>> -> memref<128xi32, #tpu.memory_space<vmem>>
      %dma_wait3A_491 = arith.constant 0 : i32
      %dma_wait3A_492 = arith.constant 0 : i32
      %dma_wait3A_493 = tpu.memref_slice %arg2[%dma_wait3A_491, %dma_wait3A_492] : memref<10000x64xf32, #tpu.memory_space<hbm>> -> memref<10000x64xf32, #tpu.memory_space<hbm>>
      tpu.wait_indirect_dma semaphore(%arg17 : memref<!tpu.dma_semaphore, #tpu.memory_space<semaphore_mem>>) src(%dma_wait3A_493 : memref<10000x64xf32, #tpu.memory_space<hbm>>) dst(%dma_wait3A_487 : memref<128x64xf32, #tpu.memory_space<vmem>>)
      %dma_start3A_494 = arith.constant 6 : i32
      %dma_start3A_495 = arith.constant 0 : i32
      %dma_start3A_496 = arith.constant 0 : i32
      %dma_start3A_497 = tpu.memref_slice %arg9[%dma_start3A_494, %dma_start3A_495, %dma_start3A_496] : memref<8x128x64xf32, #tpu.memory_space<vmem>> -> memref<1x128x64xf32, #tpu.memory_space<vmem>>
      %dma_start3A_498 = tpu.memref_squeeze %dma_start3A_497 : memref<1x128x64xf32, #tpu.memory_space<vmem>> -> memref<128x64xf32, #tpu.memory_space<vmem>>
      %dma_start3A_499 = arith.constant 0 : i32
      %dma_start3A_500 = tpu.memref_slice %arg8[%add3A_482, %dma_start3A_499] : memref<80x128xi32, #tpu.memory_space<vmem>> -> memref<1x128xi32, #tpu.memory_space<vmem>>
      %dma_start3A_501 = tpu.memref_squeeze %dma_start3A_500 : memref<1x128xi32, #tpu.memory_space<vmem>> -> memref<128xi32, #tpu.memory_space<vmem>>
      %dma_start3A_502 = arith.constant 0 : i32
      %dma_start3A_503 = arith.constant 0 : i32
      %dma_start3A_504 = tpu.memref_slice %arg10[%dma_start3A_502, %dma_start3A_503] : memref<10112x64xf32, #tpu.memory_space<vmem_shared>> -> memref<10112x64xf32, #tpu.memory_space<vmem_shared>>
      tpu.enqueue_indirect_dma source(%dma_start3A_498 : memref<128x64xf32, #tpu.memory_space<vmem>>) target(%dma_start3A_504 : memref<10112x64xf32, #tpu.memory_space<vmem_shared>>) offsets(%dma_start3A_501 : memref<128xi32, #tpu.memory_space<vmem>>) semaphore(%arg25 : memref<!tpu.dma_semaphore, #tpu.memory_space<semaphore_mem>>) {add = true}
      %mul3A_505 = arith.constant 8 : i32
      %mul3A_506 = arith.muli %mul3A_505, %scan3A_203 : i32
      %add3A_507 = arith.constant 7 : i32
      %add3A_508 = arith.addi %mul3A_506, %add3A_507 : i32
      %dma_wait3A_509 = arith.constant 7 : i32
      %dma_wait3A_510 = arith.constant 0 : i32
      %dma_wait3A_511 = arith.constant 0 : i32
      %dma_wait3A_512 = tpu.memref_slice %arg9[%dma_wait3A_509, %dma_wait3A_510, %dma_wait3A_511] : memref<8x128x64xf32, #tpu.memory_space<vmem>> -> memref<1x128x64xf32, #tpu.memory_space<vmem>>
      %dma_wait3A_513 = tpu.memref_squeeze %dma_wait3A_512 : memref<1x128x64xf32, #tpu.memory_space<vmem>> -> memref<128x64xf32, #tpu.memory_space<vmem>>
      %dma_wait3A_514 = arith.constant 0 : i32
      %dma_wait3A_515 = tpu.memref_slice %arg7[%add3A_508, %dma_wait3A_514] : memref<80x128xi32, #tpu.memory_space<vmem>> -> memref<1x128xi32, #tpu.memory_space<vmem>>
      %dma_wait3A_516 = tpu.memref_squeeze %dma_wait3A_515 : memref<1x128xi32, #tpu.memory_space<vmem>> -> memref<128xi32, #tpu.memory_space<vmem>>
      %dma_wait3A_517 = arith.constant 0 : i32
      %dma_wait3A_518 = arith.constant 0 : i32
      %dma_wait3A_519 = tpu.memref_slice %arg2[%dma_wait3A_517, %dma_wait3A_518] : memref<10000x64xf32, #tpu.memory_space<hbm>> -> memref<10000x64xf32, #tpu.memory_space<hbm>>
      tpu.wait_indirect_dma semaphore(%arg18 : memref<!tpu.dma_semaphore, #tpu.memory_space<semaphore_mem>>) src(%dma_wait3A_519 : memref<10000x64xf32, #tpu.memory_space<hbm>>) dst(%dma_wait3A_513 : memref<128x64xf32, #tpu.memory_space<vmem>>)
      %dma_start3A_520 = arith.constant 7 : i32
      %dma_start3A_521 = arith.constant 0 : i32
      %dma_start3A_522 = arith.constant 0 : i32
      %dma_start3A_523 = tpu.memref_slice %arg9[%dma_start3A_520, %dma_start3A_521, %dma_start3A_522] : memref<8x128x64xf32, #tpu.memory_space<vmem>> -> memref<1x128x64xf32, #tpu.memory_space<vmem>>
      %dma_start3A_524 = tpu.memref_squeeze %dma_start3A_523 : memref<1x128x64xf32, #tpu.memory_space<vmem>> -> memref<128x64xf32, #tpu.memory_space<vmem>>
      %dma_start3A_525 = arith.constant 0 : i32
      %dma_start3A_526 = tpu.memref_slice %arg8[%add3A_508, %dma_start3A_525] : memref<80x128xi32, #tpu.memory_space<vmem>> -> memref<1x128xi32, #tpu.memory_space<vmem>>
      %dma_start3A_527 = tpu.memref_squeeze %dma_start3A_526 : memref<1x128xi32, #tpu.memory_space<vmem>> -> memref<128xi32, #tpu.memory_space<vmem>>
      %dma_start3A_528 = arith.constant 0 : i32
      %dma_start3A_529 = arith.constant 0 : i32
      %dma_start3A_530 = tpu.memref_slice %arg10[%dma_start3A_528, %dma_start3A_529] : memref<10112x64xf32, #tpu.memory_space<vmem_shared>> -> memref<10112x64xf32, #tpu.memory_space<vmem_shared>>
      tpu.enqueue_indirect_dma source(%dma_start3A_524 : memref<128x64xf32, #tpu.memory_space<vmem>>) target(%dma_start3A_530 : memref<10112x64xf32, #tpu.memory_space<vmem_shared>>) offsets(%dma_start3A_527 : memref<128xi32, #tpu.memory_space<vmem>>) semaphore(%arg26 : memref<!tpu.dma_semaphore, #tpu.memory_space<semaphore_mem>>) {add = true}
      %mul3A_531 = arith.constant 8 : i32
      %mul3A_532 = arith.muli %mul3A_531, %scan3A_203 : i32
      %add3A_533 = arith.constant 4 : i32
      %add3A_534 = arith.addi %mul3A_532, %add3A_533 : i32
      %dma_wait3A_535 = arith.constant 4 : i32
      %dma_wait3A_536 = arith.constant 0 : i32
      %dma_wait3A_537 = arith.constant 0 : i32
      %dma_wait3A_538 = tpu.memref_slice %arg9[%dma_wait3A_535, %dma_wait3A_536, %dma_wait3A_537] : memref<8x128x64xf32, #tpu.memory_space<vmem>> -> memref<1x128x64xf32, #tpu.memory_space<vmem>>
      %dma_wait3A_539 = tpu.memref_squeeze %dma_wait3A_538 : memref<1x128x64xf32, #tpu.memory_space<vmem>> -> memref<128x64xf32, #tpu.memory_space<vmem>>
      %dma_wait3A_540 = arith.constant 0 : i32
      %dma_wait3A_541 = tpu.memref_slice %arg8[%add3A_534, %dma_wait3A_540] : memref<80x128xi32, #tpu.memory_space<vmem>> -> memref<1x128xi32, #tpu.memory_space<vmem>>
      %dma_wait3A_542 = tpu.memref_squeeze %dma_wait3A_541 : memref<1x128xi32, #tpu.memory_space<vmem>> -> memref<128xi32, #tpu.memory_space<vmem>>
      %dma_wait3A_543 = arith.constant 0 : i32
      %dma_wait3A_544 = arith.constant 0 : i32
      %dma_wait3A_545 = tpu.memref_slice %arg10[%dma_wait3A_543, %dma_wait3A_544] : memref<10112x64xf32, #tpu.memory_space<vmem_shared>> -> memref<10112x64xf32, #tpu.memory_space<vmem_shared>>
      tpu.wait_indirect_dma semaphore(%arg23 : memref<!tpu.dma_semaphore, #tpu.memory_space<semaphore_mem>>) src(%dma_wait3A_539 : memref<128x64xf32, #tpu.memory_space<vmem>>) dst(%dma_wait3A_545 : memref<10112x64xf32, #tpu.memory_space<vmem_shared>>)
      %add3A_546 = arith.constant 8 : i32
      %add3A_547 = arith.addi %add3A_534, %add3A_546 : i32
      %min3A_548 = arith.constant 79 : i32
      %min3A_549 = arith.minsi %add3A_547, %min3A_548 : i32
      %dma_start3A_550 = arith.constant 4 : i32
      %dma_start3A_551 = arith.constant 0 : i32
      %dma_start3A_552 = arith.constant 0 : i32
      %dma_start3A_553 = tpu.memref_slice %arg9[%dma_start3A_550, %dma_start3A_551, %dma_start3A_552] : memref<8x128x64xf32, #tpu.memory_space<vmem>> -> memref<1x128x64xf32, #tpu.memory_space<vmem>>
      %dma_start3A_554 = tpu.memref_squeeze %dma_start3A_553 : memref<1x128x64xf32, #tpu.memory_space<vmem>> -> memref<128x64xf32, #tpu.memory_space<vmem>>
      %dma_start3A_555 = arith.constant 0 : i32
      %dma_start3A_556 = tpu.memref_slice %arg7[%min3A_549, %dma_start3A_555] : memref<80x128xi32, #tpu.memory_space<vmem>> -> memref<1x128xi32, #tpu.memory_space<vmem>>
      %dma_start3A_557 = tpu.memref_squeeze %dma_start3A_556 : memref<1x128xi32, #tpu.memory_space<vmem>> -> memref<128xi32, #tpu.memory_space<vmem>>
      %dma_start3A_558 = arith.constant 0 : i32
      %dma_start3A_559 = arith.constant 0 : i32
      %dma_start3A_560 = tpu.memref_slice %arg2[%dma_start3A_558, %dma_start3A_559] : memref<10000x64xf32, #tpu.memory_space<hbm>> -> memref<10000x64xf32, #tpu.memory_space<hbm>>
      tpu.enqueue_indirect_dma source(%dma_start3A_560 : memref<10000x64xf32, #tpu.memory_space<hbm>>) target(%dma_start3A_554 : memref<128x64xf32, #tpu.memory_space<vmem>>) offsets(%dma_start3A_557 : memref<128xi32, #tpu.memory_space<vmem>>) semaphore(%arg15 : memref<!tpu.dma_semaphore, #tpu.memory_space<semaphore_mem>>)
      %mul3A_561 = arith.constant 8 : i32
      %mul3A_562 = arith.muli %mul3A_561, %scan3A_203 : i32
      %add3A_563 = arith.constant 5 : i32
      %add3A_564 = arith.addi %mul3A_562, %add3A_563 : i32
      %dma_wait3A_565 = arith.constant 5 : i32
      %dma_wait3A_566 = arith.constant 0 : i32
      %dma_wait3A_567 = arith.constant 0 : i32
      %dma_wait3A_568 = tpu.memref_slice %arg9[%dma_wait3A_565, %dma_wait3A_566, %dma_wait3A_567] : memref<8x128x64xf32, #tpu.memory_space<vmem>> -> memref<1x128x64xf32, #tpu.memory_space<vmem>>
      %dma_wait3A_569 = tpu.memref_squeeze %dma_wait3A_568 : memref<1x128x64xf32, #tpu.memory_space<vmem>> -> memref<128x64xf32, #tpu.memory_space<vmem>>
      %dma_wait3A_570 = arith.constant 0 : i32
      %dma_wait3A_571 = tpu.memref_slice %arg8[%add3A_564, %dma_wait3A_570] : memref<80x128xi32, #tpu.memory_space<vmem>> -> memref<1x128xi32, #tpu.memory_space<vmem>>
      %dma_wait3A_572 = tpu.memref_squeeze %dma_wait3A_571 : memref<1x128xi32, #tpu.memory_space<vmem>> -> memref<128xi32, #tpu.memory_space<vmem>>
      %dma_wait3A_573 = arith.constant 0 : i32
      %dma_wait3A_574 = arith.constant 0 : i32
      %dma_wait3A_575 = tpu.memref_slice %arg10[%dma_wait3A_573, %dma_wait3A_574] : memref<10112x64xf32, #tpu.memory_space<vmem_shared>> -> memref<10112x64xf32, #tpu.memory_space<vmem_shared>>
      tpu.wait_indirect_dma semaphore(%arg24 : memref<!tpu.dma_semaphore, #tpu.memory_space<semaphore_mem>>) src(%dma_wait3A_569 : memref<128x64xf32, #tpu.memory_space<vmem>>) dst(%dma_wait3A_575 : memref<10112x64xf32, #tpu.memory_space<vmem_shared>>)
      %add3A_576 = arith.constant 8 : i32
      %add3A_577 = arith.addi %add3A_564, %add3A_576 : i32
      %min3A_578 = arith.constant 79 : i32
      %min3A_579 = arith.minsi %add3A_577, %min3A_578 : i32
      %dma_start3A_580 = arith.constant 5 : i32
      %dma_start3A_581 = arith.constant 0 : i32
      %dma_start3A_582 = arith.constant 0 : i32
      %dma_start3A_583 = tpu.memref_slice %arg9[%dma_start3A_580, %dma_start3A_581, %dma_start3A_582] : memref<8x128x64xf32, #tpu.memory_space<vmem>> -> memref<1x128x64xf32, #tpu.memory_space<vmem>>
      %dma_start3A_584 = tpu.memref_squeeze %dma_start3A_583 : memref<1x128x64xf32, #tpu.memory_space<vmem>> -> memref<128x64xf32, #tpu.memory_space<vmem>>
      %dma_start3A_585 = arith.constant 0 : i32
      %dma_start3A_586 = tpu.memref_slice %arg7[%min3A_579, %dma_start3A_585] : memref<80x128xi32, #tpu.memory_space<vmem>> -> memref<1x128xi32, #tpu.memory_space<vmem>>
      %dma_start3A_587 = tpu.memref_squeeze %dma_start3A_586 : memref<1x128xi32, #tpu.memory_space<vmem>> -> memref<128xi32, #tpu.memory_space<vmem>>
      %dma_start3A_588 = arith.constant 0 : i32
      %dma_start3A_589 = arith.constant 0 : i32
      %dma_start3A_590 = tpu.memref_slice %arg2[%dma_start3A_588, %dma_start3A_589] : memref<10000x64xf32, #tpu.memory_space<hbm>> -> memref<10000x64xf32, #tpu.memory_space<hbm>>
      tpu.enqueue_indirect_dma source(%dma_start3A_590 : memref<10000x64xf32, #tpu.memory_space<hbm>>) target(%dma_start3A_584 : memref<128x64xf32, #tpu.memory_space<vmem>>) offsets(%dma_start3A_587 : memref<128xi32, #tpu.memory_space<vmem>>) semaphore(%arg16 : memref<!tpu.dma_semaphore, #tpu.memory_space<semaphore_mem>>)
      %mul3A_591 = arith.constant 8 : i32
      %mul3A_592 = arith.muli %mul3A_591, %scan3A_203 : i32
      %add3A_593 = arith.constant 6 : i32
      %add3A_594 = arith.addi %mul3A_592, %add3A_593 : i32
      %dma_wait3A_595 = arith.constant 6 : i32
      %dma_wait3A_596 = arith.constant 0 : i32
      %dma_wait3A_597 = arith.constant 0 : i32
      %dma_wait3A_598 = tpu.memref_slice %arg9[%dma_wait3A_595, %dma_wait3A_596, %dma_wait3A_597] : memref<8x128x64xf32, #tpu.memory_space<vmem>> -> memref<1x128x64xf32, #tpu.memory_space<vmem>>
      %dma_wait3A_599 = tpu.memref_squeeze %dma_wait3A_598 : memref<1x128x64xf32, #tpu.memory_space<vmem>> -> memref<128x64xf32, #tpu.memory_space<vmem>>
      %dma_wait3A_600 = arith.constant 0 : i32
      %dma_wait3A_601 = tpu.memref_slice %arg8[%add3A_594, %dma_wait3A_600] : memref<80x128xi32, #tpu.memory_space<vmem>> -> memref<1x128xi32, #tpu.memory_space<vmem>>
      %dma_wait3A_602 = tpu.memref_squeeze %dma_wait3A_601 : memref<1x128xi32, #tpu.memory_space<vmem>> -> memref<128xi32, #tpu.memory_space<vmem>>
      %dma_wait3A_603 = arith.constant 0 : i32
      %dma_wait3A_604 = arith.constant 0 : i32
      %dma_wait3A_605 = tpu.memref_slice %arg10[%dma_wait3A_603, %dma_wait3A_604] : memref<10112x64xf32, #tpu.memory_space<vmem_shared>> -> memref<10112x64xf32, #tpu.memory_space<vmem_shared>>
      tpu.wait_indirect_dma semaphore(%arg25 : memref<!tpu.dma_semaphore, #tpu.memory_space<semaphore_mem>>) src(%dma_wait3A_599 : memref<128x64xf32, #tpu.memory_space<vmem>>) dst(%dma_wait3A_605 : memref<10112x64xf32, #tpu.memory_space<vmem_shared>>)
      %add3A_606 = arith.constant 8 : i32
      %add3A_607 = arith.addi %add3A_594, %add3A_606 : i32
      %min3A_608 = arith.constant 79 : i32
      %min3A_609 = arith.minsi %add3A_607, %min3A_608 : i32
      %dma_start3A_610 = arith.constant 6 : i32
      %dma_start3A_611 = arith.constant 0 : i32
      %dma_start3A_612 = arith.constant 0 : i32
      %dma_start3A_613 = tpu.memref_slice %arg9[%dma_start3A_610, %dma_start3A_611, %dma_start3A_612] : memref<8x128x64xf32, #tpu.memory_space<vmem>> -> memref<1x128x64xf32, #tpu.memory_space<vmem>>
      %dma_start3A_614 = tpu.memref_squeeze %dma_start3A_613 : memref<1x128x64xf32, #tpu.memory_space<vmem>> -> memref<128x64xf32, #tpu.memory_space<vmem>>
      %dma_start3A_615 = arith.constant 0 : i32
      %dma_start3A_616 = tpu.memref_slice %arg7[%min3A_609, %dma_start3A_615] : memref<80x128xi32, #tpu.memory_space<vmem>> -> memref<1x128xi32, #tpu.memory_space<vmem>>
      %dma_start3A_617 = tpu.memref_squeeze %dma_start3A_616 : memref<1x128xi32, #tpu.memory_space<vmem>> -> memref<128xi32, #tpu.memory_space<vmem>>
      %dma_start3A_618 = arith.constant 0 : i32
      %dma_start3A_619 = arith.constant 0 : i32
      %dma_start3A_620 = tpu.memref_slice %arg2[%dma_start3A_618, %dma_start3A_619] : memref<10000x64xf32, #tpu.memory_space<hbm>> -> memref<10000x64xf32, #tpu.memory_space<hbm>>
      tpu.enqueue_indirect_dma source(%dma_start3A_620 : memref<10000x64xf32, #tpu.memory_space<hbm>>) target(%dma_start3A_614 : memref<128x64xf32, #tpu.memory_space<vmem>>) offsets(%dma_start3A_617 : memref<128xi32, #tpu.memory_space<vmem>>) semaphore(%arg17 : memref<!tpu.dma_semaphore, #tpu.memory_space<semaphore_mem>>)
      %mul3A_621 = arith.constant 8 : i32
      %mul3A_622 = arith.muli %mul3A_621, %scan3A_203 : i32
      %add3A_623 = arith.constant 7 : i32
      %add3A_624 = arith.addi %mul3A_622, %add3A_623 : i32
      %dma_wait3A_625 = arith.constant 7 : i32
      %dma_wait3A_626 = arith.constant 0 : i32
      %dma_wait3A_627 = arith.constant 0 : i32
      %dma_wait3A_628 = tpu.memref_slice %arg9[%dma_wait3A_625, %dma_wait3A_626, %dma_wait3A_627] : memref<8x128x64xf32, #tpu.memory_space<vmem>> -> memref<1x128x64xf32, #tpu.memory_space<vmem>>
      %dma_wait3A_629 = tpu.memref_squeeze %dma_wait3A_628 : memref<1x128x64xf32, #tpu.memory_space<vmem>> -> memref<128x64xf32, #tpu.memory_space<vmem>>
      %dma_wait3A_630 = arith.constant 0 : i32
      %dma_wait3A_631 = tpu.memref_slice %arg8[%add3A_624, %dma_wait3A_630] : memref<80x128xi32, #tpu.memory_space<vmem>> -> memref<1x128xi32, #tpu.memory_space<vmem>>
      %dma_wait3A_632 = tpu.memref_squeeze %dma_wait3A_631 : memref<1x128xi32, #tpu.memory_space<vmem>> -> memref<128xi32, #tpu.memory_space<vmem>>
      %dma_wait3A_633 = arith.constant 0 : i32
      %dma_wait3A_634 = arith.constant 0 : i32
      %dma_wait3A_635 = tpu.memref_slice %arg10[%dma_wait3A_633, %dma_wait3A_634] : memref<10112x64xf32, #tpu.memory_space<vmem_shared>> -> memref<10112x64xf32, #tpu.memory_space<vmem_shared>>
      tpu.wait_indirect_dma semaphore(%arg26 : memref<!tpu.dma_semaphore, #tpu.memory_space<semaphore_mem>>) src(%dma_wait3A_629 : memref<128x64xf32, #tpu.memory_space<vmem>>) dst(%dma_wait3A_635 : memref<10112x64xf32, #tpu.memory_space<vmem_shared>>)
      %add3A_636 = arith.constant 8 : i32
      %add3A_637 = arith.addi %add3A_624, %add3A_636 : i32
      %min3A_638 = arith.constant 79 : i32
      %min3A_639 = arith.minsi %add3A_637, %min3A_638 : i32
      %dma_start3A_640 = arith.constant 7 : i32
      %dma_start3A_641 = arith.constant 0 : i32
      %dma_start3A_642 = arith.constant 0 : i32
      %dma_start3A_643 = tpu.memref_slice %arg9[%dma_start3A_640, %dma_start3A_641, %dma_start3A_642] : memref<8x128x64xf32, #tpu.memory_space<vmem>> -> memref<1x128x64xf32, #tpu.memory_space<vmem>>
      %dma_start3A_644 = tpu.memref_squeeze %dma_start3A_643 : memref<1x128x64xf32, #tpu.memory_space<vmem>> -> memref<128x64xf32, #tpu.memory_space<vmem>>
      %dma_start3A_645 = arith.constant 0 : i32
      %dma_start3A_646 = tpu.memref_slice %arg7[%min3A_639, %dma_start3A_645] : memref<80x128xi32, #tpu.memory_space<vmem>> -> memref<1x128xi32, #tpu.memory_space<vmem>>
      %dma_start3A_647 = tpu.memref_squeeze %dma_start3A_646 : memref<1x128xi32, #tpu.memory_space<vmem>> -> memref<128xi32, #tpu.memory_space<vmem>>
      %dma_start3A_648 = arith.constant 0 : i32
      %dma_start3A_649 = arith.constant 0 : i32
      %dma_start3A_650 = tpu.memref_slice %arg2[%dma_start3A_648, %dma_start3A_649] : memref<10000x64xf32, #tpu.memory_space<hbm>> -> memref<10000x64xf32, #tpu.memory_space<hbm>>
      tpu.enqueue_indirect_dma source(%dma_start3A_650 : memref<10000x64xf32, #tpu.memory_space<hbm>>) target(%dma_start3A_644 : memref<128x64xf32, #tpu.memory_space<vmem>>) offsets(%dma_start3A_647 : memref<128xi32, #tpu.memory_space<vmem>>) semaphore(%arg18 : memref<!tpu.dma_semaphore, #tpu.memory_space<semaphore_mem>>)
    }
    %scan3A_102 = arith.constant 10 : i32
    %dma_wait3A = arith.constant 0 : i32
    %dma_wait3A_103 = arith.constant 0 : i32
    %dma_wait3A_104 = arith.constant 0 : i32
    %dma_wait3A_105 = arith.constant 0 : i32
    %dma_wait3A_106 = tpu.memref_slice %arg9[%dma_wait3A_103, %dma_wait3A_104, %dma_wait3A_105] : memref<8x128x64xf32, #tpu.memory_space<vmem>> -> memref<1x128x64xf32, #tpu.memory_space<vmem>>
    %dma_wait3A_107 = tpu.memref_squeeze %dma_wait3A_106 : memref<1x128x64xf32, #tpu.memory_space<vmem>> -> memref<128x64xf32, #tpu.memory_space<vmem>>
    %dma_wait3A_108 = arith.constant 0 : i32
    %dma_wait3A_109 = tpu.memref_slice %arg7[%dma_wait3A, %dma_wait3A_108] : memref<80x128xi32, #tpu.memory_space<vmem>> -> memref<1x128xi32, #tpu.memory_space<vmem>>
    %dma_wait3A_110 = tpu.memref_squeeze %dma_wait3A_109 : memref<1x128xi32, #tpu.memory_space<vmem>> -> memref<128xi32, #tpu.memory_space<vmem>>
    %dma_wait3A_111 = arith.constant 0 : i32
    %dma_wait3A_112 = arith.constant 0 : i32
    %dma_wait3A_113 = tpu.memref_slice %arg2[%dma_wait3A_111, %dma_wait3A_112] : memref<10000x64xf32, #tpu.memory_space<hbm>> -> memref<10000x64xf32, #tpu.memory_space<hbm>>
    tpu.wait_indirect_dma semaphore(%arg11 : memref<!tpu.dma_semaphore, #tpu.memory_space<semaphore_mem>>) src(%dma_wait3A_113 : memref<10000x64xf32, #tpu.memory_space<hbm>>) dst(%dma_wait3A_107 : memref<128x64xf32, #tpu.memory_space<vmem>>)
    %dma_wait3A_114 = arith.constant 0 : i32
    %dma_wait3A_115 = arith.constant 1 : i32
    %dma_wait3A_116 = arith.constant 0 : i32
    %dma_wait3A_117 = arith.constant 0 : i32
    %dma_wait3A_118 = tpu.memref_slice %arg9[%dma_wait3A_115, %dma_wait3A_116, %dma_wait3A_117] : memref<8x128x64xf32, #tpu.memory_space<vmem>> -> memref<1x128x64xf32, #tpu.memory_space<vmem>>
    %dma_wait3A_119 = tpu.memref_squeeze %dma_wait3A_118 : memref<1x128x64xf32, #tpu.memory_space<vmem>> -> memref<128x64xf32, #tpu.memory_space<vmem>>
    %dma_wait3A_120 = arith.constant 0 : i32
    %dma_wait3A_121 = tpu.memref_slice %arg7[%dma_wait3A_114, %dma_wait3A_120] : memref<80x128xi32, #tpu.memory_space<vmem>> -> memref<1x128xi32, #tpu.memory_space<vmem>>
    %dma_wait3A_122 = tpu.memref_squeeze %dma_wait3A_121 : memref<1x128xi32, #tpu.memory_space<vmem>> -> memref<128xi32, #tpu.memory_space<vmem>>
    %dma_wait3A_123 = arith.constant 0 : i32
    %dma_wait3A_124 = arith.constant 0 : i32
    %dma_wait3A_125 = tpu.memref_slice %arg2[%dma_wait3A_123, %dma_wait3A_124] : memref<10000x64xf32, #tpu.memory_space<hbm>> -> memref<10000x64xf32, #tpu.memory_space<hbm>>
    tpu.wait_indirect_dma semaphore(%arg12 : memref<!tpu.dma_semaphore, #tpu.memory_space<semaphore_mem>>) src(%dma_wait3A_125 : memref<10000x64xf32, #tpu.memory_space<hbm>>) dst(%dma_wait3A_119 : memref<128x64xf32, #tpu.memory_space<vmem>>)
    %dma_wait3A_126 = arith.constant 0 : i32
    %dma_wait3A_127 = arith.constant 2 : i32
    %dma_wait3A_128 = arith.constant 0 : i32
    %dma_wait3A_129 = arith.constant 0 : i32
    %dma_wait3A_130 = tpu.memref_slice %arg9[%dma_wait3A_127, %dma_wait3A_128, %dma_wait3A_129] : memref<8x128x64xf32, #tpu.memory_space<vmem>> -> memref<1x128x64xf32, #tpu.memory_space<vmem>>
    %dma_wait3A_131 = tpu.memref_squeeze %dma_wait3A_130 : memref<1x128x64xf32, #tpu.memory_space<vmem>> -> memref<128x64xf32, #tpu.memory_space<vmem>>
    %dma_wait3A_132 = arith.constant 0 : i32
    %dma_wait3A_133 = tpu.memref_slice %arg7[%dma_wait3A_126, %dma_wait3A_132] : memref<80x128xi32, #tpu.memory_space<vmem>> -> memref<1x128xi32, #tpu.memory_space<vmem>>
    %dma_wait3A_134 = tpu.memref_squeeze %dma_wait3A_133 : memref<1x128xi32, #tpu.memory_space<vmem>> -> memref<128xi32, #tpu.memory_space<vmem>>
    %dma_wait3A_135 = arith.constant 0 : i32
    %dma_wait3A_136 = arith.constant 0 : i32
    %dma_wait3A_137 = tpu.memref_slice %arg2[%dma_wait3A_135, %dma_wait3A_136] : memref<10000x64xf32, #tpu.memory_space<hbm>> -> memref<10000x64xf32, #tpu.memory_space<hbm>>
    tpu.wait_indirect_dma semaphore(%arg13 : memref<!tpu.dma_semaphore, #tpu.memory_space<semaphore_mem>>) src(%dma_wait3A_137 : memref<10000x64xf32, #tpu.memory_space<hbm>>) dst(%dma_wait3A_131 : memref<128x64xf32, #tpu.memory_space<vmem>>)
    %dma_wait3A_138 = arith.constant 0 : i32
    %dma_wait3A_139 = arith.constant 3 : i32
    %dma_wait3A_140 = arith.constant 0 : i32
    %dma_wait3A_141 = arith.constant 0 : i32
    %dma_wait3A_142 = tpu.memref_slice %arg9[%dma_wait3A_139, %dma_wait3A_140, %dma_wait3A_141] : memref<8x128x64xf32, #tpu.memory_space<vmem>> -> memref<1x128x64xf32, #tpu.memory_space<vmem>>
    %dma_wait3A_143 = tpu.memref_squeeze %dma_wait3A_142 : memref<1x128x64xf32, #tpu.memory_space<vmem>> -> memref<128x64xf32, #tpu.memory_space<vmem>>
    %dma_wait3A_144 = arith.constant 0 : i32
    %dma_wait3A_145 = tpu.memref_slice %arg7[%dma_wait3A_138, %dma_wait3A_144] : memref<80x128xi32, #tpu.memory_space<vmem>> -> memref<1x128xi32, #tpu.memory_space<vmem>>
    %dma_wait3A_146 = tpu.memref_squeeze %dma_wait3A_145 : memref<1x128xi32, #tpu.memory_space<vmem>> -> memref<128xi32, #tpu.memory_space<vmem>>
    %dma_wait3A_147 = arith.constant 0 : i32
    %dma_wait3A_148 = arith.constant 0 : i32
    %dma_wait3A_149 = tpu.memref_slice %arg2[%dma_wait3A_147, %dma_wait3A_148] : memref<10000x64xf32, #tpu.memory_space<hbm>> -> memref<10000x64xf32, #tpu.memory_space<hbm>>
    tpu.wait_indirect_dma semaphore(%arg14 : memref<!tpu.dma_semaphore, #tpu.memory_space<semaphore_mem>>) src(%dma_wait3A_149 : memref<10000x64xf32, #tpu.memory_space<hbm>>) dst(%dma_wait3A_143 : memref<128x64xf32, #tpu.memory_space<vmem>>)
    %dma_wait3A_150 = arith.constant 0 : i32
    %dma_wait3A_151 = arith.constant 4 : i32
    %dma_wait3A_152 = arith.constant 0 : i32
    %dma_wait3A_153 = arith.constant 0 : i32
    %dma_wait3A_154 = tpu.memref_slice %arg9[%dma_wait3A_151, %dma_wait3A_152, %dma_wait3A_153] : memref<8x128x64xf32, #tpu.memory_space<vmem>> -> memref<1x128x64xf32, #tpu.memory_space<vmem>>
    %dma_wait3A_155 = tpu.memref_squeeze %dma_wait3A_154 : memref<1x128x64xf32, #tpu.memory_space<vmem>> -> memref<128x64xf32, #tpu.memory_space<vmem>>
    %dma_wait3A_156 = arith.constant 0 : i32
    %dma_wait3A_157 = tpu.memref_slice %arg7[%dma_wait3A_150, %dma_wait3A_156] : memref<80x128xi32, #tpu.memory_space<vmem>> -> memref<1x128xi32, #tpu.memory_space<vmem>>
    %dma_wait3A_158 = tpu.memref_squeeze %dma_wait3A_157 : memref<1x128xi32, #tpu.memory_space<vmem>> -> memref<128xi32, #tpu.memory_space<vmem>>
    %dma_wait3A_159 = arith.constant 0 : i32
    %dma_wait3A_160 = arith.constant 0 : i32
    %dma_wait3A_161 = tpu.memref_slice %arg2[%dma_wait3A_159, %dma_wait3A_160] : memref<10000x64xf32, #tpu.memory_space<hbm>> -> memref<10000x64xf32, #tpu.memory_space<hbm>>
    tpu.wait_indirect_dma semaphore(%arg15 : memref<!tpu.dma_semaphore, #tpu.memory_space<semaphore_mem>>) src(%dma_wait3A_161 : memref<10000x64xf32, #tpu.memory_space<hbm>>) dst(%dma_wait3A_155 : memref<128x64xf32, #tpu.memory_space<vmem>>)
    %dma_wait3A_162 = arith.constant 0 : i32
    %dma_wait3A_163 = arith.constant 5 : i32
    %dma_wait3A_164 = arith.constant 0 : i32
    %dma_wait3A_165 = arith.constant 0 : i32
    %dma_wait3A_166 = tpu.memref_slice %arg9[%dma_wait3A_163, %dma_wait3A_164, %dma_wait3A_165] : memref<8x128x64xf32, #tpu.memory_space<vmem>> -> memref<1x128x64xf32, #tpu.memory_space<vmem>>
    %dma_wait3A_167 = tpu.memref_squeeze %dma_wait3A_166 : memref<1x128x64xf32, #tpu.memory_space<vmem>> -> memref<128x64xf32, #tpu.memory_space<vmem>>
    %dma_wait3A_168 = arith.constant 0 : i32
    %dma_wait3A_169 = tpu.memref_slice %arg7[%dma_wait3A_162, %dma_wait3A_168] : memref<80x128xi32, #tpu.memory_space<vmem>> -> memref<1x128xi32, #tpu.memory_space<vmem>>
    %dma_wait3A_170 = tpu.memref_squeeze %dma_wait3A_169 : memref<1x128xi32, #tpu.memory_space<vmem>> -> memref<128xi32, #tpu.memory_space<vmem>>
    %dma_wait3A_171 = arith.constant 0 : i32
    %dma_wait3A_172 = arith.constant 0 : i32
    %dma_wait3A_173 = tpu.memref_slice %arg2[%dma_wait3A_171, %dma_wait3A_172] : memref<10000x64xf32, #tpu.memory_space<hbm>> -> memref<10000x64xf32, #tpu.memory_space<hbm>>
    tpu.wait_indirect_dma semaphore(%arg16 : memref<!tpu.dma_semaphore, #tpu.memory_space<semaphore_mem>>) src(%dma_wait3A_173 : memref<10000x64xf32, #tpu.memory_space<hbm>>) dst(%dma_wait3A_167 : memref<128x64xf32, #tpu.memory_space<vmem>>)
    %dma_wait3A_174 = arith.constant 0 : i32
    %dma_wait3A_175 = arith.constant 6 : i32
    %dma_wait3A_176 = arith.constant 0 : i32
    %dma_wait3A_177 = arith.constant 0 : i32
    %dma_wait3A_178 = tpu.memref_slice %arg9[%dma_wait3A_175, %dma_wait3A_176, %dma_wait3A_177] : memref<8x128x64xf32, #tpu.memory_space<vmem>> -> memref<1x128x64xf32, #tpu.memory_space<vmem>>
    %dma_wait3A_179 = tpu.memref_squeeze %dma_wait3A_178 : memref<1x128x64xf32, #tpu.memory_space<vmem>> -> memref<128x64xf32, #tpu.memory_space<vmem>>
    %dma_wait3A_180 = arith.constant 0 : i32
    %dma_wait3A_181 = tpu.memref_slice %arg7[%dma_wait3A_174, %dma_wait3A_180] : memref<80x128xi32, #tpu.memory_space<vmem>> -> memref<1x128xi32, #tpu.memory_space<vmem>>
    %dma_wait3A_182 = tpu.memref_squeeze %dma_wait3A_181 : memref<1x128xi32, #tpu.memory_space<vmem>> -> memref<128xi32, #tpu.memory_space<vmem>>
    %dma_wait3A_183 = arith.constant 0 : i32
    %dma_wait3A_184 = arith.constant 0 : i32
    %dma_wait3A_185 = tpu.memref_slice %arg2[%dma_wait3A_183, %dma_wait3A_184] : memref<10000x64xf32, #tpu.memory_space<hbm>> -> memref<10000x64xf32, #tpu.memory_space<hbm>>
    tpu.wait_indirect_dma semaphore(%arg17 : memref<!tpu.dma_semaphore, #tpu.memory_space<semaphore_mem>>) src(%dma_wait3A_185 : memref<10000x64xf32, #tpu.memory_space<hbm>>) dst(%dma_wait3A_179 : memref<128x64xf32, #tpu.memory_space<vmem>>)
    %dma_wait3A_186 = arith.constant 0 : i32
    %dma_wait3A_187 = arith.constant 7 : i32
    %dma_wait3A_188 = arith.constant 0 : i32
    %dma_wait3A_189 = arith.constant 0 : i32
    %dma_wait3A_190 = tpu.memref_slice %arg9[%dma_wait3A_187, %dma_wait3A_188, %dma_wait3A_189] : memref<8x128x64xf32, #tpu.memory_space<vmem>> -> memref<1x128x64xf32, #tpu.memory_space<vmem>>
    %dma_wait3A_191 = tpu.memref_squeeze %dma_wait3A_190 : memref<1x128x64xf32, #tpu.memory_space<vmem>> -> memref<128x64xf32, #tpu.memory_space<vmem>>
    %dma_wait3A_192 = arith.constant 0 : i32
    %dma_wait3A_193 = tpu.memref_slice %arg7[%dma_wait3A_186, %dma_wait3A_192] : memref<80x128xi32, #tpu.memory_space<vmem>> -> memref<1x128xi32, #tpu.memory_space<vmem>>
    %dma_wait3A_194 = tpu.memref_squeeze %dma_wait3A_193 : memref<1x128xi32, #tpu.memory_space<vmem>> -> memref<128xi32, #tpu.memory_space<vmem>>
    %dma_wait3A_195 = arith.constant 0 : i32
    %dma_wait3A_196 = arith.constant 0 : i32
    %dma_wait3A_197 = tpu.memref_slice %arg2[%dma_wait3A_195, %dma_wait3A_196] : memref<10000x64xf32, #tpu.memory_space<hbm>> -> memref<10000x64xf32, #tpu.memory_space<hbm>>
    tpu.wait_indirect_dma semaphore(%arg18 : memref<!tpu.dma_semaphore, #tpu.memory_space<semaphore_mem>>) src(%dma_wait3A_197 : memref<10000x64xf32, #tpu.memory_space<hbm>>) dst(%dma_wait3A_191 : memref<128x64xf32, #tpu.memory_space<vmem>>)
    %barrier3A_198 = arith.constant 0 : index
    tpu.barrier barrier_id(%barrier3A_198)
    %mul3A_199 = arith.constant 632 : i32
    %mul3A_200 = arith.muli %arg1, %mul3A_199 : i32
    %mul3A_201 = arith.constant 632 : i32
    %mul3A_202 = arith.muli %arg1, %mul3A_201 : i32
    "tpu.region"() ({
      %run_scoped3A = tpu.sem_alloc : memref<!tpu.dma_semaphore, #tpu.memory_space<semaphore_mem>>
      %dma_start3A_203 = arith.constant 0 : i32
      %dma_start3A_204 = tpu.memref_slice %arg6[%arg0, %mul3A_202, %dma_start3A_203] : memref<2x10112x64xf32, #tpu.memory_space<hbm>> -> memref<1x632x64xf32, #tpu.memory_space<hbm>>
      %dma_start3A_205 = tpu.memref_squeeze %dma_start3A_204 : memref<1x632x64xf32, #tpu.memory_space<hbm>> -> memref<632x64xf32, #tpu.memory_space<hbm>>
      %dma_start3A_206 = arith.constant 0 : i32
      %dma_start3A_207 = tpu.memref_slice %arg10[%mul3A_200, %dma_start3A_206] : memref<10112x64xf32, #tpu.memory_space<vmem_shared>> -> memref<632x64xf32, #tpu.memory_space<vmem_shared>>
      tpu.enqueue_dma source(%dma_start3A_207 : memref<632x64xf32, #tpu.memory_space<vmem_shared>>) target(%dma_start3A_205 : memref<632x64xf32, #tpu.memory_space<hbm>>) target_semaphore(%run_scoped3A : memref<!tpu.dma_semaphore, #tpu.memory_space<semaphore_mem>>)
      %dma_wait3A_208 = arith.constant 0 : i32
      %dma_wait3A_209 = tpu.memref_slice %arg6[%arg0, %mul3A_202, %dma_wait3A_208] : memref<2x10112x64xf32, #tpu.memory_space<hbm>> -> memref<1x632x64xf32, #tpu.memory_space<hbm>>
      %dma_wait3A_210 = tpu.memref_squeeze %dma_wait3A_209 : memref<1x632x64xf32, #tpu.memory_space<hbm>> -> memref<632x64xf32, #tpu.memory_space<hbm>>
      %dma_wait3A_211 = arith.constant 0 : i32
      %dma_wait3A_212 = tpu.memref_slice %arg10[%mul3A_200, %dma_wait3A_211] : memref<10112x64xf32, #tpu.memory_space<vmem_shared>> -> memref<632x64xf32, #tpu.memory_space<vmem_shared>>
      tpu.wait_dma2 semaphore(%run_scoped3A : memref<!tpu.dma_semaphore, #tpu.memory_space<semaphore_mem>>) src(%dma_wait3A_212 : memref<632x64xf32, #tpu.memory_space<vmem_shared>>) dst(%dma_wait3A_210 : memref<632x64xf32, #tpu.memory_space<hbm>>)
      tpu.yield
    }) : () -> ()
    return
  }
}

#map = affine_map<(d0, d1) -> (0, 0)>
#map1 = affine_map<(d0, d1) -> (0, 0, 0)>
module attributes {stable_mosaic.version = 14 : i64} {
  func.func @agg(%arg0: i32, %arg1: i32, %arg2: memref<10000x48xf32, #tpu.memory_space<hbm>>, %arg3: memref<32x80x128xi32, #tpu.memory_space<hbm>>, %arg4: memref<32x80x128xi32, #tpu.memory_space<hbm>>, %arg5: memref<632x48xf32, #tpu.memory_space<hbm>>, %arg6: memref<2x10112x48xf32, #tpu.memory_space<hbm>>, %arg7: memref<80x128xi32, #tpu.memory_space<vmem>>, %arg8: memref<80x128xi32, #tpu.memory_space<vmem>>, %arg9: memref<8x128x48xf32, #tpu.memory_space<vmem>>, %arg10: memref<10112x48xf32, #tpu.memory_space<vmem_shared>>, %arg11: memref<!tpu.dma_semaphore, #tpu.memory_space<semaphore_mem>>, %arg12: memref<!tpu.dma_semaphore, #tpu.memory_space<semaphore_mem>>, %arg13: memref<!tpu.dma_semaphore, #tpu.memory_space<semaphore_mem>>, %arg14: memref<!tpu.dma_semaphore, #tpu.memory_space<semaphore_mem>>, %arg15: memref<!tpu.dma_semaphore, #tpu.memory_space<semaphore_mem>>, %arg16: memref<!tpu.dma_semaphore, #tpu.memory_space<semaphore_mem>>, %arg17: memref<!tpu.dma_semaphore, #tpu.memory_space<semaphore_mem>>, %arg18: memref<!tpu.dma_semaphore, #tpu.memory_space<semaphore_mem>>, %arg19: memref<!tpu.dma_semaphore, #tpu.memory_space<semaphore_mem>>, %arg20: memref<!tpu.dma_semaphore, #tpu.memory_space<semaphore_mem>>, %arg21: memref<!tpu.dma_semaphore, #tpu.memory_space<semaphore_mem>>, %arg22: memref<!tpu.dma_semaphore, #tpu.memory_space<semaphore_mem>>, %arg23: memref<!tpu.dma_semaphore, #tpu.memory_space<semaphore_mem>>, %arg24: memref<!tpu.dma_semaphore, #tpu.memory_space<semaphore_mem>>, %arg25: memref<!tpu.dma_semaphore, #tpu.memory_space<semaphore_mem>>, %arg26: memref<!tpu.dma_semaphore, #tpu.memory_space<semaphore_mem>>) attributes {dimension_semantics = [#tpu.dimension_semantics<core_parallel>, #tpu.dimension_semantics<subcore_parallel>], iteration_bounds = array<i64: 2, 16>, scalar_prefetch = 0 : i64, scratch_operands = 20 : i64, tpu.core_type = #tpu.core_type<sc_vector_subcore>, window_params = [{transform_indices = #map}, {transform_indices = #map1}, {transform_indices = #map1}, {transform_indices = #map}, {transform_indices = #map1}]} {
    %mul3A = arith.constant 2 : i32
    %mul3A_0 = arith.muli %arg1, %mul3A : i32
    %add3A = arith.addi %mul3A_0, %arg0 : i32
    "tpu.region"() ({
      %run_scoped3A = tpu.sem_alloc : memref<!tpu.dma_semaphore, #tpu.memory_space<semaphore_mem>>
      %dma_start3A_203 = arith.constant 0 : i32
      %dma_start3A_204 = arith.constant 0 : i32
      %dma_start3A_205 = tpu.memref_slice %arg3[%add3A, %dma_start3A_203, %dma_start3A_204] : memref<32x80x128xi32, #tpu.memory_space<hbm>> -> memref<1x80x128xi32, #tpu.memory_space<hbm>>
      %dma_start3A_206 = tpu.memref_squeeze %dma_start3A_205 : memref<1x80x128xi32, #tpu.memory_space<hbm>> -> memref<80x128xi32, #tpu.memory_space<hbm>>
      %dma_start3A_207 = arith.constant 0 : i32
      %dma_start3A_208 = arith.constant 0 : i32
      %dma_start3A_209 = tpu.memref_slice %arg3[%add3A, %dma_start3A_207, %dma_start3A_208] : memref<32x80x128xi32, #tpu.memory_space<hbm>> -> memref<1x80x128xi32, #tpu.memory_space<hbm>>
      %dma_start3A_210 = tpu.memref_squeeze %dma_start3A_209 : memref<1x80x128xi32, #tpu.memory_space<hbm>> -> memref<80x128xi32, #tpu.memory_space<hbm>>
      tpu.enqueue_dma source(%dma_start3A_210 : memref<80x128xi32, #tpu.memory_space<hbm>>) target(%arg7 : memref<80x128xi32, #tpu.memory_space<vmem>>) target_semaphore(%run_scoped3A : memref<!tpu.dma_semaphore, #tpu.memory_space<semaphore_mem>>)
      %dma_wait3A_211 = arith.constant 0 : i32
      %dma_wait3A_212 = arith.constant 0 : i32
      %dma_wait3A_213 = tpu.memref_slice %arg3[%add3A, %dma_wait3A_211, %dma_wait3A_212] : memref<32x80x128xi32, #tpu.memory_space<hbm>> -> memref<1x80x128xi32, #tpu.memory_space<hbm>>
      %dma_wait3A_214 = tpu.memref_squeeze %dma_wait3A_213 : memref<1x80x128xi32, #tpu.memory_space<hbm>> -> memref<80x128xi32, #tpu.memory_space<hbm>>
      %dma_wait3A_215 = arith.constant 0 : i32
      %dma_wait3A_216 = arith.constant 0 : i32
      %dma_wait3A_217 = tpu.memref_slice %arg3[%add3A, %dma_wait3A_215, %dma_wait3A_216] : memref<32x80x128xi32, #tpu.memory_space<hbm>> -> memref<1x80x128xi32, #tpu.memory_space<hbm>>
      %dma_wait3A_218 = tpu.memref_squeeze %dma_wait3A_217 : memref<1x80x128xi32, #tpu.memory_space<hbm>> -> memref<80x128xi32, #tpu.memory_space<hbm>>
      tpu.wait_dma2 semaphore(%run_scoped3A : memref<!tpu.dma_semaphore, #tpu.memory_space<semaphore_mem>>) src(%dma_wait3A_218 : memref<80x128xi32, #tpu.memory_space<hbm>>) dst(%arg7 : memref<80x128xi32, #tpu.memory_space<vmem>>)
      tpu.yield
    }) : () -> ()
    "tpu.region"() ({
      %run_scoped3A = tpu.sem_alloc : memref<!tpu.dma_semaphore, #tpu.memory_space<semaphore_mem>>
      %dma_start3A_203 = arith.constant 0 : i32
      %dma_start3A_204 = arith.constant 0 : i32
      %dma_start3A_205 = tpu.memref_slice %arg4[%add3A, %dma_start3A_203, %dma_start3A_204] : memref<32x80x128xi32, #tpu.memory_space<hbm>> -> memref<1x80x128xi32, #tpu.memory_space<hbm>>
      %dma_start3A_206 = tpu.memref_squeeze %dma_start3A_205 : memref<1x80x128xi32, #tpu.memory_space<hbm>> -> memref<80x128xi32, #tpu.memory_space<hbm>>
      %dma_start3A_207 = arith.constant 0 : i32
      %dma_start3A_208 = arith.constant 0 : i32
      %dma_start3A_209 = tpu.memref_slice %arg4[%add3A, %dma_start3A_207, %dma_start3A_208] : memref<32x80x128xi32, #tpu.memory_space<hbm>> -> memref<1x80x128xi32, #tpu.memory_space<hbm>>
      %dma_start3A_210 = tpu.memref_squeeze %dma_start3A_209 : memref<1x80x128xi32, #tpu.memory_space<hbm>> -> memref<80x128xi32, #tpu.memory_space<hbm>>
      tpu.enqueue_dma source(%dma_start3A_210 : memref<80x128xi32, #tpu.memory_space<hbm>>) target(%arg8 : memref<80x128xi32, #tpu.memory_space<vmem>>) target_semaphore(%run_scoped3A : memref<!tpu.dma_semaphore, #tpu.memory_space<semaphore_mem>>)
      %dma_wait3A_211 = arith.constant 0 : i32
      %dma_wait3A_212 = arith.constant 0 : i32
      %dma_wait3A_213 = tpu.memref_slice %arg4[%add3A, %dma_wait3A_211, %dma_wait3A_212] : memref<32x80x128xi32, #tpu.memory_space<hbm>> -> memref<1x80x128xi32, #tpu.memory_space<hbm>>
      %dma_wait3A_214 = tpu.memref_squeeze %dma_wait3A_213 : memref<1x80x128xi32, #tpu.memory_space<hbm>> -> memref<80x128xi32, #tpu.memory_space<hbm>>
      %dma_wait3A_215 = arith.constant 0 : i32
      %dma_wait3A_216 = arith.constant 0 : i32
      %dma_wait3A_217 = tpu.memref_slice %arg4[%add3A, %dma_wait3A_215, %dma_wait3A_216] : memref<32x80x128xi32, #tpu.memory_space<hbm>> -> memref<1x80x128xi32, #tpu.memory_space<hbm>>
      %dma_wait3A_218 = tpu.memref_squeeze %dma_wait3A_217 : memref<1x80x128xi32, #tpu.memory_space<hbm>> -> memref<80x128xi32, #tpu.memory_space<hbm>>
      tpu.wait_dma2 semaphore(%run_scoped3A : memref<!tpu.dma_semaphore, #tpu.memory_space<semaphore_mem>>) src(%dma_wait3A_218 : memref<80x128xi32, #tpu.memory_space<hbm>>) dst(%arg8 : memref<80x128xi32, #tpu.memory_space<vmem>>)
      tpu.yield
    }) : () -> ()
    %mul3A_1 = arith.constant 632 : i32
    %mul3A_2 = arith.muli %arg1, %mul3A_1 : i32
    "tpu.region"() ({
      %run_scoped3A = tpu.sem_alloc : memref<!tpu.dma_semaphore, #tpu.memory_space<semaphore_mem>>
      %dma_start3A_203 = arith.constant 0 : i32
      %dma_start3A_204 = tpu.memref_slice %arg10[%mul3A_2, %dma_start3A_203] : memref<10112x48xf32, #tpu.memory_space<vmem_shared>> -> memref<632x48xf32, #tpu.memory_space<vmem_shared>>
      tpu.enqueue_dma source(%arg5 : memref<632x48xf32, #tpu.memory_space<hbm>>) target(%dma_start3A_204 : memref<632x48xf32, #tpu.memory_space<vmem_shared>>) target_semaphore(%run_scoped3A : memref<!tpu.dma_semaphore, #tpu.memory_space<semaphore_mem>>)
      %dma_wait3A_205 = arith.constant 0 : i32
      %dma_wait3A_206 = tpu.memref_slice %arg10[%mul3A_2, %dma_wait3A_205] : memref<10112x48xf32, #tpu.memory_space<vmem_shared>> -> memref<632x48xf32, #tpu.memory_space<vmem_shared>>
      tpu.wait_dma2 semaphore(%run_scoped3A : memref<!tpu.dma_semaphore, #tpu.memory_space<semaphore_mem>>) src(%arg5 : memref<632x48xf32, #tpu.memory_space<hbm>>) dst(%dma_wait3A_206 : memref<632x48xf32, #tpu.memory_space<vmem_shared>>)
      tpu.yield
    }) : () -> ()
    %dma_start3A = arith.constant 0 : i32
    %dma_start3A_3 = arith.constant 0 : i32
    %dma_start3A_4 = arith.constant 0 : i32
    %dma_start3A_5 = arith.constant 0 : i32
    %dma_start3A_6 = tpu.memref_slice %arg9[%dma_start3A_3, %dma_start3A_4, %dma_start3A_5] : memref<8x128x48xf32, #tpu.memory_space<vmem>> -> memref<1x128x48xf32, #tpu.memory_space<vmem>>
    %dma_start3A_7 = tpu.memref_squeeze %dma_start3A_6 : memref<1x128x48xf32, #tpu.memory_space<vmem>> -> memref<128x48xf32, #tpu.memory_space<vmem>>
    %dma_start3A_8 = arith.constant 0 : i32
    %dma_start3A_9 = tpu.memref_slice %arg7[%dma_start3A, %dma_start3A_8] : memref<80x128xi32, #tpu.memory_space<vmem>> -> memref<1x128xi32, #tpu.memory_space<vmem>>
    %dma_start3A_10 = tpu.memref_squeeze %dma_start3A_9 : memref<1x128xi32, #tpu.memory_space<vmem>> -> memref<128xi32, #tpu.memory_space<vmem>>
    %dma_start3A_11 = arith.constant 0 : i32
    %dma_start3A_12 = arith.constant 0 : i32
    %dma_start3A_13 = tpu.memref_slice %arg2[%dma_start3A_11, %dma_start3A_12] : memref<10000x48xf32, #tpu.memory_space<hbm>> -> memref<10000x48xf32, #tpu.memory_space<hbm>>
    tpu.enqueue_indirect_dma source(%dma_start3A_13 : memref<10000x48xf32, #tpu.memory_space<hbm>>) target(%dma_start3A_7 : memref<128x48xf32, #tpu.memory_space<vmem>>) offsets(%dma_start3A_10 : memref<128xi32, #tpu.memory_space<vmem>>) semaphore(%arg11 : memref<!tpu.dma_semaphore, #tpu.memory_space<semaphore_mem>>)
    %dma_start3A_14 = arith.constant 1 : i32
    %dma_start3A_15 = arith.constant 1 : i32
    %dma_start3A_16 = arith.constant 0 : i32
    %dma_start3A_17 = arith.constant 0 : i32
    %dma_start3A_18 = tpu.memref_slice %arg9[%dma_start3A_15, %dma_start3A_16, %dma_start3A_17] : memref<8x128x48xf32, #tpu.memory_space<vmem>> -> memref<1x128x48xf32, #tpu.memory_space<vmem>>
    %dma_start3A_19 = tpu.memref_squeeze %dma_start3A_18 : memref<1x128x48xf32, #tpu.memory_space<vmem>> -> memref<128x48xf32, #tpu.memory_space<vmem>>
    %dma_start3A_20 = arith.constant 0 : i32
    %dma_start3A_21 = tpu.memref_slice %arg7[%dma_start3A_14, %dma_start3A_20] : memref<80x128xi32, #tpu.memory_space<vmem>> -> memref<1x128xi32, #tpu.memory_space<vmem>>
    %dma_start3A_22 = tpu.memref_squeeze %dma_start3A_21 : memref<1x128xi32, #tpu.memory_space<vmem>> -> memref<128xi32, #tpu.memory_space<vmem>>
    %dma_start3A_23 = arith.constant 0 : i32
    %dma_start3A_24 = arith.constant 0 : i32
    %dma_start3A_25 = tpu.memref_slice %arg2[%dma_start3A_23, %dma_start3A_24] : memref<10000x48xf32, #tpu.memory_space<hbm>> -> memref<10000x48xf32, #tpu.memory_space<hbm>>
    tpu.enqueue_indirect_dma source(%dma_start3A_25 : memref<10000x48xf32, #tpu.memory_space<hbm>>) target(%dma_start3A_19 : memref<128x48xf32, #tpu.memory_space<vmem>>) offsets(%dma_start3A_22 : memref<128xi32, #tpu.memory_space<vmem>>) semaphore(%arg12 : memref<!tpu.dma_semaphore, #tpu.memory_space<semaphore_mem>>)
    %dma_start3A_26 = arith.constant 2 : i32
    %dma_start3A_27 = arith.constant 2 : i32
    %dma_start3A_28 = arith.constant 0 : i32
    %dma_start3A_29 = arith.constant 0 : i32
    %dma_start3A_30 = tpu.memref_slice %arg9[%dma_start3A_27, %dma_start3A_28, %dma_start3A_29] : memref<8x128x48xf32, #tpu.memory_space<vmem>> -> memref<1x128x48xf32, #tpu.memory_space<vmem>>
    %dma_start3A_31 = tpu.memref_squeeze %dma_start3A_30 : memref<1x128x48xf32, #tpu.memory_space<vmem>> -> memref<128x48xf32, #tpu.memory_space<vmem>>
    %dma_start3A_32 = arith.constant 0 : i32
    %dma_start3A_33 = tpu.memref_slice %arg7[%dma_start3A_26, %dma_start3A_32] : memref<80x128xi32, #tpu.memory_space<vmem>> -> memref<1x128xi32, #tpu.memory_space<vmem>>
    %dma_start3A_34 = tpu.memref_squeeze %dma_start3A_33 : memref<1x128xi32, #tpu.memory_space<vmem>> -> memref<128xi32, #tpu.memory_space<vmem>>
    %dma_start3A_35 = arith.constant 0 : i32
    %dma_start3A_36 = arith.constant 0 : i32
    %dma_start3A_37 = tpu.memref_slice %arg2[%dma_start3A_35, %dma_start3A_36] : memref<10000x48xf32, #tpu.memory_space<hbm>> -> memref<10000x48xf32, #tpu.memory_space<hbm>>
    tpu.enqueue_indirect_dma source(%dma_start3A_37 : memref<10000x48xf32, #tpu.memory_space<hbm>>) target(%dma_start3A_31 : memref<128x48xf32, #tpu.memory_space<vmem>>) offsets(%dma_start3A_34 : memref<128xi32, #tpu.memory_space<vmem>>) semaphore(%arg13 : memref<!tpu.dma_semaphore, #tpu.memory_space<semaphore_mem>>)
    %dma_start3A_38 = arith.constant 3 : i32
    %dma_start3A_39 = arith.constant 3 : i32
    %dma_start3A_40 = arith.constant 0 : i32
    %dma_start3A_41 = arith.constant 0 : i32
    %dma_start3A_42 = tpu.memref_slice %arg9[%dma_start3A_39, %dma_start3A_40, %dma_start3A_41] : memref<8x128x48xf32, #tpu.memory_space<vmem>> -> memref<1x128x48xf32, #tpu.memory_space<vmem>>
    %dma_start3A_43 = tpu.memref_squeeze %dma_start3A_42 : memref<1x128x48xf32, #tpu.memory_space<vmem>> -> memref<128x48xf32, #tpu.memory_space<vmem>>
    %dma_start3A_44 = arith.constant 0 : i32
    %dma_start3A_45 = tpu.memref_slice %arg7[%dma_start3A_38, %dma_start3A_44] : memref<80x128xi32, #tpu.memory_space<vmem>> -> memref<1x128xi32, #tpu.memory_space<vmem>>
    %dma_start3A_46 = tpu.memref_squeeze %dma_start3A_45 : memref<1x128xi32, #tpu.memory_space<vmem>> -> memref<128xi32, #tpu.memory_space<vmem>>
    %dma_start3A_47 = arith.constant 0 : i32
    %dma_start3A_48 = arith.constant 0 : i32
    %dma_start3A_49 = tpu.memref_slice %arg2[%dma_start3A_47, %dma_start3A_48] : memref<10000x48xf32, #tpu.memory_space<hbm>> -> memref<10000x48xf32, #tpu.memory_space<hbm>>
    tpu.enqueue_indirect_dma source(%dma_start3A_49 : memref<10000x48xf32, #tpu.memory_space<hbm>>) target(%dma_start3A_43 : memref<128x48xf32, #tpu.memory_space<vmem>>) offsets(%dma_start3A_46 : memref<128xi32, #tpu.memory_space<vmem>>) semaphore(%arg14 : memref<!tpu.dma_semaphore, #tpu.memory_space<semaphore_mem>>)
    %dma_start3A_50 = arith.constant 4 : i32
    %dma_start3A_51 = arith.constant 4 : i32
    %dma_start3A_52 = arith.constant 0 : i32
    %dma_start3A_53 = arith.constant 0 : i32
    %dma_start3A_54 = tpu.memref_slice %arg9[%dma_start3A_51, %dma_start3A_52, %dma_start3A_53] : memref<8x128x48xf32, #tpu.memory_space<vmem>> -> memref<1x128x48xf32, #tpu.memory_space<vmem>>
    %dma_start3A_55 = tpu.memref_squeeze %dma_start3A_54 : memref<1x128x48xf32, #tpu.memory_space<vmem>> -> memref<128x48xf32, #tpu.memory_space<vmem>>
    %dma_start3A_56 = arith.constant 0 : i32
    %dma_start3A_57 = tpu.memref_slice %arg7[%dma_start3A_50, %dma_start3A_56] : memref<80x128xi32, #tpu.memory_space<vmem>> -> memref<1x128xi32, #tpu.memory_space<vmem>>
    %dma_start3A_58 = tpu.memref_squeeze %dma_start3A_57 : memref<1x128xi32, #tpu.memory_space<vmem>> -> memref<128xi32, #tpu.memory_space<vmem>>
    %dma_start3A_59 = arith.constant 0 : i32
    %dma_start3A_60 = arith.constant 0 : i32
    %dma_start3A_61 = tpu.memref_slice %arg2[%dma_start3A_59, %dma_start3A_60] : memref<10000x48xf32, #tpu.memory_space<hbm>> -> memref<10000x48xf32, #tpu.memory_space<hbm>>
    tpu.enqueue_indirect_dma source(%dma_start3A_61 : memref<10000x48xf32, #tpu.memory_space<hbm>>) target(%dma_start3A_55 : memref<128x48xf32, #tpu.memory_space<vmem>>) offsets(%dma_start3A_58 : memref<128xi32, #tpu.memory_space<vmem>>) semaphore(%arg15 : memref<!tpu.dma_semaphore, #tpu.memory_space<semaphore_mem>>)
    %dma_start3A_62 = arith.constant 5 : i32
    %dma_start3A_63 = arith.constant 5 : i32
    %dma_start3A_64 = arith.constant 0 : i32
    %dma_start3A_65 = arith.constant 0 : i32
    %dma_start3A_66 = tpu.memref_slice %arg9[%dma_start3A_63, %dma_start3A_64, %dma_start3A_65] : memref<8x128x48xf32, #tpu.memory_space<vmem>> -> memref<1x128x48xf32, #tpu.memory_space<vmem>>
    %dma_start3A_67 = tpu.memref_squeeze %dma_start3A_66 : memref<1x128x48xf32, #tpu.memory_space<vmem>> -> memref<128x48xf32, #tpu.memory_space<vmem>>
    %dma_start3A_68 = arith.constant 0 : i32
    %dma_start3A_69 = tpu.memref_slice %arg7[%dma_start3A_62, %dma_start3A_68] : memref<80x128xi32, #tpu.memory_space<vmem>> -> memref<1x128xi32, #tpu.memory_space<vmem>>
    %dma_start3A_70 = tpu.memref_squeeze %dma_start3A_69 : memref<1x128xi32, #tpu.memory_space<vmem>> -> memref<128xi32, #tpu.memory_space<vmem>>
    %dma_start3A_71 = arith.constant 0 : i32
    %dma_start3A_72 = arith.constant 0 : i32
    %dma_start3A_73 = tpu.memref_slice %arg2[%dma_start3A_71, %dma_start3A_72] : memref<10000x48xf32, #tpu.memory_space<hbm>> -> memref<10000x48xf32, #tpu.memory_space<hbm>>
    tpu.enqueue_indirect_dma source(%dma_start3A_73 : memref<10000x48xf32, #tpu.memory_space<hbm>>) target(%dma_start3A_67 : memref<128x48xf32, #tpu.memory_space<vmem>>) offsets(%dma_start3A_70 : memref<128xi32, #tpu.memory_space<vmem>>) semaphore(%arg16 : memref<!tpu.dma_semaphore, #tpu.memory_space<semaphore_mem>>)
    %dma_start3A_74 = arith.constant 6 : i32
    %dma_start3A_75 = arith.constant 6 : i32
    %dma_start3A_76 = arith.constant 0 : i32
    %dma_start3A_77 = arith.constant 0 : i32
    %dma_start3A_78 = tpu.memref_slice %arg9[%dma_start3A_75, %dma_start3A_76, %dma_start3A_77] : memref<8x128x48xf32, #tpu.memory_space<vmem>> -> memref<1x128x48xf32, #tpu.memory_space<vmem>>
    %dma_start3A_79 = tpu.memref_squeeze %dma_start3A_78 : memref<1x128x48xf32, #tpu.memory_space<vmem>> -> memref<128x48xf32, #tpu.memory_space<vmem>>
    %dma_start3A_80 = arith.constant 0 : i32
    %dma_start3A_81 = tpu.memref_slice %arg7[%dma_start3A_74, %dma_start3A_80] : memref<80x128xi32, #tpu.memory_space<vmem>> -> memref<1x128xi32, #tpu.memory_space<vmem>>
    %dma_start3A_82 = tpu.memref_squeeze %dma_start3A_81 : memref<1x128xi32, #tpu.memory_space<vmem>> -> memref<128xi32, #tpu.memory_space<vmem>>
    %dma_start3A_83 = arith.constant 0 : i32
    %dma_start3A_84 = arith.constant 0 : i32
    %dma_start3A_85 = tpu.memref_slice %arg2[%dma_start3A_83, %dma_start3A_84] : memref<10000x48xf32, #tpu.memory_space<hbm>> -> memref<10000x48xf32, #tpu.memory_space<hbm>>
    tpu.enqueue_indirect_dma source(%dma_start3A_85 : memref<10000x48xf32, #tpu.memory_space<hbm>>) target(%dma_start3A_79 : memref<128x48xf32, #tpu.memory_space<vmem>>) offsets(%dma_start3A_82 : memref<128xi32, #tpu.memory_space<vmem>>) semaphore(%arg17 : memref<!tpu.dma_semaphore, #tpu.memory_space<semaphore_mem>>)
    %dma_start3A_86 = arith.constant 7 : i32
    %dma_start3A_87 = arith.constant 7 : i32
    %dma_start3A_88 = arith.constant 0 : i32
    %dma_start3A_89 = arith.constant 0 : i32
    %dma_start3A_90 = tpu.memref_slice %arg9[%dma_start3A_87, %dma_start3A_88, %dma_start3A_89] : memref<8x128x48xf32, #tpu.memory_space<vmem>> -> memref<1x128x48xf32, #tpu.memory_space<vmem>>
    %dma_start3A_91 = tpu.memref_squeeze %dma_start3A_90 : memref<1x128x48xf32, #tpu.memory_space<vmem>> -> memref<128x48xf32, #tpu.memory_space<vmem>>
    %dma_start3A_92 = arith.constant 0 : i32
    %dma_start3A_93 = tpu.memref_slice %arg7[%dma_start3A_86, %dma_start3A_92] : memref<80x128xi32, #tpu.memory_space<vmem>> -> memref<1x128xi32, #tpu.memory_space<vmem>>
    %dma_start3A_94 = tpu.memref_squeeze %dma_start3A_93 : memref<1x128xi32, #tpu.memory_space<vmem>> -> memref<128xi32, #tpu.memory_space<vmem>>
    %dma_start3A_95 = arith.constant 0 : i32
    %dma_start3A_96 = arith.constant 0 : i32
    %dma_start3A_97 = tpu.memref_slice %arg2[%dma_start3A_95, %dma_start3A_96] : memref<10000x48xf32, #tpu.memory_space<hbm>> -> memref<10000x48xf32, #tpu.memory_space<hbm>>
    tpu.enqueue_indirect_dma source(%dma_start3A_97 : memref<10000x48xf32, #tpu.memory_space<hbm>>) target(%dma_start3A_91 : memref<128x48xf32, #tpu.memory_space<vmem>>) offsets(%dma_start3A_94 : memref<128xi32, #tpu.memory_space<vmem>>) semaphore(%arg18 : memref<!tpu.dma_semaphore, #tpu.memory_space<semaphore_mem>>)
    %barrier3A = arith.constant 0 : index
    tpu.barrier barrier_id(%barrier3A)
    %scan3A = arith.constant 0 : i32
    %scan3A_98 = arith.constant 0 : i32
    %scan3A_99 = arith.constant 10 : i32
    %scan3A_100 = arith.addi %scan3A_98, %scan3A_99 : i32
    %scan3A_101 = arith.constant 1 : i32
    scf.for %scan3A_203 = %scan3A_98 to %scan3A_100 step %scan3A_101  : i32 {
      %mul3A_204 = arith.constant 8 : i32
      %mul3A_205 = arith.muli %mul3A_204, %scan3A_203 : i32
      %add3A_206 = arith.constant 0 : i32
      %add3A_207 = arith.addi %mul3A_205, %add3A_206 : i32
      %dma_wait3A_208 = arith.constant 0 : i32
      %dma_wait3A_209 = arith.constant 0 : i32
      %dma_wait3A_210 = arith.constant 0 : i32
      %dma_wait3A_211 = tpu.memref_slice %arg9[%dma_wait3A_208, %dma_wait3A_209, %dma_wait3A_210] : memref<8x128x48xf32, #tpu.memory_space<vmem>> -> memref<1x128x48xf32, #tpu.memory_space<vmem>>
      %dma_wait3A_212 = tpu.memref_squeeze %dma_wait3A_211 : memref<1x128x48xf32, #tpu.memory_space<vmem>> -> memref<128x48xf32, #tpu.memory_space<vmem>>
      %dma_wait3A_213 = arith.constant 0 : i32
      %dma_wait3A_214 = tpu.memref_slice %arg7[%add3A_207, %dma_wait3A_213] : memref<80x128xi32, #tpu.memory_space<vmem>> -> memref<1x128xi32, #tpu.memory_space<vmem>>
      %dma_wait3A_215 = tpu.memref_squeeze %dma_wait3A_214 : memref<1x128xi32, #tpu.memory_space<vmem>> -> memref<128xi32, #tpu.memory_space<vmem>>
      %dma_wait3A_216 = arith.constant 0 : i32
      %dma_wait3A_217 = arith.constant 0 : i32
      %dma_wait3A_218 = tpu.memref_slice %arg2[%dma_wait3A_216, %dma_wait3A_217] : memref<10000x48xf32, #tpu.memory_space<hbm>> -> memref<10000x48xf32, #tpu.memory_space<hbm>>
      tpu.wait_indirect_dma semaphore(%arg11 : memref<!tpu.dma_semaphore, #tpu.memory_space<semaphore_mem>>) src(%dma_wait3A_218 : memref<10000x48xf32, #tpu.memory_space<hbm>>) dst(%dma_wait3A_212 : memref<128x48xf32, #tpu.memory_space<vmem>>)
      %dma_start3A_219 = arith.constant 0 : i32
      %dma_start3A_220 = arith.constant 0 : i32
      %dma_start3A_221 = arith.constant 0 : i32
      %dma_start3A_222 = tpu.memref_slice %arg9[%dma_start3A_219, %dma_start3A_220, %dma_start3A_221] : memref<8x128x48xf32, #tpu.memory_space<vmem>> -> memref<1x128x48xf32, #tpu.memory_space<vmem>>
      %dma_start3A_223 = tpu.memref_squeeze %dma_start3A_222 : memref<1x128x48xf32, #tpu.memory_space<vmem>> -> memref<128x48xf32, #tpu.memory_space<vmem>>
      %dma_start3A_224 = arith.constant 0 : i32
      %dma_start3A_225 = tpu.memref_slice %arg8[%add3A_207, %dma_start3A_224] : memref<80x128xi32, #tpu.memory_space<vmem>> -> memref<1x128xi32, #tpu.memory_space<vmem>>
      %dma_start3A_226 = tpu.memref_squeeze %dma_start3A_225 : memref<1x128xi32, #tpu.memory_space<vmem>> -> memref<128xi32, #tpu.memory_space<vmem>>
      %dma_start3A_227 = arith.constant 0 : i32
      %dma_start3A_228 = arith.constant 0 : i32
      %dma_start3A_229 = tpu.memref_slice %arg10[%dma_start3A_227, %dma_start3A_228] : memref<10112x48xf32, #tpu.memory_space<vmem_shared>> -> memref<10112x48xf32, #tpu.memory_space<vmem_shared>>
      tpu.enqueue_indirect_dma source(%dma_start3A_223 : memref<128x48xf32, #tpu.memory_space<vmem>>) target(%dma_start3A_229 : memref<10112x48xf32, #tpu.memory_space<vmem_shared>>) offsets(%dma_start3A_226 : memref<128xi32, #tpu.memory_space<vmem>>) semaphore(%arg19 : memref<!tpu.dma_semaphore, #tpu.memory_space<semaphore_mem>>) {add = true}
      %mul3A_230 = arith.constant 8 : i32
      %mul3A_231 = arith.muli %mul3A_230, %scan3A_203 : i32
      %add3A_232 = arith.constant 1 : i32
      %add3A_233 = arith.addi %mul3A_231, %add3A_232 : i32
      %dma_wait3A_234 = arith.constant 1 : i32
      %dma_wait3A_235 = arith.constant 0 : i32
      %dma_wait3A_236 = arith.constant 0 : i32
      %dma_wait3A_237 = tpu.memref_slice %arg9[%dma_wait3A_234, %dma_wait3A_235, %dma_wait3A_236] : memref<8x128x48xf32, #tpu.memory_space<vmem>> -> memref<1x128x48xf32, #tpu.memory_space<vmem>>
      %dma_wait3A_238 = tpu.memref_squeeze %dma_wait3A_237 : memref<1x128x48xf32, #tpu.memory_space<vmem>> -> memref<128x48xf32, #tpu.memory_space<vmem>>
      %dma_wait3A_239 = arith.constant 0 : i32
      %dma_wait3A_240 = tpu.memref_slice %arg7[%add3A_233, %dma_wait3A_239] : memref<80x128xi32, #tpu.memory_space<vmem>> -> memref<1x128xi32, #tpu.memory_space<vmem>>
      %dma_wait3A_241 = tpu.memref_squeeze %dma_wait3A_240 : memref<1x128xi32, #tpu.memory_space<vmem>> -> memref<128xi32, #tpu.memory_space<vmem>>
      %dma_wait3A_242 = arith.constant 0 : i32
      %dma_wait3A_243 = arith.constant 0 : i32
      %dma_wait3A_244 = tpu.memref_slice %arg2[%dma_wait3A_242, %dma_wait3A_243] : memref<10000x48xf32, #tpu.memory_space<hbm>> -> memref<10000x48xf32, #tpu.memory_space<hbm>>
      tpu.wait_indirect_dma semaphore(%arg12 : memref<!tpu.dma_semaphore, #tpu.memory_space<semaphore_mem>>) src(%dma_wait3A_244 : memref<10000x48xf32, #tpu.memory_space<hbm>>) dst(%dma_wait3A_238 : memref<128x48xf32, #tpu.memory_space<vmem>>)
      %dma_start3A_245 = arith.constant 1 : i32
      %dma_start3A_246 = arith.constant 0 : i32
      %dma_start3A_247 = arith.constant 0 : i32
      %dma_start3A_248 = tpu.memref_slice %arg9[%dma_start3A_245, %dma_start3A_246, %dma_start3A_247] : memref<8x128x48xf32, #tpu.memory_space<vmem>> -> memref<1x128x48xf32, #tpu.memory_space<vmem>>
      %dma_start3A_249 = tpu.memref_squeeze %dma_start3A_248 : memref<1x128x48xf32, #tpu.memory_space<vmem>> -> memref<128x48xf32, #tpu.memory_space<vmem>>
      %dma_start3A_250 = arith.constant 0 : i32
      %dma_start3A_251 = tpu.memref_slice %arg8[%add3A_233, %dma_start3A_250] : memref<80x128xi32, #tpu.memory_space<vmem>> -> memref<1x128xi32, #tpu.memory_space<vmem>>
      %dma_start3A_252 = tpu.memref_squeeze %dma_start3A_251 : memref<1x128xi32, #tpu.memory_space<vmem>> -> memref<128xi32, #tpu.memory_space<vmem>>
      %dma_start3A_253 = arith.constant 0 : i32
      %dma_start3A_254 = arith.constant 0 : i32
      %dma_start3A_255 = tpu.memref_slice %arg10[%dma_start3A_253, %dma_start3A_254] : memref<10112x48xf32, #tpu.memory_space<vmem_shared>> -> memref<10112x48xf32, #tpu.memory_space<vmem_shared>>
      tpu.enqueue_indirect_dma source(%dma_start3A_249 : memref<128x48xf32, #tpu.memory_space<vmem>>) target(%dma_start3A_255 : memref<10112x48xf32, #tpu.memory_space<vmem_shared>>) offsets(%dma_start3A_252 : memref<128xi32, #tpu.memory_space<vmem>>) semaphore(%arg20 : memref<!tpu.dma_semaphore, #tpu.memory_space<semaphore_mem>>) {add = true}
      %mul3A_256 = arith.constant 8 : i32
      %mul3A_257 = arith.muli %mul3A_256, %scan3A_203 : i32
      %add3A_258 = arith.constant 2 : i32
      %add3A_259 = arith.addi %mul3A_257, %add3A_258 : i32
      %dma_wait3A_260 = arith.constant 2 : i32
      %dma_wait3A_261 = arith.constant 0 : i32
      %dma_wait3A_262 = arith.constant 0 : i32
      %dma_wait3A_263 = tpu.memref_slice %arg9[%dma_wait3A_260, %dma_wait3A_261, %dma_wait3A_262] : memref<8x128x48xf32, #tpu.memory_space<vmem>> -> memref<1x128x48xf32, #tpu.memory_space<vmem>>
      %dma_wait3A_264 = tpu.memref_squeeze %dma_wait3A_263 : memref<1x128x48xf32, #tpu.memory_space<vmem>> -> memref<128x48xf32, #tpu.memory_space<vmem>>
      %dma_wait3A_265 = arith.constant 0 : i32
      %dma_wait3A_266 = tpu.memref_slice %arg7[%add3A_259, %dma_wait3A_265] : memref<80x128xi32, #tpu.memory_space<vmem>> -> memref<1x128xi32, #tpu.memory_space<vmem>>
      %dma_wait3A_267 = tpu.memref_squeeze %dma_wait3A_266 : memref<1x128xi32, #tpu.memory_space<vmem>> -> memref<128xi32, #tpu.memory_space<vmem>>
      %dma_wait3A_268 = arith.constant 0 : i32
      %dma_wait3A_269 = arith.constant 0 : i32
      %dma_wait3A_270 = tpu.memref_slice %arg2[%dma_wait3A_268, %dma_wait3A_269] : memref<10000x48xf32, #tpu.memory_space<hbm>> -> memref<10000x48xf32, #tpu.memory_space<hbm>>
      tpu.wait_indirect_dma semaphore(%arg13 : memref<!tpu.dma_semaphore, #tpu.memory_space<semaphore_mem>>) src(%dma_wait3A_270 : memref<10000x48xf32, #tpu.memory_space<hbm>>) dst(%dma_wait3A_264 : memref<128x48xf32, #tpu.memory_space<vmem>>)
      %dma_start3A_271 = arith.constant 2 : i32
      %dma_start3A_272 = arith.constant 0 : i32
      %dma_start3A_273 = arith.constant 0 : i32
      %dma_start3A_274 = tpu.memref_slice %arg9[%dma_start3A_271, %dma_start3A_272, %dma_start3A_273] : memref<8x128x48xf32, #tpu.memory_space<vmem>> -> memref<1x128x48xf32, #tpu.memory_space<vmem>>
      %dma_start3A_275 = tpu.memref_squeeze %dma_start3A_274 : memref<1x128x48xf32, #tpu.memory_space<vmem>> -> memref<128x48xf32, #tpu.memory_space<vmem>>
      %dma_start3A_276 = arith.constant 0 : i32
      %dma_start3A_277 = tpu.memref_slice %arg8[%add3A_259, %dma_start3A_276] : memref<80x128xi32, #tpu.memory_space<vmem>> -> memref<1x128xi32, #tpu.memory_space<vmem>>
      %dma_start3A_278 = tpu.memref_squeeze %dma_start3A_277 : memref<1x128xi32, #tpu.memory_space<vmem>> -> memref<128xi32, #tpu.memory_space<vmem>>
      %dma_start3A_279 = arith.constant 0 : i32
      %dma_start3A_280 = arith.constant 0 : i32
      %dma_start3A_281 = tpu.memref_slice %arg10[%dma_start3A_279, %dma_start3A_280] : memref<10112x48xf32, #tpu.memory_space<vmem_shared>> -> memref<10112x48xf32, #tpu.memory_space<vmem_shared>>
      tpu.enqueue_indirect_dma source(%dma_start3A_275 : memref<128x48xf32, #tpu.memory_space<vmem>>) target(%dma_start3A_281 : memref<10112x48xf32, #tpu.memory_space<vmem_shared>>) offsets(%dma_start3A_278 : memref<128xi32, #tpu.memory_space<vmem>>) semaphore(%arg21 : memref<!tpu.dma_semaphore, #tpu.memory_space<semaphore_mem>>) {add = true}
      %mul3A_282 = arith.constant 8 : i32
      %mul3A_283 = arith.muli %mul3A_282, %scan3A_203 : i32
      %add3A_284 = arith.constant 3 : i32
      %add3A_285 = arith.addi %mul3A_283, %add3A_284 : i32
      %dma_wait3A_286 = arith.constant 3 : i32
      %dma_wait3A_287 = arith.constant 0 : i32
      %dma_wait3A_288 = arith.constant 0 : i32
      %dma_wait3A_289 = tpu.memref_slice %arg9[%dma_wait3A_286, %dma_wait3A_287, %dma_wait3A_288] : memref<8x128x48xf32, #tpu.memory_space<vmem>> -> memref<1x128x48xf32, #tpu.memory_space<vmem>>
      %dma_wait3A_290 = tpu.memref_squeeze %dma_wait3A_289 : memref<1x128x48xf32, #tpu.memory_space<vmem>> -> memref<128x48xf32, #tpu.memory_space<vmem>>
      %dma_wait3A_291 = arith.constant 0 : i32
      %dma_wait3A_292 = tpu.memref_slice %arg7[%add3A_285, %dma_wait3A_291] : memref<80x128xi32, #tpu.memory_space<vmem>> -> memref<1x128xi32, #tpu.memory_space<vmem>>
      %dma_wait3A_293 = tpu.memref_squeeze %dma_wait3A_292 : memref<1x128xi32, #tpu.memory_space<vmem>> -> memref<128xi32, #tpu.memory_space<vmem>>
      %dma_wait3A_294 = arith.constant 0 : i32
      %dma_wait3A_295 = arith.constant 0 : i32
      %dma_wait3A_296 = tpu.memref_slice %arg2[%dma_wait3A_294, %dma_wait3A_295] : memref<10000x48xf32, #tpu.memory_space<hbm>> -> memref<10000x48xf32, #tpu.memory_space<hbm>>
      tpu.wait_indirect_dma semaphore(%arg14 : memref<!tpu.dma_semaphore, #tpu.memory_space<semaphore_mem>>) src(%dma_wait3A_296 : memref<10000x48xf32, #tpu.memory_space<hbm>>) dst(%dma_wait3A_290 : memref<128x48xf32, #tpu.memory_space<vmem>>)
      %dma_start3A_297 = arith.constant 3 : i32
      %dma_start3A_298 = arith.constant 0 : i32
      %dma_start3A_299 = arith.constant 0 : i32
      %dma_start3A_300 = tpu.memref_slice %arg9[%dma_start3A_297, %dma_start3A_298, %dma_start3A_299] : memref<8x128x48xf32, #tpu.memory_space<vmem>> -> memref<1x128x48xf32, #tpu.memory_space<vmem>>
      %dma_start3A_301 = tpu.memref_squeeze %dma_start3A_300 : memref<1x128x48xf32, #tpu.memory_space<vmem>> -> memref<128x48xf32, #tpu.memory_space<vmem>>
      %dma_start3A_302 = arith.constant 0 : i32
      %dma_start3A_303 = tpu.memref_slice %arg8[%add3A_285, %dma_start3A_302] : memref<80x128xi32, #tpu.memory_space<vmem>> -> memref<1x128xi32, #tpu.memory_space<vmem>>
      %dma_start3A_304 = tpu.memref_squeeze %dma_start3A_303 : memref<1x128xi32, #tpu.memory_space<vmem>> -> memref<128xi32, #tpu.memory_space<vmem>>
      %dma_start3A_305 = arith.constant 0 : i32
      %dma_start3A_306 = arith.constant 0 : i32
      %dma_start3A_307 = tpu.memref_slice %arg10[%dma_start3A_305, %dma_start3A_306] : memref<10112x48xf32, #tpu.memory_space<vmem_shared>> -> memref<10112x48xf32, #tpu.memory_space<vmem_shared>>
      tpu.enqueue_indirect_dma source(%dma_start3A_301 : memref<128x48xf32, #tpu.memory_space<vmem>>) target(%dma_start3A_307 : memref<10112x48xf32, #tpu.memory_space<vmem_shared>>) offsets(%dma_start3A_304 : memref<128xi32, #tpu.memory_space<vmem>>) semaphore(%arg22 : memref<!tpu.dma_semaphore, #tpu.memory_space<semaphore_mem>>) {add = true}
      %mul3A_308 = arith.constant 8 : i32
      %mul3A_309 = arith.muli %mul3A_308, %scan3A_203 : i32
      %add3A_310 = arith.constant 0 : i32
      %add3A_311 = arith.addi %mul3A_309, %add3A_310 : i32
      %dma_wait3A_312 = arith.constant 0 : i32
      %dma_wait3A_313 = arith.constant 0 : i32
      %dma_wait3A_314 = arith.constant 0 : i32
      %dma_wait3A_315 = tpu.memref_slice %arg9[%dma_wait3A_312, %dma_wait3A_313, %dma_wait3A_314] : memref<8x128x48xf32, #tpu.memory_space<vmem>> -> memref<1x128x48xf32, #tpu.memory_space<vmem>>
      %dma_wait3A_316 = tpu.memref_squeeze %dma_wait3A_315 : memref<1x128x48xf32, #tpu.memory_space<vmem>> -> memref<128x48xf32, #tpu.memory_space<vmem>>
      %dma_wait3A_317 = arith.constant 0 : i32
      %dma_wait3A_318 = tpu.memref_slice %arg8[%add3A_311, %dma_wait3A_317] : memref<80x128xi32, #tpu.memory_space<vmem>> -> memref<1x128xi32, #tpu.memory_space<vmem>>
      %dma_wait3A_319 = tpu.memref_squeeze %dma_wait3A_318 : memref<1x128xi32, #tpu.memory_space<vmem>> -> memref<128xi32, #tpu.memory_space<vmem>>
      %dma_wait3A_320 = arith.constant 0 : i32
      %dma_wait3A_321 = arith.constant 0 : i32
      %dma_wait3A_322 = tpu.memref_slice %arg10[%dma_wait3A_320, %dma_wait3A_321] : memref<10112x48xf32, #tpu.memory_space<vmem_shared>> -> memref<10112x48xf32, #tpu.memory_space<vmem_shared>>
      tpu.wait_indirect_dma semaphore(%arg19 : memref<!tpu.dma_semaphore, #tpu.memory_space<semaphore_mem>>) src(%dma_wait3A_316 : memref<128x48xf32, #tpu.memory_space<vmem>>) dst(%dma_wait3A_322 : memref<10112x48xf32, #tpu.memory_space<vmem_shared>>)
      %add3A_323 = arith.constant 8 : i32
      %add3A_324 = arith.addi %add3A_311, %add3A_323 : i32
      %min3A = arith.constant 79 : i32
      %min3A_325 = arith.minsi %add3A_324, %min3A : i32
      %dma_start3A_326 = arith.constant 0 : i32
      %dma_start3A_327 = arith.constant 0 : i32
      %dma_start3A_328 = arith.constant 0 : i32
      %dma_start3A_329 = tpu.memref_slice %arg9[%dma_start3A_326, %dma_start3A_327, %dma_start3A_328] : memref<8x128x48xf32, #tpu.memory_space<vmem>> -> memref<1x128x48xf32, #tpu.memory_space<vmem>>
      %dma_start3A_330 = tpu.memref_squeeze %dma_start3A_329 : memref<1x128x48xf32, #tpu.memory_space<vmem>> -> memref<128x48xf32, #tpu.memory_space<vmem>>
      %dma_start3A_331 = arith.constant 0 : i32
      %dma_start3A_332 = tpu.memref_slice %arg7[%min3A_325, %dma_start3A_331] : memref<80x128xi32, #tpu.memory_space<vmem>> -> memref<1x128xi32, #tpu.memory_space<vmem>>
      %dma_start3A_333 = tpu.memref_squeeze %dma_start3A_332 : memref<1x128xi32, #tpu.memory_space<vmem>> -> memref<128xi32, #tpu.memory_space<vmem>>
      %dma_start3A_334 = arith.constant 0 : i32
      %dma_start3A_335 = arith.constant 0 : i32
      %dma_start3A_336 = tpu.memref_slice %arg2[%dma_start3A_334, %dma_start3A_335] : memref<10000x48xf32, #tpu.memory_space<hbm>> -> memref<10000x48xf32, #tpu.memory_space<hbm>>
      tpu.enqueue_indirect_dma source(%dma_start3A_336 : memref<10000x48xf32, #tpu.memory_space<hbm>>) target(%dma_start3A_330 : memref<128x48xf32, #tpu.memory_space<vmem>>) offsets(%dma_start3A_333 : memref<128xi32, #tpu.memory_space<vmem>>) semaphore(%arg11 : memref<!tpu.dma_semaphore, #tpu.memory_space<semaphore_mem>>)
      %mul3A_337 = arith.constant 8 : i32
      %mul3A_338 = arith.muli %mul3A_337, %scan3A_203 : i32
      %add3A_339 = arith.constant 1 : i32
      %add3A_340 = arith.addi %mul3A_338, %add3A_339 : i32
      %dma_wait3A_341 = arith.constant 1 : i32
      %dma_wait3A_342 = arith.constant 0 : i32
      %dma_wait3A_343 = arith.constant 0 : i32
      %dma_wait3A_344 = tpu.memref_slice %arg9[%dma_wait3A_341, %dma_wait3A_342, %dma_wait3A_343] : memref<8x128x48xf32, #tpu.memory_space<vmem>> -> memref<1x128x48xf32, #tpu.memory_space<vmem>>
      %dma_wait3A_345 = tpu.memref_squeeze %dma_wait3A_344 : memref<1x128x48xf32, #tpu.memory_space<vmem>> -> memref<128x48xf32, #tpu.memory_space<vmem>>
      %dma_wait3A_346 = arith.constant 0 : i32
      %dma_wait3A_347 = tpu.memref_slice %arg8[%add3A_340, %dma_wait3A_346] : memref<80x128xi32, #tpu.memory_space<vmem>> -> memref<1x128xi32, #tpu.memory_space<vmem>>
      %dma_wait3A_348 = tpu.memref_squeeze %dma_wait3A_347 : memref<1x128xi32, #tpu.memory_space<vmem>> -> memref<128xi32, #tpu.memory_space<vmem>>
      %dma_wait3A_349 = arith.constant 0 : i32
      %dma_wait3A_350 = arith.constant 0 : i32
      %dma_wait3A_351 = tpu.memref_slice %arg10[%dma_wait3A_349, %dma_wait3A_350] : memref<10112x48xf32, #tpu.memory_space<vmem_shared>> -> memref<10112x48xf32, #tpu.memory_space<vmem_shared>>
      tpu.wait_indirect_dma semaphore(%arg20 : memref<!tpu.dma_semaphore, #tpu.memory_space<semaphore_mem>>) src(%dma_wait3A_345 : memref<128x48xf32, #tpu.memory_space<vmem>>) dst(%dma_wait3A_351 : memref<10112x48xf32, #tpu.memory_space<vmem_shared>>)
      %add3A_352 = arith.constant 8 : i32
      %add3A_353 = arith.addi %add3A_340, %add3A_352 : i32
      %min3A_354 = arith.constant 79 : i32
      %min3A_355 = arith.minsi %add3A_353, %min3A_354 : i32
      %dma_start3A_356 = arith.constant 1 : i32
      %dma_start3A_357 = arith.constant 0 : i32
      %dma_start3A_358 = arith.constant 0 : i32
      %dma_start3A_359 = tpu.memref_slice %arg9[%dma_start3A_356, %dma_start3A_357, %dma_start3A_358] : memref<8x128x48xf32, #tpu.memory_space<vmem>> -> memref<1x128x48xf32, #tpu.memory_space<vmem>>
      %dma_start3A_360 = tpu.memref_squeeze %dma_start3A_359 : memref<1x128x48xf32, #tpu.memory_space<vmem>> -> memref<128x48xf32, #tpu.memory_space<vmem>>
      %dma_start3A_361 = arith.constant 0 : i32
      %dma_start3A_362 = tpu.memref_slice %arg7[%min3A_355, %dma_start3A_361] : memref<80x128xi32, #tpu.memory_space<vmem>> -> memref<1x128xi32, #tpu.memory_space<vmem>>
      %dma_start3A_363 = tpu.memref_squeeze %dma_start3A_362 : memref<1x128xi32, #tpu.memory_space<vmem>> -> memref<128xi32, #tpu.memory_space<vmem>>
      %dma_start3A_364 = arith.constant 0 : i32
      %dma_start3A_365 = arith.constant 0 : i32
      %dma_start3A_366 = tpu.memref_slice %arg2[%dma_start3A_364, %dma_start3A_365] : memref<10000x48xf32, #tpu.memory_space<hbm>> -> memref<10000x48xf32, #tpu.memory_space<hbm>>
      tpu.enqueue_indirect_dma source(%dma_start3A_366 : memref<10000x48xf32, #tpu.memory_space<hbm>>) target(%dma_start3A_360 : memref<128x48xf32, #tpu.memory_space<vmem>>) offsets(%dma_start3A_363 : memref<128xi32, #tpu.memory_space<vmem>>) semaphore(%arg12 : memref<!tpu.dma_semaphore, #tpu.memory_space<semaphore_mem>>)
      %mul3A_367 = arith.constant 8 : i32
      %mul3A_368 = arith.muli %mul3A_367, %scan3A_203 : i32
      %add3A_369 = arith.constant 2 : i32
      %add3A_370 = arith.addi %mul3A_368, %add3A_369 : i32
      %dma_wait3A_371 = arith.constant 2 : i32
      %dma_wait3A_372 = arith.constant 0 : i32
      %dma_wait3A_373 = arith.constant 0 : i32
      %dma_wait3A_374 = tpu.memref_slice %arg9[%dma_wait3A_371, %dma_wait3A_372, %dma_wait3A_373] : memref<8x128x48xf32, #tpu.memory_space<vmem>> -> memref<1x128x48xf32, #tpu.memory_space<vmem>>
      %dma_wait3A_375 = tpu.memref_squeeze %dma_wait3A_374 : memref<1x128x48xf32, #tpu.memory_space<vmem>> -> memref<128x48xf32, #tpu.memory_space<vmem>>
      %dma_wait3A_376 = arith.constant 0 : i32
      %dma_wait3A_377 = tpu.memref_slice %arg8[%add3A_370, %dma_wait3A_376] : memref<80x128xi32, #tpu.memory_space<vmem>> -> memref<1x128xi32, #tpu.memory_space<vmem>>
      %dma_wait3A_378 = tpu.memref_squeeze %dma_wait3A_377 : memref<1x128xi32, #tpu.memory_space<vmem>> -> memref<128xi32, #tpu.memory_space<vmem>>
      %dma_wait3A_379 = arith.constant 0 : i32
      %dma_wait3A_380 = arith.constant 0 : i32
      %dma_wait3A_381 = tpu.memref_slice %arg10[%dma_wait3A_379, %dma_wait3A_380] : memref<10112x48xf32, #tpu.memory_space<vmem_shared>> -> memref<10112x48xf32, #tpu.memory_space<vmem_shared>>
      tpu.wait_indirect_dma semaphore(%arg21 : memref<!tpu.dma_semaphore, #tpu.memory_space<semaphore_mem>>) src(%dma_wait3A_375 : memref<128x48xf32, #tpu.memory_space<vmem>>) dst(%dma_wait3A_381 : memref<10112x48xf32, #tpu.memory_space<vmem_shared>>)
      %add3A_382 = arith.constant 8 : i32
      %add3A_383 = arith.addi %add3A_370, %add3A_382 : i32
      %min3A_384 = arith.constant 79 : i32
      %min3A_385 = arith.minsi %add3A_383, %min3A_384 : i32
      %dma_start3A_386 = arith.constant 2 : i32
      %dma_start3A_387 = arith.constant 0 : i32
      %dma_start3A_388 = arith.constant 0 : i32
      %dma_start3A_389 = tpu.memref_slice %arg9[%dma_start3A_386, %dma_start3A_387, %dma_start3A_388] : memref<8x128x48xf32, #tpu.memory_space<vmem>> -> memref<1x128x48xf32, #tpu.memory_space<vmem>>
      %dma_start3A_390 = tpu.memref_squeeze %dma_start3A_389 : memref<1x128x48xf32, #tpu.memory_space<vmem>> -> memref<128x48xf32, #tpu.memory_space<vmem>>
      %dma_start3A_391 = arith.constant 0 : i32
      %dma_start3A_392 = tpu.memref_slice %arg7[%min3A_385, %dma_start3A_391] : memref<80x128xi32, #tpu.memory_space<vmem>> -> memref<1x128xi32, #tpu.memory_space<vmem>>
      %dma_start3A_393 = tpu.memref_squeeze %dma_start3A_392 : memref<1x128xi32, #tpu.memory_space<vmem>> -> memref<128xi32, #tpu.memory_space<vmem>>
      %dma_start3A_394 = arith.constant 0 : i32
      %dma_start3A_395 = arith.constant 0 : i32
      %dma_start3A_396 = tpu.memref_slice %arg2[%dma_start3A_394, %dma_start3A_395] : memref<10000x48xf32, #tpu.memory_space<hbm>> -> memref<10000x48xf32, #tpu.memory_space<hbm>>
      tpu.enqueue_indirect_dma source(%dma_start3A_396 : memref<10000x48xf32, #tpu.memory_space<hbm>>) target(%dma_start3A_390 : memref<128x48xf32, #tpu.memory_space<vmem>>) offsets(%dma_start3A_393 : memref<128xi32, #tpu.memory_space<vmem>>) semaphore(%arg13 : memref<!tpu.dma_semaphore, #tpu.memory_space<semaphore_mem>>)
      %mul3A_397 = arith.constant 8 : i32
      %mul3A_398 = arith.muli %mul3A_397, %scan3A_203 : i32
      %add3A_399 = arith.constant 3 : i32
      %add3A_400 = arith.addi %mul3A_398, %add3A_399 : i32
      %dma_wait3A_401 = arith.constant 3 : i32
      %dma_wait3A_402 = arith.constant 0 : i32
      %dma_wait3A_403 = arith.constant 0 : i32
      %dma_wait3A_404 = tpu.memref_slice %arg9[%dma_wait3A_401, %dma_wait3A_402, %dma_wait3A_403] : memref<8x128x48xf32, #tpu.memory_space<vmem>> -> memref<1x128x48xf32, #tpu.memory_space<vmem>>
      %dma_wait3A_405 = tpu.memref_squeeze %dma_wait3A_404 : memref<1x128x48xf32, #tpu.memory_space<vmem>> -> memref<128x48xf32, #tpu.memory_space<vmem>>
      %dma_wait3A_406 = arith.constant 0 : i32
      %dma_wait3A_407 = tpu.memref_slice %arg8[%add3A_400, %dma_wait3A_406] : memref<80x128xi32, #tpu.memory_space<vmem>> -> memref<1x128xi32, #tpu.memory_space<vmem>>
      %dma_wait3A_408 = tpu.memref_squeeze %dma_wait3A_407 : memref<1x128xi32, #tpu.memory_space<vmem>> -> memref<128xi32, #tpu.memory_space<vmem>>
      %dma_wait3A_409 = arith.constant 0 : i32
      %dma_wait3A_410 = arith.constant 0 : i32
      %dma_wait3A_411 = tpu.memref_slice %arg10[%dma_wait3A_409, %dma_wait3A_410] : memref<10112x48xf32, #tpu.memory_space<vmem_shared>> -> memref<10112x48xf32, #tpu.memory_space<vmem_shared>>
      tpu.wait_indirect_dma semaphore(%arg22 : memref<!tpu.dma_semaphore, #tpu.memory_space<semaphore_mem>>) src(%dma_wait3A_405 : memref<128x48xf32, #tpu.memory_space<vmem>>) dst(%dma_wait3A_411 : memref<10112x48xf32, #tpu.memory_space<vmem_shared>>)
      %add3A_412 = arith.constant 8 : i32
      %add3A_413 = arith.addi %add3A_400, %add3A_412 : i32
      %min3A_414 = arith.constant 79 : i32
      %min3A_415 = arith.minsi %add3A_413, %min3A_414 : i32
      %dma_start3A_416 = arith.constant 3 : i32
      %dma_start3A_417 = arith.constant 0 : i32
      %dma_start3A_418 = arith.constant 0 : i32
      %dma_start3A_419 = tpu.memref_slice %arg9[%dma_start3A_416, %dma_start3A_417, %dma_start3A_418] : memref<8x128x48xf32, #tpu.memory_space<vmem>> -> memref<1x128x48xf32, #tpu.memory_space<vmem>>
      %dma_start3A_420 = tpu.memref_squeeze %dma_start3A_419 : memref<1x128x48xf32, #tpu.memory_space<vmem>> -> memref<128x48xf32, #tpu.memory_space<vmem>>
      %dma_start3A_421 = arith.constant 0 : i32
      %dma_start3A_422 = tpu.memref_slice %arg7[%min3A_415, %dma_start3A_421] : memref<80x128xi32, #tpu.memory_space<vmem>> -> memref<1x128xi32, #tpu.memory_space<vmem>>
      %dma_start3A_423 = tpu.memref_squeeze %dma_start3A_422 : memref<1x128xi32, #tpu.memory_space<vmem>> -> memref<128xi32, #tpu.memory_space<vmem>>
      %dma_start3A_424 = arith.constant 0 : i32
      %dma_start3A_425 = arith.constant 0 : i32
      %dma_start3A_426 = tpu.memref_slice %arg2[%dma_start3A_424, %dma_start3A_425] : memref<10000x48xf32, #tpu.memory_space<hbm>> -> memref<10000x48xf32, #tpu.memory_space<hbm>>
      tpu.enqueue_indirect_dma source(%dma_start3A_426 : memref<10000x48xf32, #tpu.memory_space<hbm>>) target(%dma_start3A_420 : memref<128x48xf32, #tpu.memory_space<vmem>>) offsets(%dma_start3A_423 : memref<128xi32, #tpu.memory_space<vmem>>) semaphore(%arg14 : memref<!tpu.dma_semaphore, #tpu.memory_space<semaphore_mem>>)
      %mul3A_427 = arith.constant 8 : i32
      %mul3A_428 = arith.muli %mul3A_427, %scan3A_203 : i32
      %add3A_429 = arith.constant 4 : i32
      %add3A_430 = arith.addi %mul3A_428, %add3A_429 : i32
      %dma_wait3A_431 = arith.constant 4 : i32
      %dma_wait3A_432 = arith.constant 0 : i32
      %dma_wait3A_433 = arith.constant 0 : i32
      %dma_wait3A_434 = tpu.memref_slice %arg9[%dma_wait3A_431, %dma_wait3A_432, %dma_wait3A_433] : memref<8x128x48xf32, #tpu.memory_space<vmem>> -> memref<1x128x48xf32, #tpu.memory_space<vmem>>
      %dma_wait3A_435 = tpu.memref_squeeze %dma_wait3A_434 : memref<1x128x48xf32, #tpu.memory_space<vmem>> -> memref<128x48xf32, #tpu.memory_space<vmem>>
      %dma_wait3A_436 = arith.constant 0 : i32
      %dma_wait3A_437 = tpu.memref_slice %arg7[%add3A_430, %dma_wait3A_436] : memref<80x128xi32, #tpu.memory_space<vmem>> -> memref<1x128xi32, #tpu.memory_space<vmem>>
      %dma_wait3A_438 = tpu.memref_squeeze %dma_wait3A_437 : memref<1x128xi32, #tpu.memory_space<vmem>> -> memref<128xi32, #tpu.memory_space<vmem>>
      %dma_wait3A_439 = arith.constant 0 : i32
      %dma_wait3A_440 = arith.constant 0 : i32
      %dma_wait3A_441 = tpu.memref_slice %arg2[%dma_wait3A_439, %dma_wait3A_440] : memref<10000x48xf32, #tpu.memory_space<hbm>> -> memref<10000x48xf32, #tpu.memory_space<hbm>>
      tpu.wait_indirect_dma semaphore(%arg15 : memref<!tpu.dma_semaphore, #tpu.memory_space<semaphore_mem>>) src(%dma_wait3A_441 : memref<10000x48xf32, #tpu.memory_space<hbm>>) dst(%dma_wait3A_435 : memref<128x48xf32, #tpu.memory_space<vmem>>)
      %dma_start3A_442 = arith.constant 4 : i32
      %dma_start3A_443 = arith.constant 0 : i32
      %dma_start3A_444 = arith.constant 0 : i32
      %dma_start3A_445 = tpu.memref_slice %arg9[%dma_start3A_442, %dma_start3A_443, %dma_start3A_444] : memref<8x128x48xf32, #tpu.memory_space<vmem>> -> memref<1x128x48xf32, #tpu.memory_space<vmem>>
      %dma_start3A_446 = tpu.memref_squeeze %dma_start3A_445 : memref<1x128x48xf32, #tpu.memory_space<vmem>> -> memref<128x48xf32, #tpu.memory_space<vmem>>
      %dma_start3A_447 = arith.constant 0 : i32
      %dma_start3A_448 = tpu.memref_slice %arg8[%add3A_430, %dma_start3A_447] : memref<80x128xi32, #tpu.memory_space<vmem>> -> memref<1x128xi32, #tpu.memory_space<vmem>>
      %dma_start3A_449 = tpu.memref_squeeze %dma_start3A_448 : memref<1x128xi32, #tpu.memory_space<vmem>> -> memref<128xi32, #tpu.memory_space<vmem>>
      %dma_start3A_450 = arith.constant 0 : i32
      %dma_start3A_451 = arith.constant 0 : i32
      %dma_start3A_452 = tpu.memref_slice %arg10[%dma_start3A_450, %dma_start3A_451] : memref<10112x48xf32, #tpu.memory_space<vmem_shared>> -> memref<10112x48xf32, #tpu.memory_space<vmem_shared>>
      tpu.enqueue_indirect_dma source(%dma_start3A_446 : memref<128x48xf32, #tpu.memory_space<vmem>>) target(%dma_start3A_452 : memref<10112x48xf32, #tpu.memory_space<vmem_shared>>) offsets(%dma_start3A_449 : memref<128xi32, #tpu.memory_space<vmem>>) semaphore(%arg23 : memref<!tpu.dma_semaphore, #tpu.memory_space<semaphore_mem>>) {add = true}
      %mul3A_453 = arith.constant 8 : i32
      %mul3A_454 = arith.muli %mul3A_453, %scan3A_203 : i32
      %add3A_455 = arith.constant 5 : i32
      %add3A_456 = arith.addi %mul3A_454, %add3A_455 : i32
      %dma_wait3A_457 = arith.constant 5 : i32
      %dma_wait3A_458 = arith.constant 0 : i32
      %dma_wait3A_459 = arith.constant 0 : i32
      %dma_wait3A_460 = tpu.memref_slice %arg9[%dma_wait3A_457, %dma_wait3A_458, %dma_wait3A_459] : memref<8x128x48xf32, #tpu.memory_space<vmem>> -> memref<1x128x48xf32, #tpu.memory_space<vmem>>
      %dma_wait3A_461 = tpu.memref_squeeze %dma_wait3A_460 : memref<1x128x48xf32, #tpu.memory_space<vmem>> -> memref<128x48xf32, #tpu.memory_space<vmem>>
      %dma_wait3A_462 = arith.constant 0 : i32
      %dma_wait3A_463 = tpu.memref_slice %arg7[%add3A_456, %dma_wait3A_462] : memref<80x128xi32, #tpu.memory_space<vmem>> -> memref<1x128xi32, #tpu.memory_space<vmem>>
      %dma_wait3A_464 = tpu.memref_squeeze %dma_wait3A_463 : memref<1x128xi32, #tpu.memory_space<vmem>> -> memref<128xi32, #tpu.memory_space<vmem>>
      %dma_wait3A_465 = arith.constant 0 : i32
      %dma_wait3A_466 = arith.constant 0 : i32
      %dma_wait3A_467 = tpu.memref_slice %arg2[%dma_wait3A_465, %dma_wait3A_466] : memref<10000x48xf32, #tpu.memory_space<hbm>> -> memref<10000x48xf32, #tpu.memory_space<hbm>>
      tpu.wait_indirect_dma semaphore(%arg16 : memref<!tpu.dma_semaphore, #tpu.memory_space<semaphore_mem>>) src(%dma_wait3A_467 : memref<10000x48xf32, #tpu.memory_space<hbm>>) dst(%dma_wait3A_461 : memref<128x48xf32, #tpu.memory_space<vmem>>)
      %dma_start3A_468 = arith.constant 5 : i32
      %dma_start3A_469 = arith.constant 0 : i32
      %dma_start3A_470 = arith.constant 0 : i32
      %dma_start3A_471 = tpu.memref_slice %arg9[%dma_start3A_468, %dma_start3A_469, %dma_start3A_470] : memref<8x128x48xf32, #tpu.memory_space<vmem>> -> memref<1x128x48xf32, #tpu.memory_space<vmem>>
      %dma_start3A_472 = tpu.memref_squeeze %dma_start3A_471 : memref<1x128x48xf32, #tpu.memory_space<vmem>> -> memref<128x48xf32, #tpu.memory_space<vmem>>
      %dma_start3A_473 = arith.constant 0 : i32
      %dma_start3A_474 = tpu.memref_slice %arg8[%add3A_456, %dma_start3A_473] : memref<80x128xi32, #tpu.memory_space<vmem>> -> memref<1x128xi32, #tpu.memory_space<vmem>>
      %dma_start3A_475 = tpu.memref_squeeze %dma_start3A_474 : memref<1x128xi32, #tpu.memory_space<vmem>> -> memref<128xi32, #tpu.memory_space<vmem>>
      %dma_start3A_476 = arith.constant 0 : i32
      %dma_start3A_477 = arith.constant 0 : i32
      %dma_start3A_478 = tpu.memref_slice %arg10[%dma_start3A_476, %dma_start3A_477] : memref<10112x48xf32, #tpu.memory_space<vmem_shared>> -> memref<10112x48xf32, #tpu.memory_space<vmem_shared>>
      tpu.enqueue_indirect_dma source(%dma_start3A_472 : memref<128x48xf32, #tpu.memory_space<vmem>>) target(%dma_start3A_478 : memref<10112x48xf32, #tpu.memory_space<vmem_shared>>) offsets(%dma_start3A_475 : memref<128xi32, #tpu.memory_space<vmem>>) semaphore(%arg24 : memref<!tpu.dma_semaphore, #tpu.memory_space<semaphore_mem>>) {add = true}
      %mul3A_479 = arith.constant 8 : i32
      %mul3A_480 = arith.muli %mul3A_479, %scan3A_203 : i32
      %add3A_481 = arith.constant 6 : i32
      %add3A_482 = arith.addi %mul3A_480, %add3A_481 : i32
      %dma_wait3A_483 = arith.constant 6 : i32
      %dma_wait3A_484 = arith.constant 0 : i32
      %dma_wait3A_485 = arith.constant 0 : i32
      %dma_wait3A_486 = tpu.memref_slice %arg9[%dma_wait3A_483, %dma_wait3A_484, %dma_wait3A_485] : memref<8x128x48xf32, #tpu.memory_space<vmem>> -> memref<1x128x48xf32, #tpu.memory_space<vmem>>
      %dma_wait3A_487 = tpu.memref_squeeze %dma_wait3A_486 : memref<1x128x48xf32, #tpu.memory_space<vmem>> -> memref<128x48xf32, #tpu.memory_space<vmem>>
      %dma_wait3A_488 = arith.constant 0 : i32
      %dma_wait3A_489 = tpu.memref_slice %arg7[%add3A_482, %dma_wait3A_488] : memref<80x128xi32, #tpu.memory_space<vmem>> -> memref<1x128xi32, #tpu.memory_space<vmem>>
      %dma_wait3A_490 = tpu.memref_squeeze %dma_wait3A_489 : memref<1x128xi32, #tpu.memory_space<vmem>> -> memref<128xi32, #tpu.memory_space<vmem>>
      %dma_wait3A_491 = arith.constant 0 : i32
      %dma_wait3A_492 = arith.constant 0 : i32
      %dma_wait3A_493 = tpu.memref_slice %arg2[%dma_wait3A_491, %dma_wait3A_492] : memref<10000x48xf32, #tpu.memory_space<hbm>> -> memref<10000x48xf32, #tpu.memory_space<hbm>>
      tpu.wait_indirect_dma semaphore(%arg17 : memref<!tpu.dma_semaphore, #tpu.memory_space<semaphore_mem>>) src(%dma_wait3A_493 : memref<10000x48xf32, #tpu.memory_space<hbm>>) dst(%dma_wait3A_487 : memref<128x48xf32, #tpu.memory_space<vmem>>)
      %dma_start3A_494 = arith.constant 6 : i32
      %dma_start3A_495 = arith.constant 0 : i32
      %dma_start3A_496 = arith.constant 0 : i32
      %dma_start3A_497 = tpu.memref_slice %arg9[%dma_start3A_494, %dma_start3A_495, %dma_start3A_496] : memref<8x128x48xf32, #tpu.memory_space<vmem>> -> memref<1x128x48xf32, #tpu.memory_space<vmem>>
      %dma_start3A_498 = tpu.memref_squeeze %dma_start3A_497 : memref<1x128x48xf32, #tpu.memory_space<vmem>> -> memref<128x48xf32, #tpu.memory_space<vmem>>
      %dma_start3A_499 = arith.constant 0 : i32
      %dma_start3A_500 = tpu.memref_slice %arg8[%add3A_482, %dma_start3A_499] : memref<80x128xi32, #tpu.memory_space<vmem>> -> memref<1x128xi32, #tpu.memory_space<vmem>>
      %dma_start3A_501 = tpu.memref_squeeze %dma_start3A_500 : memref<1x128xi32, #tpu.memory_space<vmem>> -> memref<128xi32, #tpu.memory_space<vmem>>
      %dma_start3A_502 = arith.constant 0 : i32
      %dma_start3A_503 = arith.constant 0 : i32
      %dma_start3A_504 = tpu.memref_slice %arg10[%dma_start3A_502, %dma_start3A_503] : memref<10112x48xf32, #tpu.memory_space<vmem_shared>> -> memref<10112x48xf32, #tpu.memory_space<vmem_shared>>
      tpu.enqueue_indirect_dma source(%dma_start3A_498 : memref<128x48xf32, #tpu.memory_space<vmem>>) target(%dma_start3A_504 : memref<10112x48xf32, #tpu.memory_space<vmem_shared>>) offsets(%dma_start3A_501 : memref<128xi32, #tpu.memory_space<vmem>>) semaphore(%arg25 : memref<!tpu.dma_semaphore, #tpu.memory_space<semaphore_mem>>) {add = true}
      %mul3A_505 = arith.constant 8 : i32
      %mul3A_506 = arith.muli %mul3A_505, %scan3A_203 : i32
      %add3A_507 = arith.constant 7 : i32
      %add3A_508 = arith.addi %mul3A_506, %add3A_507 : i32
      %dma_wait3A_509 = arith.constant 7 : i32
      %dma_wait3A_510 = arith.constant 0 : i32
      %dma_wait3A_511 = arith.constant 0 : i32
      %dma_wait3A_512 = tpu.memref_slice %arg9[%dma_wait3A_509, %dma_wait3A_510, %dma_wait3A_511] : memref<8x128x48xf32, #tpu.memory_space<vmem>> -> memref<1x128x48xf32, #tpu.memory_space<vmem>>
      %dma_wait3A_513 = tpu.memref_squeeze %dma_wait3A_512 : memref<1x128x48xf32, #tpu.memory_space<vmem>> -> memref<128x48xf32, #tpu.memory_space<vmem>>
      %dma_wait3A_514 = arith.constant 0 : i32
      %dma_wait3A_515 = tpu.memref_slice %arg7[%add3A_508, %dma_wait3A_514] : memref<80x128xi32, #tpu.memory_space<vmem>> -> memref<1x128xi32, #tpu.memory_space<vmem>>
      %dma_wait3A_516 = tpu.memref_squeeze %dma_wait3A_515 : memref<1x128xi32, #tpu.memory_space<vmem>> -> memref<128xi32, #tpu.memory_space<vmem>>
      %dma_wait3A_517 = arith.constant 0 : i32
      %dma_wait3A_518 = arith.constant 0 : i32
      %dma_wait3A_519 = tpu.memref_slice %arg2[%dma_wait3A_517, %dma_wait3A_518] : memref<10000x48xf32, #tpu.memory_space<hbm>> -> memref<10000x48xf32, #tpu.memory_space<hbm>>
      tpu.wait_indirect_dma semaphore(%arg18 : memref<!tpu.dma_semaphore, #tpu.memory_space<semaphore_mem>>) src(%dma_wait3A_519 : memref<10000x48xf32, #tpu.memory_space<hbm>>) dst(%dma_wait3A_513 : memref<128x48xf32, #tpu.memory_space<vmem>>)
      %dma_start3A_520 = arith.constant 7 : i32
      %dma_start3A_521 = arith.constant 0 : i32
      %dma_start3A_522 = arith.constant 0 : i32
      %dma_start3A_523 = tpu.memref_slice %arg9[%dma_start3A_520, %dma_start3A_521, %dma_start3A_522] : memref<8x128x48xf32, #tpu.memory_space<vmem>> -> memref<1x128x48xf32, #tpu.memory_space<vmem>>
      %dma_start3A_524 = tpu.memref_squeeze %dma_start3A_523 : memref<1x128x48xf32, #tpu.memory_space<vmem>> -> memref<128x48xf32, #tpu.memory_space<vmem>>
      %dma_start3A_525 = arith.constant 0 : i32
      %dma_start3A_526 = tpu.memref_slice %arg8[%add3A_508, %dma_start3A_525] : memref<80x128xi32, #tpu.memory_space<vmem>> -> memref<1x128xi32, #tpu.memory_space<vmem>>
      %dma_start3A_527 = tpu.memref_squeeze %dma_start3A_526 : memref<1x128xi32, #tpu.memory_space<vmem>> -> memref<128xi32, #tpu.memory_space<vmem>>
      %dma_start3A_528 = arith.constant 0 : i32
      %dma_start3A_529 = arith.constant 0 : i32
      %dma_start3A_530 = tpu.memref_slice %arg10[%dma_start3A_528, %dma_start3A_529] : memref<10112x48xf32, #tpu.memory_space<vmem_shared>> -> memref<10112x48xf32, #tpu.memory_space<vmem_shared>>
      tpu.enqueue_indirect_dma source(%dma_start3A_524 : memref<128x48xf32, #tpu.memory_space<vmem>>) target(%dma_start3A_530 : memref<10112x48xf32, #tpu.memory_space<vmem_shared>>) offsets(%dma_start3A_527 : memref<128xi32, #tpu.memory_space<vmem>>) semaphore(%arg26 : memref<!tpu.dma_semaphore, #tpu.memory_space<semaphore_mem>>) {add = true}
      %mul3A_531 = arith.constant 8 : i32
      %mul3A_532 = arith.muli %mul3A_531, %scan3A_203 : i32
      %add3A_533 = arith.constant 4 : i32
      %add3A_534 = arith.addi %mul3A_532, %add3A_533 : i32
      %dma_wait3A_535 = arith.constant 4 : i32
      %dma_wait3A_536 = arith.constant 0 : i32
      %dma_wait3A_537 = arith.constant 0 : i32
      %dma_wait3A_538 = tpu.memref_slice %arg9[%dma_wait3A_535, %dma_wait3A_536, %dma_wait3A_537] : memref<8x128x48xf32, #tpu.memory_space<vmem>> -> memref<1x128x48xf32, #tpu.memory_space<vmem>>
      %dma_wait3A_539 = tpu.memref_squeeze %dma_wait3A_538 : memref<1x128x48xf32, #tpu.memory_space<vmem>> -> memref<128x48xf32, #tpu.memory_space<vmem>>
      %dma_wait3A_540 = arith.constant 0 : i32
      %dma_wait3A_541 = tpu.memref_slice %arg8[%add3A_534, %dma_wait3A_540] : memref<80x128xi32, #tpu.memory_space<vmem>> -> memref<1x128xi32, #tpu.memory_space<vmem>>
      %dma_wait3A_542 = tpu.memref_squeeze %dma_wait3A_541 : memref<1x128xi32, #tpu.memory_space<vmem>> -> memref<128xi32, #tpu.memory_space<vmem>>
      %dma_wait3A_543 = arith.constant 0 : i32
      %dma_wait3A_544 = arith.constant 0 : i32
      %dma_wait3A_545 = tpu.memref_slice %arg10[%dma_wait3A_543, %dma_wait3A_544] : memref<10112x48xf32, #tpu.memory_space<vmem_shared>> -> memref<10112x48xf32, #tpu.memory_space<vmem_shared>>
      tpu.wait_indirect_dma semaphore(%arg23 : memref<!tpu.dma_semaphore, #tpu.memory_space<semaphore_mem>>) src(%dma_wait3A_539 : memref<128x48xf32, #tpu.memory_space<vmem>>) dst(%dma_wait3A_545 : memref<10112x48xf32, #tpu.memory_space<vmem_shared>>)
      %add3A_546 = arith.constant 8 : i32
      %add3A_547 = arith.addi %add3A_534, %add3A_546 : i32
      %min3A_548 = arith.constant 79 : i32
      %min3A_549 = arith.minsi %add3A_547, %min3A_548 : i32
      %dma_start3A_550 = arith.constant 4 : i32
      %dma_start3A_551 = arith.constant 0 : i32
      %dma_start3A_552 = arith.constant 0 : i32
      %dma_start3A_553 = tpu.memref_slice %arg9[%dma_start3A_550, %dma_start3A_551, %dma_start3A_552] : memref<8x128x48xf32, #tpu.memory_space<vmem>> -> memref<1x128x48xf32, #tpu.memory_space<vmem>>
      %dma_start3A_554 = tpu.memref_squeeze %dma_start3A_553 : memref<1x128x48xf32, #tpu.memory_space<vmem>> -> memref<128x48xf32, #tpu.memory_space<vmem>>
      %dma_start3A_555 = arith.constant 0 : i32
      %dma_start3A_556 = tpu.memref_slice %arg7[%min3A_549, %dma_start3A_555] : memref<80x128xi32, #tpu.memory_space<vmem>> -> memref<1x128xi32, #tpu.memory_space<vmem>>
      %dma_start3A_557 = tpu.memref_squeeze %dma_start3A_556 : memref<1x128xi32, #tpu.memory_space<vmem>> -> memref<128xi32, #tpu.memory_space<vmem>>
      %dma_start3A_558 = arith.constant 0 : i32
      %dma_start3A_559 = arith.constant 0 : i32
      %dma_start3A_560 = tpu.memref_slice %arg2[%dma_start3A_558, %dma_start3A_559] : memref<10000x48xf32, #tpu.memory_space<hbm>> -> memref<10000x48xf32, #tpu.memory_space<hbm>>
      tpu.enqueue_indirect_dma source(%dma_start3A_560 : memref<10000x48xf32, #tpu.memory_space<hbm>>) target(%dma_start3A_554 : memref<128x48xf32, #tpu.memory_space<vmem>>) offsets(%dma_start3A_557 : memref<128xi32, #tpu.memory_space<vmem>>) semaphore(%arg15 : memref<!tpu.dma_semaphore, #tpu.memory_space<semaphore_mem>>)
      %mul3A_561 = arith.constant 8 : i32
      %mul3A_562 = arith.muli %mul3A_561, %scan3A_203 : i32
      %add3A_563 = arith.constant 5 : i32
      %add3A_564 = arith.addi %mul3A_562, %add3A_563 : i32
      %dma_wait3A_565 = arith.constant 5 : i32
      %dma_wait3A_566 = arith.constant 0 : i32
      %dma_wait3A_567 = arith.constant 0 : i32
      %dma_wait3A_568 = tpu.memref_slice %arg9[%dma_wait3A_565, %dma_wait3A_566, %dma_wait3A_567] : memref<8x128x48xf32, #tpu.memory_space<vmem>> -> memref<1x128x48xf32, #tpu.memory_space<vmem>>
      %dma_wait3A_569 = tpu.memref_squeeze %dma_wait3A_568 : memref<1x128x48xf32, #tpu.memory_space<vmem>> -> memref<128x48xf32, #tpu.memory_space<vmem>>
      %dma_wait3A_570 = arith.constant 0 : i32
      %dma_wait3A_571 = tpu.memref_slice %arg8[%add3A_564, %dma_wait3A_570] : memref<80x128xi32, #tpu.memory_space<vmem>> -> memref<1x128xi32, #tpu.memory_space<vmem>>
      %dma_wait3A_572 = tpu.memref_squeeze %dma_wait3A_571 : memref<1x128xi32, #tpu.memory_space<vmem>> -> memref<128xi32, #tpu.memory_space<vmem>>
      %dma_wait3A_573 = arith.constant 0 : i32
      %dma_wait3A_574 = arith.constant 0 : i32
      %dma_wait3A_575 = tpu.memref_slice %arg10[%dma_wait3A_573, %dma_wait3A_574] : memref<10112x48xf32, #tpu.memory_space<vmem_shared>> -> memref<10112x48xf32, #tpu.memory_space<vmem_shared>>
      tpu.wait_indirect_dma semaphore(%arg24 : memref<!tpu.dma_semaphore, #tpu.memory_space<semaphore_mem>>) src(%dma_wait3A_569 : memref<128x48xf32, #tpu.memory_space<vmem>>) dst(%dma_wait3A_575 : memref<10112x48xf32, #tpu.memory_space<vmem_shared>>)
      %add3A_576 = arith.constant 8 : i32
      %add3A_577 = arith.addi %add3A_564, %add3A_576 : i32
      %min3A_578 = arith.constant 79 : i32
      %min3A_579 = arith.minsi %add3A_577, %min3A_578 : i32
      %dma_start3A_580 = arith.constant 5 : i32
      %dma_start3A_581 = arith.constant 0 : i32
      %dma_start3A_582 = arith.constant 0 : i32
      %dma_start3A_583 = tpu.memref_slice %arg9[%dma_start3A_580, %dma_start3A_581, %dma_start3A_582] : memref<8x128x48xf32, #tpu.memory_space<vmem>> -> memref<1x128x48xf32, #tpu.memory_space<vmem>>
      %dma_start3A_584 = tpu.memref_squeeze %dma_start3A_583 : memref<1x128x48xf32, #tpu.memory_space<vmem>> -> memref<128x48xf32, #tpu.memory_space<vmem>>
      %dma_start3A_585 = arith.constant 0 : i32
      %dma_start3A_586 = tpu.memref_slice %arg7[%min3A_579, %dma_start3A_585] : memref<80x128xi32, #tpu.memory_space<vmem>> -> memref<1x128xi32, #tpu.memory_space<vmem>>
      %dma_start3A_587 = tpu.memref_squeeze %dma_start3A_586 : memref<1x128xi32, #tpu.memory_space<vmem>> -> memref<128xi32, #tpu.memory_space<vmem>>
      %dma_start3A_588 = arith.constant 0 : i32
      %dma_start3A_589 = arith.constant 0 : i32
      %dma_start3A_590 = tpu.memref_slice %arg2[%dma_start3A_588, %dma_start3A_589] : memref<10000x48xf32, #tpu.memory_space<hbm>> -> memref<10000x48xf32, #tpu.memory_space<hbm>>
      tpu.enqueue_indirect_dma source(%dma_start3A_590 : memref<10000x48xf32, #tpu.memory_space<hbm>>) target(%dma_start3A_584 : memref<128x48xf32, #tpu.memory_space<vmem>>) offsets(%dma_start3A_587 : memref<128xi32, #tpu.memory_space<vmem>>) semaphore(%arg16 : memref<!tpu.dma_semaphore, #tpu.memory_space<semaphore_mem>>)
      %mul3A_591 = arith.constant 8 : i32
      %mul3A_592 = arith.muli %mul3A_591, %scan3A_203 : i32
      %add3A_593 = arith.constant 6 : i32
      %add3A_594 = arith.addi %mul3A_592, %add3A_593 : i32
      %dma_wait3A_595 = arith.constant 6 : i32
      %dma_wait3A_596 = arith.constant 0 : i32
      %dma_wait3A_597 = arith.constant 0 : i32
      %dma_wait3A_598 = tpu.memref_slice %arg9[%dma_wait3A_595, %dma_wait3A_596, %dma_wait3A_597] : memref<8x128x48xf32, #tpu.memory_space<vmem>> -> memref<1x128x48xf32, #tpu.memory_space<vmem>>
      %dma_wait3A_599 = tpu.memref_squeeze %dma_wait3A_598 : memref<1x128x48xf32, #tpu.memory_space<vmem>> -> memref<128x48xf32, #tpu.memory_space<vmem>>
      %dma_wait3A_600 = arith.constant 0 : i32
      %dma_wait3A_601 = tpu.memref_slice %arg8[%add3A_594, %dma_wait3A_600] : memref<80x128xi32, #tpu.memory_space<vmem>> -> memref<1x128xi32, #tpu.memory_space<vmem>>
      %dma_wait3A_602 = tpu.memref_squeeze %dma_wait3A_601 : memref<1x128xi32, #tpu.memory_space<vmem>> -> memref<128xi32, #tpu.memory_space<vmem>>
      %dma_wait3A_603 = arith.constant 0 : i32
      %dma_wait3A_604 = arith.constant 0 : i32
      %dma_wait3A_605 = tpu.memref_slice %arg10[%dma_wait3A_603, %dma_wait3A_604] : memref<10112x48xf32, #tpu.memory_space<vmem_shared>> -> memref<10112x48xf32, #tpu.memory_space<vmem_shared>>
      tpu.wait_indirect_dma semaphore(%arg25 : memref<!tpu.dma_semaphore, #tpu.memory_space<semaphore_mem>>) src(%dma_wait3A_599 : memref<128x48xf32, #tpu.memory_space<vmem>>) dst(%dma_wait3A_605 : memref<10112x48xf32, #tpu.memory_space<vmem_shared>>)
      %add3A_606 = arith.constant 8 : i32
      %add3A_607 = arith.addi %add3A_594, %add3A_606 : i32
      %min3A_608 = arith.constant 79 : i32
      %min3A_609 = arith.minsi %add3A_607, %min3A_608 : i32
      %dma_start3A_610 = arith.constant 6 : i32
      %dma_start3A_611 = arith.constant 0 : i32
      %dma_start3A_612 = arith.constant 0 : i32
      %dma_start3A_613 = tpu.memref_slice %arg9[%dma_start3A_610, %dma_start3A_611, %dma_start3A_612] : memref<8x128x48xf32, #tpu.memory_space<vmem>> -> memref<1x128x48xf32, #tpu.memory_space<vmem>>
      %dma_start3A_614 = tpu.memref_squeeze %dma_start3A_613 : memref<1x128x48xf32, #tpu.memory_space<vmem>> -> memref<128x48xf32, #tpu.memory_space<vmem>>
      %dma_start3A_615 = arith.constant 0 : i32
      %dma_start3A_616 = tpu.memref_slice %arg7[%min3A_609, %dma_start3A_615] : memref<80x128xi32, #tpu.memory_space<vmem>> -> memref<1x128xi32, #tpu.memory_space<vmem>>
      %dma_start3A_617 = tpu.memref_squeeze %dma_start3A_616 : memref<1x128xi32, #tpu.memory_space<vmem>> -> memref<128xi32, #tpu.memory_space<vmem>>
      %dma_start3A_618 = arith.constant 0 : i32
      %dma_start3A_619 = arith.constant 0 : i32
      %dma_start3A_620 = tpu.memref_slice %arg2[%dma_start3A_618, %dma_start3A_619] : memref<10000x48xf32, #tpu.memory_space<hbm>> -> memref<10000x48xf32, #tpu.memory_space<hbm>>
      tpu.enqueue_indirect_dma source(%dma_start3A_620 : memref<10000x48xf32, #tpu.memory_space<hbm>>) target(%dma_start3A_614 : memref<128x48xf32, #tpu.memory_space<vmem>>) offsets(%dma_start3A_617 : memref<128xi32, #tpu.memory_space<vmem>>) semaphore(%arg17 : memref<!tpu.dma_semaphore, #tpu.memory_space<semaphore_mem>>)
      %mul3A_621 = arith.constant 8 : i32
      %mul3A_622 = arith.muli %mul3A_621, %scan3A_203 : i32
      %add3A_623 = arith.constant 7 : i32
      %add3A_624 = arith.addi %mul3A_622, %add3A_623 : i32
      %dma_wait3A_625 = arith.constant 7 : i32
      %dma_wait3A_626 = arith.constant 0 : i32
      %dma_wait3A_627 = arith.constant 0 : i32
      %dma_wait3A_628 = tpu.memref_slice %arg9[%dma_wait3A_625, %dma_wait3A_626, %dma_wait3A_627] : memref<8x128x48xf32, #tpu.memory_space<vmem>> -> memref<1x128x48xf32, #tpu.memory_space<vmem>>
      %dma_wait3A_629 = tpu.memref_squeeze %dma_wait3A_628 : memref<1x128x48xf32, #tpu.memory_space<vmem>> -> memref<128x48xf32, #tpu.memory_space<vmem>>
      %dma_wait3A_630 = arith.constant 0 : i32
      %dma_wait3A_631 = tpu.memref_slice %arg8[%add3A_624, %dma_wait3A_630] : memref<80x128xi32, #tpu.memory_space<vmem>> -> memref<1x128xi32, #tpu.memory_space<vmem>>
      %dma_wait3A_632 = tpu.memref_squeeze %dma_wait3A_631 : memref<1x128xi32, #tpu.memory_space<vmem>> -> memref<128xi32, #tpu.memory_space<vmem>>
      %dma_wait3A_633 = arith.constant 0 : i32
      %dma_wait3A_634 = arith.constant 0 : i32
      %dma_wait3A_635 = tpu.memref_slice %arg10[%dma_wait3A_633, %dma_wait3A_634] : memref<10112x48xf32, #tpu.memory_space<vmem_shared>> -> memref<10112x48xf32, #tpu.memory_space<vmem_shared>>
      tpu.wait_indirect_dma semaphore(%arg26 : memref<!tpu.dma_semaphore, #tpu.memory_space<semaphore_mem>>) src(%dma_wait3A_629 : memref<128x48xf32, #tpu.memory_space<vmem>>) dst(%dma_wait3A_635 : memref<10112x48xf32, #tpu.memory_space<vmem_shared>>)
      %add3A_636 = arith.constant 8 : i32
      %add3A_637 = arith.addi %add3A_624, %add3A_636 : i32
      %min3A_638 = arith.constant 79 : i32
      %min3A_639 = arith.minsi %add3A_637, %min3A_638 : i32
      %dma_start3A_640 = arith.constant 7 : i32
      %dma_start3A_641 = arith.constant 0 : i32
      %dma_start3A_642 = arith.constant 0 : i32
      %dma_start3A_643 = tpu.memref_slice %arg9[%dma_start3A_640, %dma_start3A_641, %dma_start3A_642] : memref<8x128x48xf32, #tpu.memory_space<vmem>> -> memref<1x128x48xf32, #tpu.memory_space<vmem>>
      %dma_start3A_644 = tpu.memref_squeeze %dma_start3A_643 : memref<1x128x48xf32, #tpu.memory_space<vmem>> -> memref<128x48xf32, #tpu.memory_space<vmem>>
      %dma_start3A_645 = arith.constant 0 : i32
      %dma_start3A_646 = tpu.memref_slice %arg7[%min3A_639, %dma_start3A_645] : memref<80x128xi32, #tpu.memory_space<vmem>> -> memref<1x128xi32, #tpu.memory_space<vmem>>
      %dma_start3A_647 = tpu.memref_squeeze %dma_start3A_646 : memref<1x128xi32, #tpu.memory_space<vmem>> -> memref<128xi32, #tpu.memory_space<vmem>>
      %dma_start3A_648 = arith.constant 0 : i32
      %dma_start3A_649 = arith.constant 0 : i32
      %dma_start3A_650 = tpu.memref_slice %arg2[%dma_start3A_648, %dma_start3A_649] : memref<10000x48xf32, #tpu.memory_space<hbm>> -> memref<10000x48xf32, #tpu.memory_space<hbm>>
      tpu.enqueue_indirect_dma source(%dma_start3A_650 : memref<10000x48xf32, #tpu.memory_space<hbm>>) target(%dma_start3A_644 : memref<128x48xf32, #tpu.memory_space<vmem>>) offsets(%dma_start3A_647 : memref<128xi32, #tpu.memory_space<vmem>>) semaphore(%arg18 : memref<!tpu.dma_semaphore, #tpu.memory_space<semaphore_mem>>)
    }
    %scan3A_102 = arith.constant 10 : i32
    %dma_wait3A = arith.constant 0 : i32
    %dma_wait3A_103 = arith.constant 0 : i32
    %dma_wait3A_104 = arith.constant 0 : i32
    %dma_wait3A_105 = arith.constant 0 : i32
    %dma_wait3A_106 = tpu.memref_slice %arg9[%dma_wait3A_103, %dma_wait3A_104, %dma_wait3A_105] : memref<8x128x48xf32, #tpu.memory_space<vmem>> -> memref<1x128x48xf32, #tpu.memory_space<vmem>>
    %dma_wait3A_107 = tpu.memref_squeeze %dma_wait3A_106 : memref<1x128x48xf32, #tpu.memory_space<vmem>> -> memref<128x48xf32, #tpu.memory_space<vmem>>
    %dma_wait3A_108 = arith.constant 0 : i32
    %dma_wait3A_109 = tpu.memref_slice %arg7[%dma_wait3A, %dma_wait3A_108] : memref<80x128xi32, #tpu.memory_space<vmem>> -> memref<1x128xi32, #tpu.memory_space<vmem>>
    %dma_wait3A_110 = tpu.memref_squeeze %dma_wait3A_109 : memref<1x128xi32, #tpu.memory_space<vmem>> -> memref<128xi32, #tpu.memory_space<vmem>>
    %dma_wait3A_111 = arith.constant 0 : i32
    %dma_wait3A_112 = arith.constant 0 : i32
    %dma_wait3A_113 = tpu.memref_slice %arg2[%dma_wait3A_111, %dma_wait3A_112] : memref<10000x48xf32, #tpu.memory_space<hbm>> -> memref<10000x48xf32, #tpu.memory_space<hbm>>
    tpu.wait_indirect_dma semaphore(%arg11 : memref<!tpu.dma_semaphore, #tpu.memory_space<semaphore_mem>>) src(%dma_wait3A_113 : memref<10000x48xf32, #tpu.memory_space<hbm>>) dst(%dma_wait3A_107 : memref<128x48xf32, #tpu.memory_space<vmem>>)
    %dma_wait3A_114 = arith.constant 0 : i32
    %dma_wait3A_115 = arith.constant 1 : i32
    %dma_wait3A_116 = arith.constant 0 : i32
    %dma_wait3A_117 = arith.constant 0 : i32
    %dma_wait3A_118 = tpu.memref_slice %arg9[%dma_wait3A_115, %dma_wait3A_116, %dma_wait3A_117] : memref<8x128x48xf32, #tpu.memory_space<vmem>> -> memref<1x128x48xf32, #tpu.memory_space<vmem>>
    %dma_wait3A_119 = tpu.memref_squeeze %dma_wait3A_118 : memref<1x128x48xf32, #tpu.memory_space<vmem>> -> memref<128x48xf32, #tpu.memory_space<vmem>>
    %dma_wait3A_120 = arith.constant 0 : i32
    %dma_wait3A_121 = tpu.memref_slice %arg7[%dma_wait3A_114, %dma_wait3A_120] : memref<80x128xi32, #tpu.memory_space<vmem>> -> memref<1x128xi32, #tpu.memory_space<vmem>>
    %dma_wait3A_122 = tpu.memref_squeeze %dma_wait3A_121 : memref<1x128xi32, #tpu.memory_space<vmem>> -> memref<128xi32, #tpu.memory_space<vmem>>
    %dma_wait3A_123 = arith.constant 0 : i32
    %dma_wait3A_124 = arith.constant 0 : i32
    %dma_wait3A_125 = tpu.memref_slice %arg2[%dma_wait3A_123, %dma_wait3A_124] : memref<10000x48xf32, #tpu.memory_space<hbm>> -> memref<10000x48xf32, #tpu.memory_space<hbm>>
    tpu.wait_indirect_dma semaphore(%arg12 : memref<!tpu.dma_semaphore, #tpu.memory_space<semaphore_mem>>) src(%dma_wait3A_125 : memref<10000x48xf32, #tpu.memory_space<hbm>>) dst(%dma_wait3A_119 : memref<128x48xf32, #tpu.memory_space<vmem>>)
    %dma_wait3A_126 = arith.constant 0 : i32
    %dma_wait3A_127 = arith.constant 2 : i32
    %dma_wait3A_128 = arith.constant 0 : i32
    %dma_wait3A_129 = arith.constant 0 : i32
    %dma_wait3A_130 = tpu.memref_slice %arg9[%dma_wait3A_127, %dma_wait3A_128, %dma_wait3A_129] : memref<8x128x48xf32, #tpu.memory_space<vmem>> -> memref<1x128x48xf32, #tpu.memory_space<vmem>>
    %dma_wait3A_131 = tpu.memref_squeeze %dma_wait3A_130 : memref<1x128x48xf32, #tpu.memory_space<vmem>> -> memref<128x48xf32, #tpu.memory_space<vmem>>
    %dma_wait3A_132 = arith.constant 0 : i32
    %dma_wait3A_133 = tpu.memref_slice %arg7[%dma_wait3A_126, %dma_wait3A_132] : memref<80x128xi32, #tpu.memory_space<vmem>> -> memref<1x128xi32, #tpu.memory_space<vmem>>
    %dma_wait3A_134 = tpu.memref_squeeze %dma_wait3A_133 : memref<1x128xi32, #tpu.memory_space<vmem>> -> memref<128xi32, #tpu.memory_space<vmem>>
    %dma_wait3A_135 = arith.constant 0 : i32
    %dma_wait3A_136 = arith.constant 0 : i32
    %dma_wait3A_137 = tpu.memref_slice %arg2[%dma_wait3A_135, %dma_wait3A_136] : memref<10000x48xf32, #tpu.memory_space<hbm>> -> memref<10000x48xf32, #tpu.memory_space<hbm>>
    tpu.wait_indirect_dma semaphore(%arg13 : memref<!tpu.dma_semaphore, #tpu.memory_space<semaphore_mem>>) src(%dma_wait3A_137 : memref<10000x48xf32, #tpu.memory_space<hbm>>) dst(%dma_wait3A_131 : memref<128x48xf32, #tpu.memory_space<vmem>>)
    %dma_wait3A_138 = arith.constant 0 : i32
    %dma_wait3A_139 = arith.constant 3 : i32
    %dma_wait3A_140 = arith.constant 0 : i32
    %dma_wait3A_141 = arith.constant 0 : i32
    %dma_wait3A_142 = tpu.memref_slice %arg9[%dma_wait3A_139, %dma_wait3A_140, %dma_wait3A_141] : memref<8x128x48xf32, #tpu.memory_space<vmem>> -> memref<1x128x48xf32, #tpu.memory_space<vmem>>
    %dma_wait3A_143 = tpu.memref_squeeze %dma_wait3A_142 : memref<1x128x48xf32, #tpu.memory_space<vmem>> -> memref<128x48xf32, #tpu.memory_space<vmem>>
    %dma_wait3A_144 = arith.constant 0 : i32
    %dma_wait3A_145 = tpu.memref_slice %arg7[%dma_wait3A_138, %dma_wait3A_144] : memref<80x128xi32, #tpu.memory_space<vmem>> -> memref<1x128xi32, #tpu.memory_space<vmem>>
    %dma_wait3A_146 = tpu.memref_squeeze %dma_wait3A_145 : memref<1x128xi32, #tpu.memory_space<vmem>> -> memref<128xi32, #tpu.memory_space<vmem>>
    %dma_wait3A_147 = arith.constant 0 : i32
    %dma_wait3A_148 = arith.constant 0 : i32
    %dma_wait3A_149 = tpu.memref_slice %arg2[%dma_wait3A_147, %dma_wait3A_148] : memref<10000x48xf32, #tpu.memory_space<hbm>> -> memref<10000x48xf32, #tpu.memory_space<hbm>>
    tpu.wait_indirect_dma semaphore(%arg14 : memref<!tpu.dma_semaphore, #tpu.memory_space<semaphore_mem>>) src(%dma_wait3A_149 : memref<10000x48xf32, #tpu.memory_space<hbm>>) dst(%dma_wait3A_143 : memref<128x48xf32, #tpu.memory_space<vmem>>)
    %dma_wait3A_150 = arith.constant 0 : i32
    %dma_wait3A_151 = arith.constant 4 : i32
    %dma_wait3A_152 = arith.constant 0 : i32
    %dma_wait3A_153 = arith.constant 0 : i32
    %dma_wait3A_154 = tpu.memref_slice %arg9[%dma_wait3A_151, %dma_wait3A_152, %dma_wait3A_153] : memref<8x128x48xf32, #tpu.memory_space<vmem>> -> memref<1x128x48xf32, #tpu.memory_space<vmem>>
    %dma_wait3A_155 = tpu.memref_squeeze %dma_wait3A_154 : memref<1x128x48xf32, #tpu.memory_space<vmem>> -> memref<128x48xf32, #tpu.memory_space<vmem>>
    %dma_wait3A_156 = arith.constant 0 : i32
    %dma_wait3A_157 = tpu.memref_slice %arg7[%dma_wait3A_150, %dma_wait3A_156] : memref<80x128xi32, #tpu.memory_space<vmem>> -> memref<1x128xi32, #tpu.memory_space<vmem>>
    %dma_wait3A_158 = tpu.memref_squeeze %dma_wait3A_157 : memref<1x128xi32, #tpu.memory_space<vmem>> -> memref<128xi32, #tpu.memory_space<vmem>>
    %dma_wait3A_159 = arith.constant 0 : i32
    %dma_wait3A_160 = arith.constant 0 : i32
    %dma_wait3A_161 = tpu.memref_slice %arg2[%dma_wait3A_159, %dma_wait3A_160] : memref<10000x48xf32, #tpu.memory_space<hbm>> -> memref<10000x48xf32, #tpu.memory_space<hbm>>
    tpu.wait_indirect_dma semaphore(%arg15 : memref<!tpu.dma_semaphore, #tpu.memory_space<semaphore_mem>>) src(%dma_wait3A_161 : memref<10000x48xf32, #tpu.memory_space<hbm>>) dst(%dma_wait3A_155 : memref<128x48xf32, #tpu.memory_space<vmem>>)
    %dma_wait3A_162 = arith.constant 0 : i32
    %dma_wait3A_163 = arith.constant 5 : i32
    %dma_wait3A_164 = arith.constant 0 : i32
    %dma_wait3A_165 = arith.constant 0 : i32
    %dma_wait3A_166 = tpu.memref_slice %arg9[%dma_wait3A_163, %dma_wait3A_164, %dma_wait3A_165] : memref<8x128x48xf32, #tpu.memory_space<vmem>> -> memref<1x128x48xf32, #tpu.memory_space<vmem>>
    %dma_wait3A_167 = tpu.memref_squeeze %dma_wait3A_166 : memref<1x128x48xf32, #tpu.memory_space<vmem>> -> memref<128x48xf32, #tpu.memory_space<vmem>>
    %dma_wait3A_168 = arith.constant 0 : i32
    %dma_wait3A_169 = tpu.memref_slice %arg7[%dma_wait3A_162, %dma_wait3A_168] : memref<80x128xi32, #tpu.memory_space<vmem>> -> memref<1x128xi32, #tpu.memory_space<vmem>>
    %dma_wait3A_170 = tpu.memref_squeeze %dma_wait3A_169 : memref<1x128xi32, #tpu.memory_space<vmem>> -> memref<128xi32, #tpu.memory_space<vmem>>
    %dma_wait3A_171 = arith.constant 0 : i32
    %dma_wait3A_172 = arith.constant 0 : i32
    %dma_wait3A_173 = tpu.memref_slice %arg2[%dma_wait3A_171, %dma_wait3A_172] : memref<10000x48xf32, #tpu.memory_space<hbm>> -> memref<10000x48xf32, #tpu.memory_space<hbm>>
    tpu.wait_indirect_dma semaphore(%arg16 : memref<!tpu.dma_semaphore, #tpu.memory_space<semaphore_mem>>) src(%dma_wait3A_173 : memref<10000x48xf32, #tpu.memory_space<hbm>>) dst(%dma_wait3A_167 : memref<128x48xf32, #tpu.memory_space<vmem>>)
    %dma_wait3A_174 = arith.constant 0 : i32
    %dma_wait3A_175 = arith.constant 6 : i32
    %dma_wait3A_176 = arith.constant 0 : i32
    %dma_wait3A_177 = arith.constant 0 : i32
    %dma_wait3A_178 = tpu.memref_slice %arg9[%dma_wait3A_175, %dma_wait3A_176, %dma_wait3A_177] : memref<8x128x48xf32, #tpu.memory_space<vmem>> -> memref<1x128x48xf32, #tpu.memory_space<vmem>>
    %dma_wait3A_179 = tpu.memref_squeeze %dma_wait3A_178 : memref<1x128x48xf32, #tpu.memory_space<vmem>> -> memref<128x48xf32, #tpu.memory_space<vmem>>
    %dma_wait3A_180 = arith.constant 0 : i32
    %dma_wait3A_181 = tpu.memref_slice %arg7[%dma_wait3A_174, %dma_wait3A_180] : memref<80x128xi32, #tpu.memory_space<vmem>> -> memref<1x128xi32, #tpu.memory_space<vmem>>
    %dma_wait3A_182 = tpu.memref_squeeze %dma_wait3A_181 : memref<1x128xi32, #tpu.memory_space<vmem>> -> memref<128xi32, #tpu.memory_space<vmem>>
    %dma_wait3A_183 = arith.constant 0 : i32
    %dma_wait3A_184 = arith.constant 0 : i32
    %dma_wait3A_185 = tpu.memref_slice %arg2[%dma_wait3A_183, %dma_wait3A_184] : memref<10000x48xf32, #tpu.memory_space<hbm>> -> memref<10000x48xf32, #tpu.memory_space<hbm>>
    tpu.wait_indirect_dma semaphore(%arg17 : memref<!tpu.dma_semaphore, #tpu.memory_space<semaphore_mem>>) src(%dma_wait3A_185 : memref<10000x48xf32, #tpu.memory_space<hbm>>) dst(%dma_wait3A_179 : memref<128x48xf32, #tpu.memory_space<vmem>>)
    %dma_wait3A_186 = arith.constant 0 : i32
    %dma_wait3A_187 = arith.constant 7 : i32
    %dma_wait3A_188 = arith.constant 0 : i32
    %dma_wait3A_189 = arith.constant 0 : i32
    %dma_wait3A_190 = tpu.memref_slice %arg9[%dma_wait3A_187, %dma_wait3A_188, %dma_wait3A_189] : memref<8x128x48xf32, #tpu.memory_space<vmem>> -> memref<1x128x48xf32, #tpu.memory_space<vmem>>
    %dma_wait3A_191 = tpu.memref_squeeze %dma_wait3A_190 : memref<1x128x48xf32, #tpu.memory_space<vmem>> -> memref<128x48xf32, #tpu.memory_space<vmem>>
    %dma_wait3A_192 = arith.constant 0 : i32
    %dma_wait3A_193 = tpu.memref_slice %arg7[%dma_wait3A_186, %dma_wait3A_192] : memref<80x128xi32, #tpu.memory_space<vmem>> -> memref<1x128xi32, #tpu.memory_space<vmem>>
    %dma_wait3A_194 = tpu.memref_squeeze %dma_wait3A_193 : memref<1x128xi32, #tpu.memory_space<vmem>> -> memref<128xi32, #tpu.memory_space<vmem>>
    %dma_wait3A_195 = arith.constant 0 : i32
    %dma_wait3A_196 = arith.constant 0 : i32
    %dma_wait3A_197 = tpu.memref_slice %arg2[%dma_wait3A_195, %dma_wait3A_196] : memref<10000x48xf32, #tpu.memory_space<hbm>> -> memref<10000x48xf32, #tpu.memory_space<hbm>>
    tpu.wait_indirect_dma semaphore(%arg18 : memref<!tpu.dma_semaphore, #tpu.memory_space<semaphore_mem>>) src(%dma_wait3A_197 : memref<10000x48xf32, #tpu.memory_space<hbm>>) dst(%dma_wait3A_191 : memref<128x48xf32, #tpu.memory_space<vmem>>)
    %barrier3A_198 = arith.constant 0 : index
    tpu.barrier barrier_id(%barrier3A_198)
    %mul3A_199 = arith.constant 632 : i32
    %mul3A_200 = arith.muli %arg1, %mul3A_199 : i32
    %mul3A_201 = arith.constant 632 : i32
    %mul3A_202 = arith.muli %arg1, %mul3A_201 : i32
    "tpu.region"() ({
      %run_scoped3A = tpu.sem_alloc : memref<!tpu.dma_semaphore, #tpu.memory_space<semaphore_mem>>
      %dma_start3A_203 = arith.constant 0 : i32
      %dma_start3A_204 = tpu.memref_slice %arg6[%arg0, %mul3A_202, %dma_start3A_203] : memref<2x10112x48xf32, #tpu.memory_space<hbm>> -> memref<1x632x48xf32, #tpu.memory_space<hbm>>
      %dma_start3A_205 = tpu.memref_squeeze %dma_start3A_204 : memref<1x632x48xf32, #tpu.memory_space<hbm>> -> memref<632x48xf32, #tpu.memory_space<hbm>>
      %dma_start3A_206 = arith.constant 0 : i32
      %dma_start3A_207 = tpu.memref_slice %arg10[%mul3A_200, %dma_start3A_206] : memref<10112x48xf32, #tpu.memory_space<vmem_shared>> -> memref<632x48xf32, #tpu.memory_space<vmem_shared>>
      tpu.enqueue_dma source(%dma_start3A_207 : memref<632x48xf32, #tpu.memory_space<vmem_shared>>) target(%dma_start3A_205 : memref<632x48xf32, #tpu.memory_space<hbm>>) target_semaphore(%run_scoped3A : memref<!tpu.dma_semaphore, #tpu.memory_space<semaphore_mem>>)
      %dma_wait3A_208 = arith.constant 0 : i32
      %dma_wait3A_209 = tpu.memref_slice %arg6[%arg0, %mul3A_202, %dma_wait3A_208] : memref<2x10112x48xf32, #tpu.memory_space<hbm>> -> memref<1x632x48xf32, #tpu.memory_space<hbm>>
      %dma_wait3A_210 = tpu.memref_squeeze %dma_wait3A_209 : memref<1x632x48xf32, #tpu.memory_space<hbm>> -> memref<632x48xf32, #tpu.memory_space<hbm>>
      %dma_wait3A_211 = arith.constant 0 : i32
      %dma_wait3A_212 = tpu.memref_slice %arg10[%mul3A_200, %dma_wait3A_211] : memref<10112x48xf32, #tpu.memory_space<vmem_shared>> -> memref<632x48xf32, #tpu.memory_space<vmem_shared>>
      tpu.wait_dma2 semaphore(%run_scoped3A : memref<!tpu.dma_semaphore, #tpu.memory_space<semaphore_mem>>) src(%dma_wait3A_212 : memref<632x48xf32, #tpu.memory_space<vmem_shared>>) dst(%dma_wait3A_210 : memref<632x48xf32, #tpu.memory_space<hbm>>)
      tpu.yield
    }) : () -> ()
    return
  }
}

module attributes {stable_mosaic.version = 14 : i64} {
  func.func @_mm_scale_body(%arg0: i32, %arg1: memref<2000x128xf32, #tpu.memory_space<vmem>>, %arg2: memref<128x64xf32, #tpu.memory_space<vmem>>, %arg3: memref<2000x1xf32, #tpu.memory_space<vmem>>, %arg4: memref<2000x64xf32, #tpu.memory_space<vmem>>) attributes {dimension_semantics = [#tpu.dimension_semantics<arbitrary>], iteration_bounds = array<i64: 5>, scalar_prefetch = 0 : i64, scratch_operands = 0 : i64, tpu.core_type = #tpu.core_type<tc>, window_params = [{transform_indices = @transform_0, window_bounds = array<i64: 2000, 128>}, {pipeline_mode = #tpu.pipeline_mode<synchronous>, transform_indices = @transform_1, window_bounds = array<i64: 128, 64>}, {transform_indices = @transform_2, window_bounds = array<i64: 2000, 1>}, {transform_indices = @transform_3, window_bounds = array<i64: 2000, 64>}]} {
    %get3A = arith.constant 0 : index
    %get3A_0 = arith.constant 0 : index
    %get3A_1 = vector.load %arg1[%get3A, %get3A_0] : memref<2000x128xf32, #tpu.memory_space<vmem>>, vector<2000x128xf32>
    %get3A_2 = arith.constant 0 : index
    %get3A_3 = arith.constant 0 : index
    %get3A_4 = vector.load %arg2[%get3A_2, %get3A_3] : memref<128x64xf32, #tpu.memory_space<vmem>>, vector<128x64xf32>
    %dot_general3A = arith.constant dense<0.000000e+00> : vector<2000x64xf32>
    %dot_general3A_5 = tpu.matmul %get3A_1, %get3A_4, %dot_general3A {dimension_numbers = #tpu.dot_dimension_numbers<[1], [0], [0], [1], [0, 0, 1, 1], [], []>, transpose_lhs_hint = false} : vector<2000x128xf32>, vector<128x64xf32>, vector<2000x64xf32> -> vector<2000x64xf32>
    %get3A_6 = arith.constant 0 : index
    %get3A_7 = arith.constant 0 : index
    %get3A_8 = vector.load %arg3[%get3A_6, %get3A_7] : memref<2000x1xf32, #tpu.memory_space<vmem>>, vector<2000x1xf32>
    %mul3A = vector.broadcast %get3A_8 : vector<2000x1xf32> to vector<2000x64xf32>
    %mul3A_9 = arith.mulf %dot_general3A_5, %mul3A : vector<2000x64xf32>
    %swap3A = arith.constant 0 : index
    %swap3A_10 = arith.constant 0 : index
    %swap3A_11 = vector.load %arg4[%swap3A, %swap3A_10] : memref<2000x64xf32, #tpu.memory_space<vmem>>, vector<2000x64xf32>
    tpu.vector_store %arg4[%swap3A, %swap3A_10], %mul3A_9 {strides = array<i32>} : memref<2000x64xf32, #tpu.memory_space<vmem>>, vector<2000x64xf32>,
    return
  }
  func.func @transform_0(%arg0: i32) -> (i32, i32) {
    %c0_i32 = arith.constant 0 : i32
    %c0_i32_0 = arith.constant 0 : i32
    return %arg0, %c0_i32 : i32, i32
  }
  func.func @transform_1(%arg0: i32) -> (i32, i32) {
    %c0_i32 = arith.constant 0 : i32
    %c0_i32_0 = arith.constant 0 : i32
    %c0_i32_1 = arith.constant 0 : i32
    return %c0_i32, %c0_i32_0 : i32, i32
  }
  func.func @transform_2(%arg0: i32) -> (i32, i32) {
    %c0_i32 = arith.constant 0 : i32
    %c0_i32_0 = arith.constant 0 : i32
    return %arg0, %c0_i32 : i32, i32
  }
  func.func @transform_3(%arg0: i32) -> (i32, i32) {
    %c0_i32 = arith.constant 0 : i32
    %c0_i32_0 = arith.constant 0 : i32
    return %arg0, %c0_i32 : i32, i32
  }
}

module attributes {stable_mosaic.version = 14 : i64} {
  func.func @_fuse1_body(%arg0: i32, %arg1: memref<1x2000x64xf32, #tpu.memory_space<vmem>>, %arg2: memref<1x2000x64xf32, #tpu.memory_space<vmem>>, %arg3: memref<2000x64xf32, #tpu.memory_space<vmem>>, %arg4: memref<2000x1xf32, #tpu.memory_space<vmem>>, %arg5: memref<1x64xf32, #tpu.memory_space<vmem>>, %arg6: memref<64x48xf32, #tpu.memory_space<vmem>>, %arg7: memref<2000x48xf32, #tpu.memory_space<vmem>>) attributes {dimension_semantics = [#tpu.dimension_semantics<arbitrary>], iteration_bounds = array<i64: 5>, scalar_prefetch = 0 : i64, scratch_operands = 0 : i64, tpu.core_type = #tpu.core_type<tc>, window_params = [{transform_indices = @transform_0, window_bounds = array<i64: 1, 2000, 64>}, {transform_indices = @transform_1, window_bounds = array<i64: 1, 2000, 64>}, {transform_indices = @transform_2, window_bounds = array<i64: 2000, 64>}, {transform_indices = @transform_3, window_bounds = array<i64: 2000, 1>}, {pipeline_mode = #tpu.pipeline_mode<synchronous>, transform_indices = @transform_4, window_bounds = array<i64: 1, 64>}, {pipeline_mode = #tpu.pipeline_mode<synchronous>, transform_indices = @transform_5, window_bounds = array<i64: 64, 48>}, {transform_indices = @transform_6, window_bounds = array<i64: 2000, 48>}]} {
    %get3A = arith.constant 0 : index
    %get3A_0 = arith.constant 0 : index
    %get3A_1 = arith.constant 0 : index
    %get3A_2 = vector.load %arg1[%get3A, %get3A_0, %get3A_1] : memref<1x2000x64xf32, #tpu.memory_space<vmem>>, vector<1x2000x64xf32>
    %get3A_3 = vector.shape_cast %get3A_2 : vector<1x2000x64xf32> to vector<2000x64xf32>
    %get3A_4 = arith.constant 0 : index
    %get3A_5 = arith.constant 0 : index
    %get3A_6 = arith.constant 0 : index
    %get3A_7 = vector.load %arg2[%get3A_4, %get3A_5, %get3A_6] : memref<1x2000x64xf32, #tpu.memory_space<vmem>>, vector<1x2000x64xf32>
    %get3A_8 = vector.shape_cast %get3A_7 : vector<1x2000x64xf32> to vector<2000x64xf32>
    %add3A = arith.addf %get3A_3, %get3A_8 : vector<2000x64xf32>
    %get3A_9 = arith.constant 0 : index
    %get3A_10 = arith.constant 0 : index
    %get3A_11 = vector.load %arg3[%get3A_9, %get3A_10] : memref<2000x64xf32, #tpu.memory_space<vmem>>, vector<2000x64xf32>
    %add3A_12 = arith.addf %add3A, %get3A_11 : vector<2000x64xf32>
    %get3A_13 = arith.constant 0 : index
    %get3A_14 = arith.constant 0 : index
    %get3A_15 = vector.load %arg4[%get3A_13, %get3A_14] : memref<2000x1xf32, #tpu.memory_space<vmem>>, vector<2000x1xf32>
    %mul3A = vector.broadcast %get3A_15 : vector<2000x1xf32> to vector<2000x64xf32>
    %mul3A_16 = arith.mulf %mul3A, %add3A_12 : vector<2000x64xf32>
    %get3A_17 = arith.constant 0 : index
    %get3A_18 = arith.constant 0 : index
    %get3A_19 = vector.load %arg5[%get3A_17, %get3A_18] : memref<1x64xf32, #tpu.memory_space<vmem>>, vector<1x64xf32>
    %add3A_20 = vector.broadcast %get3A_19 : vector<1x64xf32> to vector<2000x64xf32>
    %add3A_21 = arith.addf %mul3A_16, %add3A_20 : vector<2000x64xf32>
    %max3A = arith.constant 0.000000e+00 : f32
    %max3A_22 = vector.broadcast %max3A : f32 to vector<2000x64xf32>
    %max3A_23 = arith.maximumf %add3A_21, %max3A_22 : vector<2000x64xf32>
    %get3A_24 = arith.constant 0 : index
    %get3A_25 = arith.constant 0 : index
    %get3A_26 = vector.load %arg6[%get3A_24, %get3A_25] : memref<64x48xf32, #tpu.memory_space<vmem>>, vector<64x48xf32>
    %dot_general3A = arith.constant dense<0.000000e+00> : vector<2000x48xf32>
    %dot_general3A_27 = tpu.matmul %max3A_23, %get3A_26, %dot_general3A {dimension_numbers = #tpu.dot_dimension_numbers<[1], [0], [0], [1], [0, 0, 1, 1], [], []>, transpose_lhs_hint = false} : vector<2000x64xf32>, vector<64x48xf32>, vector<2000x48xf32> -> vector<2000x48xf32>
    %get3A_28 = arith.constant 0 : index
    %get3A_29 = arith.constant 0 : index
    %get3A_30 = vector.load %arg4[%get3A_28, %get3A_29] : memref<2000x1xf32, #tpu.memory_space<vmem>>, vector<2000x1xf32>
    %mul3A_31 = vector.broadcast %get3A_30 : vector<2000x1xf32> to vector<2000x48xf32>
    %mul3A_32 = arith.mulf %dot_general3A_27, %mul3A_31 : vector<2000x48xf32>
    %swap3A = arith.constant 0 : index
    %swap3A_33 = arith.constant 0 : index
    %swap3A_34 = vector.load %arg7[%swap3A, %swap3A_33] : memref<2000x48xf32, #tpu.memory_space<vmem>>, vector<2000x48xf32>
    tpu.vector_store %arg7[%swap3A, %swap3A_33], %mul3A_32 {strides = array<i32>} : memref<2000x48xf32, #tpu.memory_space<vmem>>, vector<2000x48xf32>,
    return
  }
  func.func @transform_0(%arg0: i32) -> (i32, i32, i32) {
    %c0_i32 = arith.constant 0 : i32
    %c0_i32_0 = arith.constant 0 : i32
    %c0_i32_1 = arith.constant 0 : i32
    return %c0_i32, %arg0, %c0_i32_0 : i32, i32, i32
  }
  func.func @transform_1(%arg0: i32) -> (i32, i32, i32) {
    %c1_i32 = arith.constant 1 : i32
    %c0_i32 = arith.constant 0 : i32
    %c0_i32_0 = arith.constant 0 : i32
    return %c1_i32, %arg0, %c0_i32 : i32, i32, i32
  }
  func.func @transform_2(%arg0: i32) -> (i32, i32) {
    %c0_i32 = arith.constant 0 : i32
    %c0_i32_0 = arith.constant 0 : i32
    return %arg0, %c0_i32 : i32, i32
  }
  func.func @transform_3(%arg0: i32) -> (i32, i32) {
    %c0_i32 = arith.constant 0 : i32
    %c0_i32_0 = arith.constant 0 : i32
    return %arg0, %c0_i32 : i32, i32
  }
  func.func @transform_4(%arg0: i32) -> (i32, i32) {
    %c0_i32 = arith.constant 0 : i32
    %c0_i32_0 = arith.constant 0 : i32
    %c0_i32_1 = arith.constant 0 : i32
    return %c0_i32, %c0_i32_0 : i32, i32
  }
  func.func @transform_5(%arg0: i32) -> (i32, i32) {
    %c0_i32 = arith.constant 0 : i32
    %c0_i32_0 = arith.constant 0 : i32
    %c0_i32_1 = arith.constant 0 : i32
    return %c0_i32, %c0_i32_0 : i32, i32
  }
  func.func @transform_6(%arg0: i32) -> (i32, i32) {
    %c0_i32 = arith.constant 0 : i32
    %c0_i32_0 = arith.constant 0 : i32
    return %arg0, %c0_i32 : i32, i32
  }
}

module attributes {stable_mosaic.version = 14 : i64} {
  func.func @_fuse2_body(%arg0: i32, %arg1: memref<1x2000x48xf32, #tpu.memory_space<vmem>>, %arg2: memref<1x2000x48xf32, #tpu.memory_space<vmem>>, %arg3: memref<2000x48xf32, #tpu.memory_space<vmem>>, %arg4: memref<2000x1xf32, #tpu.memory_space<vmem>>, %arg5: memref<1x48xf32, #tpu.memory_space<vmem>>, %arg6: memref<2000x40xf32, #tpu.memory_space<vmem>>) attributes {dimension_semantics = [#tpu.dimension_semantics<arbitrary>], iteration_bounds = array<i64: 5>, scalar_prefetch = 0 : i64, scratch_operands = 0 : i64, tpu.core_type = #tpu.core_type<tc>, window_params = [{transform_indices = @transform_0, window_bounds = array<i64: 1, 2000, 48>}, {transform_indices = @transform_1, window_bounds = array<i64: 1, 2000, 48>}, {transform_indices = @transform_2, window_bounds = array<i64: 2000, 48>}, {transform_indices = @transform_3, window_bounds = array<i64: 2000, 1>}, {pipeline_mode = #tpu.pipeline_mode<synchronous>, transform_indices = @transform_4, window_bounds = array<i64: 1, 48>}, {transform_indices = @transform_5, window_bounds = array<i64: 2000, 40>}]} {
    %get3A = arith.constant 0 : index
    %get3A_0 = arith.constant 0 : index
    %get3A_1 = vector.load %arg4[%get3A, %get3A_0] : memref<2000x1xf32, #tpu.memory_space<vmem>>, vector<2000x1xf32>
    %get3A_2 = arith.constant 0 : index
    %get3A_3 = arith.constant 0 : index
    %get3A_4 = arith.constant 0 : index
    %get3A_5 = vector.load %arg1[%get3A_2, %get3A_3, %get3A_4] : memref<1x2000x48xf32, #tpu.memory_space<vmem>>, vector<1x2000x48xf32>
    %get3A_6 = vector.shape_cast %get3A_5 : vector<1x2000x48xf32> to vector<2000x48xf32>
    %get3A_7 = arith.constant 0 : index
    %get3A_8 = arith.constant 0 : index
    %get3A_9 = arith.constant 0 : index
    %get3A_10 = vector.load %arg2[%get3A_7, %get3A_8, %get3A_9] : memref<1x2000x48xf32, #tpu.memory_space<vmem>>, vector<1x2000x48xf32>
    %get3A_11 = vector.shape_cast %get3A_10 : vector<1x2000x48xf32> to vector<2000x48xf32>
    %add3A = arith.addf %get3A_6, %get3A_11 : vector<2000x48xf32>
    %get3A_12 = arith.constant 0 : index
    %get3A_13 = arith.constant 0 : index
    %get3A_14 = vector.load %arg3[%get3A_12, %get3A_13] : memref<2000x48xf32, #tpu.memory_space<vmem>>, vector<2000x48xf32>
    %add3A_15 = arith.addf %add3A, %get3A_14 : vector<2000x48xf32>
    %mul3A = vector.broadcast %get3A_1 : vector<2000x1xf32> to vector<2000x48xf32>
    %mul3A_16 = arith.mulf %mul3A, %add3A_15 : vector<2000x48xf32>
    %get3A_17 = arith.constant 0 : index
    %get3A_18 = arith.constant 0 : index
    %get3A_19 = vector.load %arg5[%get3A_17, %get3A_18] : memref<1x48xf32, #tpu.memory_space<vmem>>, vector<1x48xf32>
    %add3A_20 = vector.broadcast %get3A_19 : vector<1x48xf32> to vector<2000x48xf32>
    %add3A_21 = arith.addf %mul3A_16, %add3A_20 : vector<2000x48xf32>
    %slice3A = vector.extract_strided_slice %add3A_21 {offsets = [0, 0], sizes = [2000, 40], strides = [1, 1]} : vector<2000x48xf32> to vector<2000x40xf32>
    %reduce_max3A = arith.constant dense<0xFF800000> : vector<2000xf32>
    %reduce_max3A_22 = vector.multi_reduction <maximumf>, %slice3A, %reduce_max3A [1] : vector<2000x40xf32> to vector<2000xf32>
    %broadcast_in_dim3A = vector.shape_cast %reduce_max3A_22 : vector<2000xf32> to vector<2000x1xf32>
    %sub3A = vector.broadcast %broadcast_in_dim3A : vector<2000x1xf32> to vector<2000x40xf32>
    %sub3A_23 = arith.subf %slice3A, %sub3A : vector<2000x40xf32>
    %exp3A = math.exp %sub3A_23 : vector<2000x40xf32>
    %reduce_sum3A = arith.constant dense<0.000000e+00> : vector<2000xf32>
    %reduce_sum3A_24 = vector.multi_reduction <add>, %exp3A, %reduce_sum3A [1] : vector<2000x40xf32> to vector<2000xf32>
    %broadcast_in_dim3A_25 = vector.shape_cast %reduce_sum3A_24 : vector<2000xf32> to vector<2000x1xf32>
    %div3A = vector.broadcast %broadcast_in_dim3A_25 : vector<2000x1xf32> to vector<2000x40xf32>
    %div3A_26 = arith.divf %exp3A, %div3A : vector<2000x40xf32>
    %swap3A = arith.constant 0 : index
    %swap3A_27 = arith.constant 0 : index
    %swap3A_28 = vector.load %arg6[%swap3A, %swap3A_27] : memref<2000x40xf32, #tpu.memory_space<vmem>>, vector<2000x40xf32>
    tpu.vector_store %arg6[%swap3A, %swap3A_27], %div3A_26 {strides = array<i32>} : memref<2000x40xf32, #tpu.memory_space<vmem>>, vector<2000x40xf32>,
    return
  }
  func.func @transform_0(%arg0: i32) -> (i32, i32, i32) {
    %c0_i32 = arith.constant 0 : i32
    %c0_i32_0 = arith.constant 0 : i32
    %c0_i32_1 = arith.constant 0 : i32
    return %c0_i32, %arg0, %c0_i32_0 : i32, i32, i32
  }
  func.func @transform_1(%arg0: i32) -> (i32, i32, i32) {
    %c1_i32 = arith.constant 1 : i32
    %c0_i32 = arith.constant 0 : i32
    %c0_i32_0 = arith.constant 0 : i32
    return %c1_i32, %arg0, %c0_i32 : i32, i32, i32
  }
  func.func @transform_2(%arg0: i32) -> (i32, i32) {
    %c0_i32 = arith.constant 0 : i32
    %c0_i32_0 = arith.constant 0 : i32
    return %arg0, %c0_i32 : i32, i32
  }
  func.func @transform_3(%arg0: i32) -> (i32, i32) {
    %c0_i32 = arith.constant 0 : i32
    %c0_i32_0 = arith.constant 0 : i32
    return %arg0, %c0_i32 : i32, i32
  }
  func.func @transform_4(%arg0: i32) -> (i32, i32) {
    %c0_i32 = arith.constant 0 : i32
    %c0_i32_0 = arith.constant 0 : i32
    %c0_i32_1 = arith.constant 0 : i32
    return %c0_i32, %c0_i32_0 : i32, i32
  }
  func.func @transform_5(%arg0: i32) -> (i32, i32) {
    %c0_i32 = arith.constant 0 : i32
    %c0_i32_0 = arith.constant 0 : i32
    return %arg0, %c0_i32 : i32, i32
  }
}

</mosaic_0001>

<sc_bundles>
// kernel: kernel.11.cloned.1.call-start
scs
__scs_entry_jumppad:
0x0: {  	(pc) =	sbr.rel $0x88, $3  }
0x1: {  	(tag) =	ssettag $0x0;
	lr =	simm.s32 $0x1  }
0x2: {  	[smem:$0x3F9B] =	sst lr;
	_ =	strace $0xD0000000  }
0x3: {  	_ = 	snop  }
0x4: {  	_ = 	snop  }
0x5: {  	_ = 	snop  }
0x6: {  	_ = 	snop  }
0x7: {  	_ = 	snop  }
__scs_overlays_trampoline_lowered:
0x8: {  	[smem:$0x3FAA] =	sst s0  }
0x9: {  	[smem:$0x3FAB] =	sst s1  }
0xa: {  	[smem:$0x3FAC] =	sst s2  }
0xb: {  	[smem:$0x3FAD] =	sst s3  }
0xc: {  	[smem:$0x3FAE] =	sst s4  }
0xd: {  	[smem:$0x3FAF] =	sst s5  }
0xe: {  	[smem:$0x3FB0] =	sst s6  }
0xf: {  	[smem:$0x3FB1] =	sst s7  }
0x10: {  	[smem:$0x3FB2] =	sst s8  }
0x11: {  	[smem:$0x3FB3] =	sst s9;
	s0 =	simm.s32 @!p0 $0x0  }
0x12: {  	s1 =	sld [smem:$0x3F99];
	s0 =	simm.s32 @p0 $0x1  }
0x13: {  	[smem:$0x3FB4] =	sst s0;
	s0 =	simm.s32 @!p1 $0x0  }
0x14: {  	s2 =	sld [smem:$0x3F98];
	s0 =	simm.s32 @p1 $0x1  }
0x15: {  	[smem:$0x3FB5] =	sst s0;
	s0 =	simm.s32 @!p2 $0x0  }
0x16: {  	s3 =	sld [smem:$0x3FDB];
	s0 =	simm.s32 @p2 $0x1  }
0x17: {  	s4 =	simm.s32 $0x1BF5;
	[smem:$0x3FB7] =	sst s0  }
0x18: {  	s0 =	sld [smem:$0x3F9A];
	_ =	swait.ge [sflag:s4], $0x0  }
0x19: {  	s7 =	sld [smem:$0x3F9B]  }
0x1a: {  	s8 =	sadd.s32 $0xFFFFE003, lr  }
0x1b: {  	s9 =	sadd.s32 $0xFFFFFEF7, lr;
	s5 =	simm.s32 $0xFFFFFFFF;
	p2 =	slt.u32 s8, $0xFFFFF086  }
0x1c: {  	p1 =	slt.u32 s9, $0xF7A;
	s5 =	simm.s32 @!p2 $0x0  }
0x1d: {  	s5 =	simm.s32 @p1 $0x1;
	p0 =	seq.s32 s7, s2  }
0x1e: {  	s7 =	smul.u32 @!p0 $0xF7A, s2;
	p2 =	seq.s32 @!p0 s5, $0x0  }
0x1f: {  	s9 =	smul.u32 $0xF7A, s1;
	s8 =	simm.s32 @!p0 $0x1BF5;
	p2 =	por !p2, p0  }
0x20: {  	[sflag:s8] =	ssyncset.s32 @!p0 $0xFFFFF086;
	s6 =	sadd.s32 @!p0 s3, s7;
	s7 =	simm.s32 @!p0 $0x108  }
0x21: {  	s3 =	sadd.s32 s3, s9;
	s6 =	sadd.s32 @!p0 $0x88, s6;
	s7 =	simm.s32 @p2 $0x1082  }
0x22: {  	[simem:s7], [sflag:s8] =	dma.local @!p0 [hbm:s6], $0xF7A  }
0x23: {  	s9 =	sor.u32 $0xD0000000, s2;
	s6 =	simm.s32 $0x108;
	_ =	swait.ge @!p0 [sflag:s8], $0x0  }
0x24: {  	s3 =	sadd.s32 $0x88, s3;
	s6 =	simm.s32 @!p1 $0x1082;
	[sflag:s4] =	ssyncset.s32 $0xFFFFF086  }
0x25: {  	[simem:s6], [sflag:s4] =	dma.local [hbm:s3], $0xF7A  }
0x26: {  	[smem:$0x3F9B] =	sst s1;
	(tag) =	ssettag s2;
	_ =	strace s9  }
0x27: {  	s1 =	sld [smem:$0x3FAB]  }
0x28: {  	s2 =	sld [smem:$0x3FAC]  }
0x29: {  	s4 =	sld [smem:$0x3FAE]  }
0x2a: {  	p0 =	seq.s32 s5, $0x0;
	s5 =	sld [smem:$0x3FAF]  }
0x2b: {  	s6 =	sld [smem:$0x3FB0]  }
0x2c: {  	s7 =	sld [smem:$0x3FB1]  }
0x2d: {  	s3 =	simm.s32 $0x108;
	s8 =	sld [smem:$0x3FB2]  }
0x2e: {  	s3 =	simm.s32 @!p0 $0x1082;
	s9 =	sld [smem:$0x3FB3]  }
0x2f: {  	lr =	sadd.s32 s0, s3;
	s0 =	sld [smem:$0x3FAA]  }
0x30: {  	s3 =	sld [smem:$0x3FAD]  }
0x31: {  	[smem:$0x3FB6] =	sst s10  }
0x32: {  	s10 =	sld [smem:$0x3FB4];
	_ =	sdelay $0x3  }
0x33: {  	p0 =	seq.s32 s10, $0x1;
	s10 =	sld [smem:$0x3FB6];
	_ =	sdelay $0x3  }
0x34: {  	[smem:$0x3FB6] =	sst s10  }
0x35: {  	s10 =	sld [smem:$0x3FB5];
	_ =	sdelay $0x3  }
0x36: {  	p1 =	seq.s32 s10, $0x1;
	s10 =	sld [smem:$0x3FB6];
	_ =	sdelay $0x3  }
0x37: {  	[smem:$0x3FB6] =	sst s10  }
0x38: {  	s10 =	sld [smem:$0x3FB7]  }
0x39: {  	_ = 	snop;
	(pc) =	sbr.ind lr, $3  }
0x3a: {  	_ = 	snop  }
0x3b: {  	_ = 	snop  }
0x3c: {  	p2 =	seq.s32 s10, $0x1;
	s10 =	sld [smem:$0x3FB6]  }
0x3d: {  	_ =	shalt  }
0x3e: {  	_ =	shalt  }
0x3f: {  	_ =	shalt  }
0x40: {  	_ =	shalt  }
0x41: {  	_ =	shalt  }
0x42: {  	_ =	shalt  }
0x43: {  	_ =	shalt  }
0x44: {  	_ =	shalt  }
0x45: {  	_ =	shalt  }
0x46: {  	_ =	shalt  }
0x47: {  	_ =	shalt  }
0x48: {  	_ =	shalt  }
0x49: {  	_ =	shalt  }
0x4a: {  	_ =	shalt  }
0x4b: {  	_ =	shalt  }
0x4c: {  	_ =	shalt  }
0x4d: {  	_ =	shalt  }
0x4e: {  	_ =	shalt  }
0x4f: {  	_ =	shalt  }
0x50: {  	_ =	shalt  }
0x51: {  	_ =	shalt  }
0x52: {  	_ =	shalt  }
0x53: {  	_ =	shalt  }
0x54: {  	_ =	shalt  }
0x55: {  	_ =	shalt  }
0x56: {  	_ =	shalt  }
0x57: {  	_ =	shalt  }
0x58: {  	_ =	shalt  }
0x59: {  	_ =	shalt  }
0x5a: {  	_ =	shalt  }
0x5b: {  	_ =	shalt  }
0x5c: {  	_ =	shalt  }
0x5d: {  	_ =	shalt  }
0x5e: {  	_ =	shalt  }
0x5f: {  	_ =	shalt  }
0x60: {  	_ =	shalt  }
0x61: {  	_ =	shalt  }
0x62: {  	_ =	shalt  }
0x63: {  	_ =	shalt  }
0x64: {  	_ =	shalt  }
0x65: {  	_ =	shalt  }
0x66: {  	_ =	shalt  }
0x67: {  	_ =	shalt  }
0x68: {  	_ =	shalt  }
0x69: {  	_ =	shalt  }
0x6a: {  	_ =	shalt  }
0x6b: {  	_ =	shalt  }
0x6c: {  	_ =	shalt  }
0x6d: {  	_ =	shalt  }
0x6e: {  	_ =	shalt  }
0x6f: {  	_ =	shalt  }
0x70: {  	_ =	shalt  }
0x71: {  	_ =	shalt  }
0x72: {  	_ =	shalt  }
0x73: {  	_ =	shalt  }
0x74: {  	_ =	shalt  }
0x75: {  	_ =	shalt  }
0x76: {  	_ =	shalt  }
0x77: {  	_ =	shalt  }
0x78: {  	_ =	shalt  }
0x79: {  	_ =	shalt  }
0x7a: {  	_ =	shalt  }
0x7b: {  	_ =	shalt  }
0x7c: {  	_ =	shalt  }
0x7d: {  	_ =	shalt  }
0x7e: {  	_ =	shalt  }
0x7f: {  	_ =	shalt  }
0x80: {  	_ =	shalt  }
0x81: {  	_ =	shalt  }
0x82: {  	_ =	shalt  }
0x83: {  	_ =	shalt  }
0x84: {  	_ =	shalt  }
0x85: {  	_ =	shalt  }
0x86: {  	_ =	shalt  }
0x87: {  	_ =	shalt  }
.Lfunc_end0:
.L_simem_size_0:
called_computation.1_lowered:
.L_overlay_start_0:
0x88: {  	s2 =	sld [smem:$0x3FD9]  }
0x89: {  	s3 =	sld [smem:$0x3FFE];
	_ =	sdelay $0x1  }
0x8a: {  	s1 =	srdreg.scid  }
0x8b: {  	s0 =	sand.u32 $0x1, s1  }
0x8c: {  	s17 =	sshll.u32 s0, $0xA;
	s2 =	sadd.s32 s3, s2  }
0x8d: {  	s2 =	sadd.s32 s2, s17  }
0x8e: {  	[smem:$0x3FC2] =	sst s2  }
0x8f: {  	_ = 	snop  }
0x90: {  	s2 =	sld [smem:$0x3FD0];
	(tm) =	ssettm $0x1  }
0x91: {  	s18 =	sld [smem:$0x3FFB];
	_ =	sdelay $0x3  }
0x92: {  	_ =	strace s18  }
0x93: {  	s3 =	sld [smem:$0x3FFC];
	_ =	sdelay $0x3  }
0x94: {  	_ =	strace s3  }
0x95: {  	s3 =	sld [smem:$0x3FFD];
	_ =	sdelay $0x3  }
0x96: {  	_ =	strace s3  }
0x97: {  	_ =	strace $0x8FFFFFFF  }
0x98: {  	s19 =	sld [smem:$0x3FDB];
	_ =	sdelay $0x1  }
0x99: {  	s4 =	simm.s32 $_scs_section_size  }
0x9a: {  	s5 =	simm.s32 $_size__tile_overlayer_lowered;
	s6 =	simm.s32 $_tile_overlayer_lowered  }
0x9b: {  	s22 =	simm.s32 $0x1BFF;
	s21 =	sshll.u32 s6, $0x1;
	s3 =	sadd.s32 s4, s19  }
0x9c: {  	s7 =	simm.s32 $0x0;
	s20 =	sshll.u32 s5, $0x1;
	s5 =	sadd.s32 s21, s3  }
0x9d: {  	[timem:s7], [sflag:s22] =	dma.local [hbm:s5], s20  }
0x9e: {  	_ =	swait.ge [sflag:s22], s20  }
0x9f: {  	s4 =	ssub.s32 $0x0, s20;
	[sflag:s22] =	ssyncset.done $0x0  }
0xa0: {  	[sflag:s22] =	ssyncadd.s32 s4;
	_ =	sdelay $0x1  }
0xa1: {  	s23 =	simm.s32 $0x1B8B  }
0xa2: {  	_ =	swait.ge [sflag:s23], $0x1  }
0xa3: {  	[sflag:s23] =	ssyncset.done $0x0  }
0xa4: {  	s25 =	simm.s32 $0x1B8E;
	s24 =	sld [smem:$0x3FFE];
	[sflag:s23] =	ssyncadd.s32 $0xFFFFFFFF  }
0xa5: {  	s26 =	simm.s32 $execute0_lowered;
	[smem:$0x3FD2] =	sst s25  }
0xa6: {  	s5 =	sshll.u32 s26, $0x1;
	_ =	strace $0x80000049;
	[dreg:$0x1] =	wrdreg $0xFFFFFFFF  }
0xa7: {  	s28 =	simm.s32 $_size_execute0_lowered;
	s3 =	sadd.s32 s3, s5;
	[dreg:$0x0] =	wrdreg $0x0  }
0xa8: {  	s5 =	sshll.u32 s28, $0x1;
	[dreg:$0x2] =	wrdreg s3  }
0xa9: {  	[dreg:$0x3] =	wrdreg s5  }
0xaa: {  	[dreg:$0x4] =	wrdreg $0xC0  }
0xab: {  	_ =	task [dreg:s7], $0x5FFFF  }
0xac: {  	[dreg:$0x1] =	wrdreg $0xFFFFFFFF  }
0xad: {  	[dreg:$0x0] =	wrdreg $0x60  }
0xae: {  	[dreg:$0x2] =	wrdreg s24  }
0xaf: {  	[dreg:$0x3] =	wrdreg s2  }
0xb0: {  	[dreg:$0x4] =	wrdreg $0x150000  }
0xb1: {  	[dreg:$0x5] =	wrdreg $0x9  }
0xb2: {  	_ =	task.clear_ibuf [dreg:s7], $0x6FFFF;
	_ =	strace $0x90000049  }
0xb3: {  	s29 =	simm.s32 $0x9;
	_ =	strace $0x8000004B  }
0xb4: {  	_ =	swait.ge [sflag:s29], $0x1  }
0xb5: {  	[sflag:s29] =	ssyncadd.s32 $0xFFFFFFFF  }
0xb6: {  	_ =	strace $0x9000004B  }
0xb7: {  	_ =	sfence  }
0xb8: {  	s30 =	sld [smem:$0x0];
	_ =	sdelay $0x2  }
0xb9: {  	s31 =	sshll.u32 s1, $0xD;
	s1 =	sshrl.u32 s1, $0x2  }
0xba: {  	s3 =	sand.u32 $0x4000, s31;
	s1 =	sadd.s32 s1, s30  }
0xbb: {  	s0 =	sor.u32 s3, s0;
	s1 =	sshll.u32 s1, $0x11  }
0xbc: {  	s0 =	sor.u32 s1, s0  }
0xbd: {  	s0 =	sadd.s32 $0x8F2B, s0  }
0xbe: {  	[sflag:s0] =	ssyncadd.remote.s32 $0x1  }
0xbf: {  	_ =	sfence.sel $0xFFFF  }
0xc0: {  	[dreg:$0x0] =	wrdreg $0xFFFFFFFF;
	(pc) =	sbr.abs _section_cstart, $3  }
0xc1: {  	[dreg:$0x1] =	wrdreg $0xFFFFFFFF  }
0xc2: {  	_ =	task.clear_ibuf [dreg:s7], $0x2FFFF;
	_ =	strace $0x9FFFFFFF  }
0xc3: {  	(tm) =	ssettm $0x7FFFFFFF  }
tec
execute0_lowered:
.L_overlay_start_1:
0x0: {  	(tag) =	ssettag $0x1  }
0x1: {  	s0 =	rddreg [dreg:$0x0]  }
0x2: {  	s1 =	rddreg [dreg:$0x1]  }
0x3: {  	s2 =	rddreg [dreg:$0x2]  }
0x4: {  	s6 =	simm.s32 $0x0;
	s3 =	srdreg.scid;
	s10 =	stileid.u32  }
0x5: {  	s12 =	simm.s32 $0x11;
	s14 =	simm.s32 $0x80;
	s15 =	simm.s32 $0x5000  }
0x6: {  	s16 =	simm.s32 $0x7000;
	s18 =	simm.s32 $0x9000;
	s20 =	simm.s32 $0xB000  }
0x7: {  	s29 =	simm.s32 $0x13000;
	s30 =	simm.s32 $0x1;
	s31 =	simm.s32 $0x2  }
0x8: {  	s17 =	simm.s32 $0xA;
	s19 =	simm.s32 $0xB;
	s21 =	simm.s32 $0xC  }
0x9: {  	s28 =	simm.s32 $0x7;
	s3 =	sand.u32 $0x1, s3;
	s4 =	sshll.u32 s10, $0x1  }
0xa: {  	s5 =	smul.u32 $0x9E00, s10;
	[smem:$0x7FF] =	sst s6;
	s11 =	sadd.s32 $0x1F000, s0  }
0xb: {  	s26 =	sshll.u32 s10, $0x6;
	s4 =	sor.u32 s3, s4;
	s22 =	smul.u32 $0x9E000, s3  }
0xc: {  	_ =	strace $0x8000004A;
	s3 =	ssub.s32 $0x2, s3;
	[dreg:$0x4] =	wrdreg s11  }
0xd: {  	s10 =	sor.u32 $0x1C11, s26;
	s26 =	simm.s32 $0x11000;
	s11 =	simm.s32 $0x9  }
0xe: {  	s7 =	smul.u32 $0x500, s4;
	s4 =	sadd.s32 $0xB600, s0;
	s9 =	sshrl.u32 s3, $0x1  }
0xf: {  	s24 =	sadd.s32 s5, s2;
	[dreg:$0x9] =	wrdreg s10;
	s6 =	sadd.s32 s5, s22  }
0x10: {  	s3 =	ssub.s32 s3, s9;
	s13 =	sshrl.u32 s24, $0x3;
	s22 =	simm.s32 $0xD000  }
0x11: {  	s24 =	simm.s32 $0xF000;
	s5 =	simm.s32 $0x8;
	s9 =	simm.s32 $0x10  }
0x12: {  	s8 =	sadd.s32 s7, s0;
	s6 =	sshrl.u32 s6, $0x3;
	s1 =	sadd.s32 s1, s7  }
0x13: {  	s25 =	smax.u32 s3, $0x1;
	s7 =	simm.s32 $0xE;
	[dreg:$0xa] =	wrdreg s13  }
0x14: {  	s3 =	simm.s32 $0x0;
	s0 =	sadd.s32 s6, s0;
	[dreg:$0x6] =	wrdreg s1  }
0x15: {  	s23 =	sadd.s32 $0x1600, s8;
	[dreg:$0x8] =	wrdreg s25;
	s1 =	simm.s32 $0x4  }
0x16: {  	s25 =	simm.s32 $0x6;
	s6 =	simm.s32 $0xD;
	[dreg:$0xb] =	wrdreg s3  }
0x17: {  	s8 =	simm.s32 $0xF;
	[dreg:$0x5] =	wrdreg s23;
	s0 =	sadd.s32 $0x20400, s0  }
0x18: {  	s23 =	simm.s32 $0x5;
	[dreg:$0x7] =	wrdreg s0;
	s0 =	simm.s32 $0x3  }
.LBB2_1:
0x19: {  	s10 =	simm.s32 $0x0;
	s3 =	rddreg [dreg:$0x5]  }
0x1a: {  	[tilespmem:s10], [sflag:$0x11] =	stream.linear.gather [hbm4b:s3+s10], $0x2800, $0x38;
	[tilespmem:$0x1EE00] =	vst v63  }
0x1b: {  	_ =	swait.ge [sflag:s12], $0x2800  }
0x1c: {  	s13 =	simm.s32 $0x2800;
	[sflag:s12] =	ssyncset.done $0x0  }
0x1d: {  	s10 =	simm.s32 $0x0;
	s3 =	rddreg [dreg:$0x6];
	[sflag:s12] =	ssyncadd.s32 $0xFFFFD800  }
0x1e: {  	[tilespmem:s13], [sflag:$0x11] =	stream.linear.gather [hbm4b:s3+s10], $0x2800, $0x38;
	[tilespmem:$0x1EE00] =	vst v63  }
0x1f: {  	_ =	swait.ge [sflag:s12], $0x2800  }
0x20: {  	s3 =	rddreg [dreg:$0x4]  }
0x21: {  	[sflag:s12] =	ssyncset.done $0x0;
	s13 =	rddreg [dreg:$0x9]  }
0x22: {  	s10 =	rddreg [dreg:$0xa];
	[sflag:s12] =	ssyncadd.s32 $0xFFFFD800  }
0x23: {  	[spmem:s10], [sflag:s13] =	dma.local [hbm:s3], $0x13C0  }
0x24: {  	_ =	swait.ge [sflag:s12], $0x13C0  }
0x25: {  	[sflag:s12] =	ssyncset.done $0x0  }
0x26: {  	s10 =	simm.s32 $0x0;
	[sflag:s12] =	ssyncadd.s32 $0xFFFFEC40  }
0x27: {  	[tilespmem:s15], [sflag:$0x1] =	stream.indirect.gather [hbm4b:s4+s14], $0x40, s10, s14, $0xb8;
	[tilespmem:$0x1EE00] =	vst v63  }
0x28: {  	_ = 	snop  }
0x29: {  	[tilespmem:s16], [sflag:$0x2] =	stream.indirect.gather [hbm4b:s4+s14], $0x40, s14, s14, $0xb8;
	[tilespmem:$0x1EE00] =	vst v63  }
0x2a: {  	s13 =	simm.s32 $0x100  }
0x2b: {  	[tilespmem:s18], [sflag:$0x3] =	stream.indirect.gather [hbm4b:s4+s14], $0x40, s13, s14, $0xb8;
	[tilespmem:$0x1EE00] =	vst v63  }
0x2c: {  	s12 =	simm.s32 $0x180  }
0x2d: {  	[tilespmem:s20], [sflag:$0x4] =	stream.indirect.gather [hbm4b:s4+s14], $0x40, s12, s14, $0xb8;
	[tilespmem:$0x1EE00] =	vst v63  }
0x2e: {  	s13 =	simm.s32 $0x200  }
0x2f: {  	[tilespmem:s22], [sflag:$0x5] =	stream.indirect.gather [hbm4b:s4+s14], $0x40, s13, s14, $0xb8;
	[tilespmem:$0x1EE00] =	vst v63  }
0x30: {  	s12 =	simm.s32 $0x280  }
0x31: {  	[tilespmem:s24], [sflag:$0x6] =	stream.indirect.gather [hbm4b:s4+s14], $0x40, s12, s14, $0xb8;
	[tilespmem:$0x1EE00] =	vst v63  }
0x32: {  	s13 =	simm.s32 $0x300  }
0x33: {  	[tilespmem:s26], [sflag:$0x7] =	stream.indirect.gather [hbm4b:s4+s14], $0x40, s13, s14, $0xb8;
	[tilespmem:$0x1EE00] =	vst v63  }
0x34: {  	s12 =	simm.s32 $0x380  }
0x35: {  	[tilespmem:s29], [sflag:$0x8] =	stream.indirect.gather [hbm4b:s4+s14], $0x40, s12, s14, $0xb8;
	[tilespmem:$0x1EE00] =	vst v63  }
0x36: {  	[bflag:$0x0] =	sbarrier.arrive $0xFFFF  }
0x37: {  	_ =	swait.ge [sflag:s30], $0x2000  }
0x38: {  	[sflag:s30] =	ssyncset.done $0x0  }
0x39: {  	s13 =	simm.s32 $0x2800;
	[sflag:s30] =	ssyncadd.s32 $0xFFFFE000  }
0x3a: {  	[spmem:s2] =	stream.indirect.scatter.add.f32 [tilespmem:s15], [sflag:$0x9], $0x40, s13, s14, $0xb8;
	[tilespmem:$0x1EE00] =	vst v63  }
0x3b: {  	_ =	swait.ge [sflag:s31], $0x2000  }
0x3c: {  	[sflag:s31] =	ssyncset.done $0x0  }
0x3d: {  	s12 =	simm.s32 $0x2880;
	[sflag:s31] =	ssyncadd.s32 $0xFFFFE000  }
0x3e: {  	[spmem:s2] =	stream.indirect.scatter.add.f32 [tilespmem:s16], [sflag:$0xA], $0x40, s12, s14, $0xb8;
	[tilespmem:$0x1EE00] =	vst v63  }
0x3f: {  	_ =	swait.ge [sflag:s0], $0x2000  }
0x40: {  	[sflag:s0] =	ssyncset.done $0x0  }
0x41: {  	s13 =	simm.s32 $0x2900;
	[sflag:s0] =	ssyncadd.s32 $0xFFFFE000  }
0x42: {  	[spmem:s2] =	stream.indirect.scatter.add.f32 [tilespmem:s18], [sflag:$0xB], $0x40, s13, s14, $0xb8;
	[tilespmem:$0x1EE00] =	vst v63  }
0x43: {  	_ =	swait.ge [sflag:s1], $0x2000  }
0x44: {  	[sflag:s1] =	ssyncset.done $0x0  }
0x45: {  	s12 =	simm.s32 $0x2980;
	[sflag:s1] =	ssyncadd.s32 $0xFFFFE000  }
0x46: {  	[spmem:s2] =	stream.indirect.scatter.add.f32 [tilespmem:s20], [sflag:$0xC], $0x40, s12, s14, $0xb8;
	[tilespmem:$0x1EE00] =	vst v63  }
0x47: {  	s13 =	smin.u32 s10, $0x47;
	_ =	swait.ge [sflag:s11], $0x2000  }
0x48: {  	s3 =	sshll.u32 s13, $0x7;
	[sflag:s11] =	ssyncset.done $0x0  }
0x49: {  	s3 =	sadd.s32 $0x400, s3;
	[sflag:s11] =	ssyncadd.s32 $0xFFFFE000  }
0x4a: {  	[tilespmem:s15], [sflag:$0x1] =	stream.indirect.gather [hbm4b:s4+s14], $0x40, s3, s14, $0xb8;
	[tilespmem:$0x1EE00] =	vst v63  }
0x4b: {  	s12 =	smin.u32 s10, $0x46;
	_ =	swait.ge [sflag:s17], $0x2000  }
0x4c: {  	s3 =	sshll.u32 s12, $0x7;
	[sflag:s17] =	ssyncset.done $0x0  }
0x4d: {  	s3 =	sadd.s32 $0x480, s3;
	[sflag:s17] =	ssyncadd.s32 $0xFFFFE000  }
0x4e: {  	[tilespmem:s16], [sflag:$0x2] =	stream.indirect.gather [hbm4b:s4+s14], $0x40, s3, s14, $0xb8;
	[tilespmem:$0x1EE00] =	vst v63  }
0x4f: {  	s13 =	smin.u32 s10, $0x45;
	_ =	swait.ge [sflag:s19], $0x2000  }
0x50: {  	s3 =	sshll.u32 s13, $0x7;
	[sflag:s19] =	ssyncset.done $0x0  }
0x51: {  	s3 =	sadd.s32 $0x500, s3;
	[sflag:s19] =	ssyncadd.s32 $0xFFFFE000  }
0x52: {  	[tilespmem:s18], [sflag:$0x3] =	stream.indirect.gather [hbm4b:s4+s14], $0x40, s3, s14, $0xb8;
	[tilespmem:$0x1EE00] =	vst v63  }
0x53: {  	s12 =	smin.u32 s10, $0x44;
	_ =	swait.ge [sflag:s21], $0x2000  }
0x54: {  	s3 =	sshll.u32 s12, $0x7;
	[sflag:s21] =	ssyncset.done $0x0  }
0x55: {  	s3 =	sadd.s32 $0x580, s3;
	[sflag:s21] =	ssyncadd.s32 $0xFFFFE000  }
0x56: {  	[tilespmem:s20], [sflag:$0x4] =	stream.indirect.gather [hbm4b:s4+s14], $0x40, s3, s14, $0xb8;
	[tilespmem:$0x1EE00] =	vst v63  }
0x57: {  	_ =	swait.ge [sflag:s23], $0x2000  }
0x58: {  	[sflag:s23] =	ssyncset.done $0x0  }
0x59: {  	s13 =	simm.s32 $0x2A00;
	[sflag:s23] =	ssyncadd.s32 $0xFFFFE000  }
0x5a: {  	[spmem:s2] =	stream.indirect.scatter.add.f32 [tilespmem:s22], [sflag:$0xD], $0x40, s13, s14, $0xb8;
	[tilespmem:$0x1EE00] =	vst v63  }
0x5b: {  	_ =	swait.ge [sflag:s25], $0x2000  }
0x5c: {  	[sflag:s25] =	ssyncset.done $0x0  }
0x5d: {  	s12 =	simm.s32 $0x2A80;
	[sflag:s25] =	ssyncadd.s32 $0xFFFFE000  }
0x5e: {  	[spmem:s2] =	stream.indirect.scatter.add.f32 [tilespmem:s24], [sflag:$0xE], $0x40, s12, s14, $0xb8;
	[tilespmem:$0x1EE00] =	vst v63  }
0x5f: {  	_ =	swait.ge [sflag:s28], $0x2000  }
0x60: {  	[sflag:s28] =	ssyncset.done $0x0  }
0x61: {  	s13 =	simm.s32 $0x2B00;
	[sflag:s28] =	ssyncadd.s32 $0xFFFFE000  }
0x62: {  	[spmem:s2] =	stream.indirect.scatter.add.f32 [tilespmem:s26], [sflag:$0xF], $0x40, s13, s14, $0xb8;
	[tilespmem:$0x1EE00] =	vst v63  }
0x63: {  	_ =	swait.ge [sflag:s5], $0x2000  }
0x64: {  	[sflag:s5] =	ssyncset.done $0x0  }
0x65: {  	s10 =	simm.s32 $0x0;
	s12 =	simm.s32 $0x2B80;
	[sflag:s5] =	ssyncadd.s32 $0xFFFFE000  }
0x66: {  	[spmem:s2] =	stream.indirect.scatter.add.f32 [tilespmem:s29], [sflag:$0x10], $0x40, s12, s14, $0xb8;
	[tilespmem:$0x1EE00] =	vst v63  }
0x67: {  	s13 =	smin.u32 s10, $0x43;
	_ =	swait.ge [sflag:s6], $0x2000  }
0x68: {  	s3 =	sshll.u32 s13, $0x7;
	[sflag:s6] =	ssyncset.done $0x0  }
0x69: {  	s3 =	sadd.s32 $0x600, s3;
	[sflag:s6] =	ssyncadd.s32 $0xFFFFE000  }
0x6a: {  	[tilespmem:s22], [sflag:$0x5] =	stream.indirect.gather [hbm4b:s4+s14], $0x40, s3, s14, $0xb8;
	[tilespmem:$0x1EE00] =	vst v63  }
0x6b: {  	s12 =	smin.u32 s10, $0x42;
	_ =	swait.ge [sflag:s7], $0x2000  }
0x6c: {  	s3 =	sshll.u32 s12, $0x7;
	[sflag:s7] =	ssyncset.done $0x0  }
0x6d: {  	s3 =	sadd.s32 $0x680, s3;
	[sflag:s7] =	ssyncadd.s32 $0xFFFFE000  }
0x6e: {  	[tilespmem:s24], [sflag:$0x6] =	stream.indirect.gather [hbm4b:s4+s14], $0x40, s3, s14, $0xb8;
	[tilespmem:$0x1EE00] =	vst v63  }
0x6f: {  	s13 =	smin.u32 s10, $0x41;
	_ =	swait.ge [sflag:s8], $0x2000  }
0x70: {  	s3 =	sshll.u32 s13, $0x7;
	[sflag:s8] =	ssyncset.done $0x0  }
0x71: {  	s3 =	sadd.s32 $0x700, s3;
	[sflag:s8] =	ssyncadd.s32 $0xFFFFE000  }
0x72: {  	[tilespmem:s26], [sflag:$0x7] =	stream.indirect.gather [hbm4b:s4+s14], $0x40, s3, s14, $0xb8;
	[tilespmem:$0x1EE00] =	vst v63  }
0x73: {  	s12 =	smin.u32 s10, $0x40;
	_ =	swait.ge [sflag:s9], $0x2000  }
0x74: {  	s13 =	simm.s32 $0x1000;
	s3 =	sshll.u32 s12, $0x7;
	[sflag:s9] =	ssyncset.done $0x0  }
0x75: {  	s10 =	sadd.s32 $0x780, s3;
	s3 =	simm.s32 $0x8;
	[sflag:s9] =	ssyncadd.s32 $0xFFFFE000  }
.LBB2_2:
0x76: {  	[tilespmem:s29], [sflag:$0x8] =	stream.indirect.gather [hbm4b:s4+s14], $0x40, s10, s14, $0xb8;
	[tilespmem:$0x1EE00] =	vst v63  }
0x77: {  	s10 =	smov.u32 s13  }
0x78: {  	p0 =	sne.s32 s13, $0x9000;
	s13 =	sadd.s32 $0x1000, s13;
	_ =	swait.ge [sflag:s30], $0x2000  }
0x79: {  	s10 =	sshra.s32 s10, $0x2;
	[sflag:s30] =	ssyncset.done $0x0  }
0x7a: {  	s12 =	sadd.s32 $0x2800, s10;
	[sflag:s30] =	ssyncadd.s32 $0xFFFFE000  }
0x7b: {  	[spmem:s2] =	stream.indirect.scatter.add.f32 [tilespmem:s15], [sflag:$0x9], $0x40, s12, s14, $0xb8;
	[tilespmem:$0x1EE00] =	vst v63  }
0x7c: {  	_ =	swait.ge [sflag:s31], $0x2000  }
0x7d: {  	[sflag:s31] =	ssyncset.done $0x0  }
0x7e: {  	s12 =	sadd.s32 $0x2880, s10;
	[sflag:s31] =	ssyncadd.s32 $0xFFFFE000  }
0x7f: {  	[spmem:s2] =	stream.indirect.scatter.add.f32 [tilespmem:s16], [sflag:$0xA], $0x40, s12, s14, $0xb8;
	[tilespmem:$0x1EE00] =	vst v63  }
0x80: {  	_ =	swait.ge [sflag:s0], $0x2000  }
0x81: {  	[sflag:s0] =	ssyncset.done $0x0  }
0x82: {  	s12 =	sadd.s32 $0x2900, s10;
	[sflag:s0] =	ssyncadd.s32 $0xFFFFE000  }
0x83: {  	[spmem:s2] =	stream.indirect.scatter.add.f32 [tilespmem:s18], [sflag:$0xB], $0x40, s12, s14, $0xb8;
	[tilespmem:$0x1EE00] =	vst v63  }
0x84: {  	_ =	swait.ge [sflag:s1], $0x2000  }
0x85: {  	[sflag:s1] =	ssyncset.done $0x0  }
0x86: {  	s12 =	sadd.s32 $0x2980, s10;
	[sflag:s1] =	ssyncadd.s32 $0xFFFFE000  }
0x87: {  	[spmem:s2] =	stream.indirect.scatter.add.f32 [tilespmem:s20], [sflag:$0xC], $0x40, s12, s14, $0xb8;
	[tilespmem:$0x1EE00] =	vst v63  }
0x88: {  	s12 =	smin.u32 s3, $0x47;
	_ =	swait.ge [sflag:s11], $0x2000  }
0x89: {  	s12 =	sshll.u32 s12, $0x7;
	[sflag:s11] =	ssyncset.done $0x0  }
0x8a: {  	s12 =	sadd.s32 $0x400, s12;
	[sflag:s11] =	ssyncadd.s32 $0xFFFFE000  }
0x8b: {  	[tilespmem:s15], [sflag:$0x1] =	stream.indirect.gather [hbm4b:s4+s14], $0x40, s12, s14, $0xb8;
	[tilespmem:$0x1EE00] =	vst v63  }
0x8c: {  	s12 =	smin.u32 s3, $0x46;
	_ =	swait.ge [sflag:s17], $0x2000  }
0x8d: {  	s12 =	sshll.u32 s12, $0x7;
	[sflag:s17] =	ssyncset.done $0x0  }
0x8e: {  	s12 =	sadd.s32 $0x480, s12;
	[sflag:s17] =	ssyncadd.s32 $0xFFFFE000  }
0x8f: {  	[tilespmem:s16], [sflag:$0x2] =	stream.indirect.gather [hbm4b:s4+s14], $0x40, s12, s14, $0xb8;
	[tilespmem:$0x1EE00] =	vst v63  }
0x90: {  	s12 =	smin.u32 s3, $0x45;
	_ =	swait.ge [sflag:s19], $0x2000  }
0x91: {  	s12 =	sshll.u32 s12, $0x7;
	[sflag:s19] =	ssyncset.done $0x0  }
0x92: {  	s12 =	sadd.s32 $0x500, s12;
	[sflag:s19] =	ssyncadd.s32 $0xFFFFE000  }
0x93: {  	[tilespmem:s18], [sflag:$0x3] =	stream.indirect.gather [hbm4b:s4+s14], $0x40, s12, s14, $0xb8;
	[tilespmem:$0x1EE00] =	vst v63  }
0x94: {  	s12 =	smin.u32 s3, $0x44;
	_ =	swait.ge [sflag:s21], $0x2000  }
0x95: {  	s12 =	sshll.u32 s12, $0x7;
	[sflag:s21] =	ssyncset.done $0x0  }
0x96: {  	s12 =	sadd.s32 $0x580, s12;
	[sflag:s21] =	ssyncadd.s32 $0xFFFFE000  }
0x97: {  	[tilespmem:s20], [sflag:$0x4] =	stream.indirect.gather [hbm4b:s4+s14], $0x40, s12, s14, $0xb8;
	[tilespmem:$0x1EE00] =	vst v63  }
0x98: {  	_ =	swait.ge [sflag:s23], $0x2000  }
0x99: {  	[sflag:s23] =	ssyncset.done $0x0  }
0x9a: {  	s12 =	sadd.s32 $0x2A00, s10;
	[sflag:s23] =	ssyncadd.s32 $0xFFFFE000  }
0x9b: {  	[spmem:s2] =	stream.indirect.scatter.add.f32 [tilespmem:s22], [sflag:$0xD], $0x40, s12, s14, $0xb8;
	[tilespmem:$0x1EE00] =	vst v63  }
0x9c: {  	_ =	swait.ge [sflag:s25], $0x2000  }
0x9d: {  	[sflag:s25] =	ssyncset.done $0x0  }
0x9e: {  	s12 =	sadd.s32 $0x2A80, s10;
	[sflag:s25] =	ssyncadd.s32 $0xFFFFE000  }
0x9f: {  	[spmem:s2] =	stream.indirect.scatter.add.f32 [tilespmem:s24], [sflag:$0xE], $0x40, s12, s14, $0xb8;
	[tilespmem:$0x1EE00] =	vst v63  }
0xa0: {  	_ =	swait.ge [sflag:s28], $0x2000  }
0xa1: {  	[sflag:s28] =	ssyncset.done $0x0  }
0xa2: {  	s12 =	sadd.s32 $0x2B00, s10;
	[sflag:s28] =	ssyncadd.s32 $0xFFFFE000  }
0xa3: {  	[spmem:s2] =	stream.indirect.scatter.add.f32 [tilespmem:s26], [sflag:$0xF], $0x40, s12, s14, $0xb8;
	[tilespmem:$0x1EE00] =	vst v63  }
0xa4: {  	_ =	swait.ge [sflag:s5], $0x2000  }
0xa5: {  	[sflag:s5] =	ssyncset.done $0x0  }
0xa6: {  	s10 =	sadd.s32 $0x2B80, s10;
	[sflag:s5] =	ssyncadd.s32 $0xFFFFE000  }
0xa7: {  	[spmem:s2] =	stream.indirect.scatter.add.f32 [tilespmem:s29], [sflag:$0x10], $0x40, s10, s14, $0xb8;
	[tilespmem:$0x1EE00] =	vst v63  }
0xa8: {  	s10 =	smin.u32 s3, $0x43;
	_ =	swait.ge [sflag:s6], $0x2000  }
0xa9: {  	s10 =	sshll.u32 s10, $0x7;
	[sflag:s6] =	ssyncset.done $0x0  }
0xaa: {  	s10 =	sadd.s32 $0x600, s10;
	[sflag:s6] =	ssyncadd.s32 $0xFFFFE000  }
0xab: {  	[tilespmem:s22], [sflag:$0x5] =	stream.indirect.gather [hbm4b:s4+s14], $0x40, s10, s14, $0xb8;
	[tilespmem:$0x1EE00] =	vst v63  }
0xac: {  	s10 =	smin.u32 s3, $0x42;
	_ =	swait.ge [sflag:s7], $0x2000  }
0xad: {  	s10 =	sshll.u32 s10, $0x7;
	[sflag:s7] =	ssyncset.done $0x0  }
0xae: {  	s10 =	sadd.s32 $0x680, s10;
	[sflag:s7] =	ssyncadd.s32 $0xFFFFE000  }
0xaf: {  	[tilespmem:s24], [sflag:$0x6] =	stream.indirect.gather [hbm4b:s4+s14], $0x40, s10, s14, $0xb8;
	[tilespmem:$0x1EE00] =	vst v63  }
0xb0: {  	s10 =	smin.u32 s3, $0x41;
	_ =	swait.ge [sflag:s8], $0x2000  }
0xb1: {  	s10 =	sshll.u32 s10, $0x7;
	[sflag:s8] =	ssyncset.done $0x0  }
.Ltmp0:
0xb2: {  	s10 =	sadd.s32 $0x700, s10;
	[sflag:s8] =	ssyncadd.s32 $0xFFFFE000;
	(pc) =	sbr.rel @p0 .LBB2_2-.Ltmp0, $4  }
0xb3: {  	[tilespmem:s26], [sflag:$0x7] =	stream.indirect.gather [hbm4b:s4+s14], $0x40, s10, s14, $0xb8;
	[tilespmem:$0x1EE00] =	vst v63  }
0xb4: {  	s10 =	smin.u32 s3, $0x40;
	_ =	swait.ge [sflag:s9], $0x2000  }
0xb5: {  	s10 =	sshll.u32 s10, $0x7;
	[sflag:s9] =	ssyncset.done $0x0  }
0xb6: {  	s3 =	sadd.s32 $0x8, s3;
	s10 =	sadd.s32 $0x780, s10;
	[sflag:s9] =	ssyncadd.s32 $0xFFFFE000  }
0xb7: {  	[tilespmem:s29], [sflag:$0x8] =	stream.indirect.gather [hbm4b:s4+s14], $0x40, s10, s14, $0xb8;
	[tilespmem:$0x1EE00] =	vst v63  }
0xb8: {  	_ =	swait.ge [sflag:s30], $0x2000  }
0xb9: {  	[sflag:s30] =	ssyncset.done $0x0  }
0xba: {  	[sflag:s30] =	ssyncadd.s32 $0xFFFFE000  }
0xbb: {  	_ =	swait.ge [sflag:s31], $0x2000  }
0xbc: {  	[sflag:s31] =	ssyncset.done $0x0  }
0xbd: {  	[sflag:s31] =	ssyncadd.s32 $0xFFFFE000  }
0xbe: {  	_ =	swait.ge [sflag:s0], $0x2000  }
0xbf: {  	[sflag:s0] =	ssyncset.done $0x0  }
0xc0: {  	[sflag:s0] =	ssyncadd.s32 $0xFFFFE000  }
0xc1: {  	_ =	swait.ge [sflag:s1], $0x2000  }
0xc2: {  	[sflag:s1] =	ssyncset.done $0x0  }
0xc3: {  	[sflag:s1] =	ssyncadd.s32 $0xFFFFE000  }
0xc4: {  	_ =	swait.ge [sflag:s23], $0x2000  }
0xc5: {  	[sflag:s23] =	ssyncset.done $0x0  }
0xc6: {  	[sflag:s23] =	ssyncadd.s32 $0xFFFFE000  }
0xc7: {  	_ =	swait.ge [sflag:s25], $0x2000  }
0xc8: {  	[sflag:s25] =	ssyncset.done $0x0  }
0xc9: {  	[sflag:s25] =	ssyncadd.s32 $0xFFFFE000  }
0xca: {  	_ =	swait.ge [sflag:s28], $0x2000  }
0xcb: {  	[sflag:s28] =	ssyncset.done $0x0  }
0xcc: {  	[sflag:s28] =	ssyncadd.s32 $0xFFFFE000  }
0xcd: {  	_ =	swait.ge [sflag:s5], $0x2000  }
0xce: {  	[sflag:s5] =	ssyncset.done $0x0  }
0xcf: {  	[sflag:s5] =	ssyncadd.s32 $0xFFFFE000  }
0xd0: {  	[bflag:$0x0] =	sbarrier.arrive $0xFFFF  }
0xd1: {  	s3 =	rddreg [dreg:$0x7]  }
0xd2: {  	s12 =	rddreg [dreg:$0x9]  }
0xd3: {  	s13 =	rddreg [dreg:$0xa]  }
0xd4: {  	[hbm:s3], [sflag:s12] =	dma.local [spmem:s13], $0x13C0  }
0xd5: {  	s12 =	simm.s32 $0x11  }
0xd6: {  	_ =	swait.ge [sflag:s12], $0x13C0  }
0xd7: {  	s13 =	rddreg [dreg:$0xb]  }
0xd8: {  	s10 =	rddreg [dreg:$0x8];
	s13 =	sadd.s32 $0x1, s13  }
0xd9: {  	p0 =	sne.s32 s13, s10  }
.Ltmp1:
0xda: {  	_ = 	snop;
	(pc) =	sbr.rel @p0 .LBB2_1-.Ltmp1, $3  }
0xdb: {  	_ =	sdelay $0x1  }
0xdc: {  	[sflag:s12] =	ssyncset.done $0x0  }
0xdd: {  	[sflag:s12] =	ssyncadd.s32 $0xFFFFEC40;
	[dreg:$0xb] =	wrdreg s13  }
0xde: {  	_ =	sfence.sel $0x180000  }
0xdf: {  	[bflag:$0x0] =	sbarrier.arrive $0xFFFF  }
0xe0: {  	_ =	strace $0x9000004A  }
0xe1: {  	s0 =	stileid.u32;
	[bflag:$0x2] =	sbarrier.arrive $0xFFFF  }
0xe2: {  	p0 =	sne.s32 s0, $0x0;
	s0 =	rddreg [dreg:$0x3]  }
0xe3: {  	s0 =	sadd.s32 @!p0 $0x100000, s0  }
0xe4: {  	[sflag:s0] =	ssyncadd.tile.s32 @!p0 $0x1;
	_ =	shalt  }
.Lfunc_end2:
_tile_overlayer_lowered:
.L_overlay_start_2:
0xe5: {  	(tag) =	ssettag $0x2  }
0xe6: {  	s0 =	rddreg [dreg:$0x0];
	s2 =	stileid.u32  }
0xe7: {  	s1 =	rddreg [dreg:$0x1];
	p0 =	sne.s32 s2, $0x0  }
0xe8: {  	s3 =	rddreg [dreg:$0x2];
	[bflag:$0x3] =	sbarrier.arrive $0xFFFF;
	s2 =	simm.s32 @!p0 $0x1C11  }
0xe9: {  	[timem:s3], [sflag:s2] =	dma.local @!p0 [hbm:s0], s1  }
0xea: {  	s0 =	simm.s32 @!p0 $0x11  }
0xeb: {  	_ =	swait.ge @!p0 [sflag:s0], s1  }
0xec: {  	s1 =	ssub.s32 @!p0 $0x0, s1;
	[sflag:s0] =	ssyncset.done @!p0 $0x0  }
0xed: {  	[sflag:s0] =	ssyncadd.s32 @!p0 s1  }
0xee: {  	[bflag:$0x3] =	sbarrier.arrive $0xFFFF  }
0xef: {  	_ =	shalt  }

// kernel: kernel.14.cloned.1.call-start
scs
__scs_entry_jumppad:
0x0: {  	(pc) =	sbr.rel $0x88, $3  }
0x1: {  	(tag) =	ssettag $0x0;
	lr =	simm.s32 $0x1  }
0x2: {  	[smem:$0x3F9B] =	sst lr;
	_ =	strace $0xD0000000  }
0x3: {  	_ = 	snop  }
0x4: {  	_ = 	snop  }
0x5: {  	_ = 	snop  }
0x6: {  	_ = 	snop  }
0x7: {  	_ = 	snop  }
__scs_overlays_trampoline_lowered:
0x8: {  	[smem:$0x3FAA] =	sst s0  }
0x9: {  	[smem:$0x3FAB] =	sst s1  }
0xa: {  	[smem:$0x3FAC] =	sst s2  }
0xb: {  	[smem:$0x3FAD] =	sst s3  }
0xc: {  	[smem:$0x3FAE] =	sst s4  }
0xd: {  	[smem:$0x3FAF] =	sst s5  }
0xe: {  	[smem:$0x3FB0] =	sst s6  }
0xf: {  	[smem:$0x3FB1] =	sst s7  }
0x10: {  	[smem:$0x3FB2] =	sst s8  }
0x11: {  	[smem:$0x3FB3] =	sst s9;
	s0 =	simm.s32 @!p0 $0x0  }
0x12: {  	s1 =	sld [smem:$0x3F99];
	s0 =	simm.s32 @p0 $0x1  }
0x13: {  	[smem:$0x3FB4] =	sst s0;
	s0 =	simm.s32 @!p1 $0x0  }
0x14: {  	s2 =	sld [smem:$0x3F98];
	s0 =	simm.s32 @p1 $0x1  }
0x15: {  	[smem:$0x3FB5] =	sst s0;
	s0 =	simm.s32 @!p2 $0x0  }
0x16: {  	s3 =	sld [smem:$0x3FDB];
	s0 =	simm.s32 @p2 $0x1  }
0x17: {  	s4 =	simm.s32 $0x1BF5;
	[smem:$0x3FB7] =	sst s0  }
0x18: {  	s0 =	sld [smem:$0x3F9A];
	_ =	swait.ge [sflag:s4], $0x0  }
0x19: {  	s7 =	sld [smem:$0x3F9B]  }
0x1a: {  	s8 =	sadd.s32 $0xFFFFE003, lr  }
0x1b: {  	s9 =	sadd.s32 $0xFFFFFEF7, lr;
	s5 =	simm.s32 $0xFFFFFFFF;
	p2 =	slt.u32 s8, $0xFFFFF086  }
0x1c: {  	p1 =	slt.u32 s9, $0xF7A;
	s5 =	simm.s32 @!p2 $0x0  }
0x1d: {  	s5 =	simm.s32 @p1 $0x1;
	p0 =	seq.s32 s7, s2  }
0x1e: {  	s7 =	smul.u32 @!p0 $0xF7A, s2;
	p2 =	seq.s32 @!p0 s5, $0x0  }
0x1f: {  	s9 =	smul.u32 $0xF7A, s1;
	s8 =	simm.s32 @!p0 $0x1BF5;
	p2 =	por !p2, p0  }
0x20: {  	[sflag:s8] =	ssyncset.s32 @!p0 $0xFFFFF086;
	s6 =	sadd.s32 @!p0 s3, s7;
	s7 =	simm.s32 @!p0 $0x108  }
0x21: {  	s3 =	sadd.s32 s3, s9;
	s6 =	sadd.s32 @!p0 $0x88, s6;
	s7 =	simm.s32 @p2 $0x1082  }
0x22: {  	[simem:s7], [sflag:s8] =	dma.local @!p0 [hbm:s6], $0xF7A  }
0x23: {  	s9 =	sor.u32 $0xD0000000, s2;
	s6 =	simm.s32 $0x108;
	_ =	swait.ge @!p0 [sflag:s8], $0x0  }
0x24: {  	s3 =	sadd.s32 $0x88, s3;
	s6 =	simm.s32 @!p1 $0x1082;
	[sflag:s4] =	ssyncset.s32 $0xFFFFF086  }
0x25: {  	[simem:s6], [sflag:s4] =	dma.local [hbm:s3], $0xF7A  }
0x26: {  	[smem:$0x3F9B] =	sst s1;
	(tag) =	ssettag s2;
	_ =	strace s9  }
0x27: {  	s1 =	sld [smem:$0x3FAB]  }
0x28: {  	s2 =	sld [smem:$0x3FAC]  }
0x29: {  	s4 =	sld [smem:$0x3FAE]  }
0x2a: {  	p0 =	seq.s32 s5, $0x0;
	s5 =	sld [smem:$0x3FAF]  }
0x2b: {  	s6 =	sld [smem:$0x3FB0]  }
0x2c: {  	s7 =	sld [smem:$0x3FB1]  }
0x2d: {  	s3 =	simm.s32 $0x108;
	s8 =	sld [smem:$0x3FB2]  }
0x2e: {  	s3 =	simm.s32 @!p0 $0x1082;
	s9 =	sld [smem:$0x3FB3]  }
0x2f: {  	lr =	sadd.s32 s0, s3;
	s0 =	sld [smem:$0x3FAA]  }
0x30: {  	s3 =	sld [smem:$0x3FAD]  }
0x31: {  	[smem:$0x3FB6] =	sst s10  }
0x32: {  	s10 =	sld [smem:$0x3FB4];
	_ =	sdelay $0x3  }
0x33: {  	p0 =	seq.s32 s10, $0x1;
	s10 =	sld [smem:$0x3FB6];
	_ =	sdelay $0x3  }
0x34: {  	[smem:$0x3FB6] =	sst s10  }
0x35: {  	s10 =	sld [smem:$0x3FB5];
	_ =	sdelay $0x3  }
0x36: {  	p1 =	seq.s32 s10, $0x1;
	s10 =	sld [smem:$0x3FB6];
	_ =	sdelay $0x3  }
0x37: {  	[smem:$0x3FB6] =	sst s10  }
0x38: {  	s10 =	sld [smem:$0x3FB7]  }
0x39: {  	_ = 	snop;
	(pc) =	sbr.ind lr, $3  }
0x3a: {  	_ = 	snop  }
0x3b: {  	_ = 	snop  }
0x3c: {  	p2 =	seq.s32 s10, $0x1;
	s10 =	sld [smem:$0x3FB6]  }
0x3d: {  	_ =	shalt  }
0x3e: {  	_ =	shalt  }
0x3f: {  	_ =	shalt  }
0x40: {  	_ =	shalt  }
0x41: {  	_ =	shalt  }
0x42: {  	_ =	shalt  }
0x43: {  	_ =	shalt  }
0x44: {  	_ =	shalt  }
0x45: {  	_ =	shalt  }
0x46: {  	_ =	shalt  }
0x47: {  	_ =	shalt  }
0x48: {  	_ =	shalt  }
0x49: {  	_ =	shalt  }
0x4a: {  	_ =	shalt  }
0x4b: {  	_ =	shalt  }
0x4c: {  	_ =	shalt  }
0x4d: {  	_ =	shalt  }
0x4e: {  	_ =	shalt  }
0x4f: {  	_ =	shalt  }
0x50: {  	_ =	shalt  }
0x51: {  	_ =	shalt  }
0x52: {  	_ =	shalt  }
0x53: {  	_ =	shalt  }
0x54: {  	_ =	shalt  }
0x55: {  	_ =	shalt  }
0x56: {  	_ =	shalt  }
0x57: {  	_ =	shalt  }
0x58: {  	_ =	shalt  }
0x59: {  	_ =	shalt  }
0x5a: {  	_ =	shalt  }
0x5b: {  	_ =	shalt  }
0x5c: {  	_ =	shalt  }
0x5d: {  	_ =	shalt  }
0x5e: {  	_ =	shalt  }
0x5f: {  	_ =	shalt  }
0x60: {  	_ =	shalt  }
0x61: {  	_ =	shalt  }
0x62: {  	_ =	shalt  }
0x63: {  	_ =	shalt  }
0x64: {  	_ =	shalt  }
0x65: {  	_ =	shalt  }
0x66: {  	_ =	shalt  }
0x67: {  	_ =	shalt  }
0x68: {  	_ =	shalt  }
0x69: {  	_ =	shalt  }
0x6a: {  	_ =	shalt  }
0x6b: {  	_ =	shalt  }
0x6c: {  	_ =	shalt  }
0x6d: {  	_ =	shalt  }
0x6e: {  	_ =	shalt  }
0x6f: {  	_ =	shalt  }
0x70: {  	_ =	shalt  }
0x71: {  	_ =	shalt  }
0x72: {  	_ =	shalt  }
0x73: {  	_ =	shalt  }
0x74: {  	_ =	shalt  }
0x75: {  	_ =	shalt  }
0x76: {  	_ =	shalt  }
0x77: {  	_ =	shalt  }
0x78: {  	_ =	shalt  }
0x79: {  	_ =	shalt  }
0x7a: {  	_ =	shalt  }
0x7b: {  	_ =	shalt  }
0x7c: {  	_ =	shalt  }
0x7d: {  	_ =	shalt  }
0x7e: {  	_ =	shalt  }
0x7f: {  	_ =	shalt  }
0x80: {  	_ =	shalt  }
0x81: {  	_ =	shalt  }
0x82: {  	_ =	shalt  }
0x83: {  	_ =	shalt  }
0x84: {  	_ =	shalt  }
0x85: {  	_ =	shalt  }
0x86: {  	_ =	shalt  }
0x87: {  	_ =	shalt  }
.Lfunc_end0:
.L_simem_size_0:
called_computation.2_lowered:
.L_overlay_start_0:
0x88: {  	s2 =	sld [smem:$0x3FD9]  }
0x89: {  	s3 =	sld [smem:$0x3FFE];
	_ =	sdelay $0x1  }
0x8a: {  	s1 =	srdreg.scid  }
0x8b: {  	s0 =	sand.u32 $0x1, s1  }
0x8c: {  	s17 =	sshll.u32 s0, $0xA;
	s2 =	sadd.s32 s3, s2  }
0x8d: {  	s2 =	sadd.s32 s2, s17  }
0x8e: {  	[smem:$0x3FC2] =	sst s2  }
0x8f: {  	_ = 	snop  }
0x90: {  	s2 =	sld [smem:$0x3FD0];
	(tm) =	ssettm $0x1  }
0x91: {  	s18 =	sld [smem:$0x3FFB];
	_ =	sdelay $0x3  }
0x92: {  	_ =	strace s18  }
0x93: {  	s3 =	sld [smem:$0x3FFC];
	_ =	sdelay $0x3  }
0x94: {  	_ =	strace s3  }
0x95: {  	s3 =	sld [smem:$0x3FFD];
	_ =	sdelay $0x3  }
0x96: {  	_ =	strace s3  }
0x97: {  	_ =	strace $0x8FFFFFFF  }
0x98: {  	s19 =	sld [smem:$0x3FDB];
	_ =	sdelay $0x1  }
0x99: {  	s4 =	simm.s32 $_scs_section_size  }
0x9a: {  	s5 =	simm.s32 $_size__tile_overlayer_lowered;
	s6 =	simm.s32 $_tile_overlayer_lowered  }
0x9b: {  	s22 =	simm.s32 $0x1BFF;
	s21 =	sshll.u32 s6, $0x1;
	s3 =	sadd.s32 s4, s19  }
0x9c: {  	s7 =	simm.s32 $0x0;
	s20 =	sshll.u32 s5, $0x1;
	s5 =	sadd.s32 s21, s3  }
0x9d: {  	[timem:s7], [sflag:s22] =	dma.local [hbm:s5], s20  }
0x9e: {  	_ =	swait.ge [sflag:s22], s20  }
0x9f: {  	s4 =	ssub.s32 $0x0, s20;
	[sflag:s22] =	ssyncset.done $0x0  }
0xa0: {  	[sflag:s22] =	ssyncadd.s32 s4;
	_ =	sdelay $0x1  }
0xa1: {  	s23 =	simm.s32 $0x1B8B  }
0xa2: {  	_ =	swait.ge [sflag:s23], $0x1  }
0xa3: {  	[sflag:s23] =	ssyncset.done $0x0  }
0xa4: {  	s25 =	simm.s32 $0x1B8E;
	s24 =	sld [smem:$0x3FFE];
	[sflag:s23] =	ssyncadd.s32 $0xFFFFFFFF  }
0xa5: {  	s26 =	simm.s32 $execute0_lowered;
	[smem:$0x3FD2] =	sst s25  }
0xa6: {  	s5 =	sshll.u32 s26, $0x1;
	_ =	strace $0x8000004C;
	[dreg:$0x1] =	wrdreg $0xFFFFFFFF  }
0xa7: {  	s28 =	simm.s32 $_size_execute0_lowered;
	s3 =	sadd.s32 s3, s5;
	[dreg:$0x0] =	wrdreg $0x0  }
0xa8: {  	s5 =	sshll.u32 s28, $0x1;
	[dreg:$0x2] =	wrdreg s3  }
0xa9: {  	[dreg:$0x3] =	wrdreg s5  }
0xaa: {  	[dreg:$0x4] =	wrdreg $0xC0  }
0xab: {  	_ =	task [dreg:s7], $0x5FFFF  }
0xac: {  	[dreg:$0x1] =	wrdreg $0xFFFFFFFF  }
0xad: {  	[dreg:$0x0] =	wrdreg $0x60  }
0xae: {  	[dreg:$0x2] =	wrdreg s24  }
0xaf: {  	[dreg:$0x3] =	wrdreg s2  }
0xb0: {  	[dreg:$0x4] =	wrdreg $0x110000  }
0xb1: {  	[dreg:$0x5] =	wrdreg $0x9  }
0xb2: {  	_ =	task.clear_ibuf [dreg:s7], $0x6FFFF;
	_ =	strace $0x9000004C  }
0xb3: {  	s29 =	simm.s32 $0x9;
	_ =	strace $0x8000004E  }
0xb4: {  	_ =	swait.ge [sflag:s29], $0x1  }
0xb5: {  	[sflag:s29] =	ssyncadd.s32 $0xFFFFFFFF  }
0xb6: {  	_ =	strace $0x9000004E  }
0xb7: {  	_ =	sfence  }
0xb8: {  	s30 =	sld [smem:$0x0];
	_ =	sdelay $0x2  }
0xb9: {  	s31 =	sshll.u32 s1, $0xD;
	s1 =	sshrl.u32 s1, $0x2  }
0xba: {  	s3 =	sand.u32 $0x4000, s31;
	s1 =	sadd.s32 s1, s30  }
0xbb: {  	s0 =	sor.u32 s3, s0;
	s1 =	sshll.u32 s1, $0x11  }
0xbc: {  	s0 =	sor.u32 s1, s0  }
0xbd: {  	s0 =	sadd.s32 $0x8F2B, s0  }
0xbe: {  	[sflag:s0] =	ssyncadd.remote.s32 $0x1  }
0xbf: {  	_ =	sfence.sel $0xFFFF  }
0xc0: {  	[dreg:$0x0] =	wrdreg $0xFFFFFFFF;
	(pc) =	sbr.abs _section_cstart, $3  }
0xc1: {  	[dreg:$0x1] =	wrdreg $0xFFFFFFFF  }
0xc2: {  	_ =	task.clear_ibuf [dreg:s7], $0x2FFFF;
	_ =	strace $0x9FFFFFFF  }
0xc3: {  	(tm) =	ssettm $0x7FFFFFFF  }
tec
execute0_lowered:
.L_overlay_start_1:
0x0: {  	(tag) =	ssettag $0x1  }
0x1: {  	s0 =	rddreg [dreg:$0x0]  }
0x2: {  	s1 =	rddreg [dreg:$0x1]  }
0x3: {  	s2 =	rddreg [dreg:$0x2]  }
0x4: {  	s6 =	simm.s32 $0x0;
	s3 =	srdreg.scid;
	s10 =	stileid.u32  }
0x5: {  	s12 =	simm.s32 $0x11;
	s14 =	simm.s32 $0x80;
	s15 =	simm.s32 $0x5000  }
0x6: {  	s16 =	simm.s32 $0x6800;
	s18 =	simm.s32 $0x8000;
	s20 =	simm.s32 $0x9800  }
0x7: {  	s29 =	simm.s32 $0xF800;
	s30 =	simm.s32 $0x1;
	s31 =	simm.s32 $0x2  }
0x8: {  	s17 =	simm.s32 $0xA;
	s19 =	simm.s32 $0xB;
	s21 =	simm.s32 $0xC  }
0x9: {  	s28 =	simm.s32 $0x7;
	s3 =	sand.u32 $0x1, s3;
	s4 =	sshll.u32 s10, $0x1  }
0xa: {  	s5 =	smul.u32 $0x7680, s10;
	[smem:$0x7FF] =	sst s6;
	s11 =	sadd.s32 $0x1A200, s0  }
0xb: {  	s26 =	sshll.u32 s10, $0x6;
	s4 =	sor.u32 s3, s4;
	s22 =	smul.u32 $0x76800, s3  }
0xc: {  	_ =	strace $0x8000004D;
	s3 =	ssub.s32 $0x2, s3;
	[dreg:$0x4] =	wrdreg s11  }
0xd: {  	s10 =	sor.u32 $0x1C11, s26;
	s26 =	simm.s32 $0xE000;
	s11 =	simm.s32 $0x9  }
0xe: {  	s7 =	smul.u32 $0x500, s4;
	s4 =	sadd.s32 $0xB600, s0;
	s9 =	sshrl.u32 s3, $0x1  }
0xf: {  	s24 =	sadd.s32 s5, s2;
	[dreg:$0x9] =	wrdreg s10;
	s6 =	sadd.s32 s5, s22  }
0x10: {  	s3 =	ssub.s32 s3, s9;
	s13 =	sshrl.u32 s24, $0x3;
	s22 =	simm.s32 $0xB000  }
0x11: {  	s24 =	simm.s32 $0xC800;
	s5 =	simm.s32 $0x8;
	s9 =	simm.s32 $0x10  }
0x12: {  	s8 =	sadd.s32 s7, s0;
	s6 =	sshrl.u32 s6, $0x3;
	s1 =	sadd.s32 s1, s7  }
0x13: {  	s25 =	smax.u32 s3, $0x1;
	s7 =	simm.s32 $0xE;
	[dreg:$0xa] =	wrdreg s13  }
0x14: {  	s3 =	simm.s32 $0x0;
	s0 =	sadd.s32 s6, s0;
	[dreg:$0x6] =	wrdreg s1  }
0x15: {  	s23 =	sadd.s32 $0x1600, s8;
	[dreg:$0x8] =	wrdreg s25;
	s1 =	simm.s32 $0x4  }
0x16: {  	s25 =	simm.s32 $0x6;
	s6 =	simm.s32 $0xD;
	[dreg:$0xb] =	wrdreg s3  }
0x17: {  	s8 =	simm.s32 $0xF;
	[dreg:$0x5] =	wrdreg s23;
	s0 =	sadd.s32 $0x1B200, s0  }
0x18: {  	s23 =	simm.s32 $0x5;
	[dreg:$0x7] =	wrdreg s0;
	s0 =	simm.s32 $0x3  }
.LBB2_1:
0x19: {  	s10 =	simm.s32 $0x0;
	s3 =	rddreg [dreg:$0x5]  }
0x1a: {  	[tilespmem:s10], [sflag:$0x11] =	stream.linear.gather [hbm4b:s3+s10], $0x2800, $0x38;
	[tilespmem:$0x18680] =	vst v63  }
0x1b: {  	_ =	swait.ge [sflag:s12], $0x2800  }
0x1c: {  	s13 =	simm.s32 $0x2800;
	[sflag:s12] =	ssyncset.done $0x0  }
0x1d: {  	s10 =	simm.s32 $0x0;
	s3 =	rddreg [dreg:$0x6];
	[sflag:s12] =	ssyncadd.s32 $0xFFFFD800  }
0x1e: {  	[tilespmem:s13], [sflag:$0x11] =	stream.linear.gather [hbm4b:s3+s10], $0x2800, $0x38;
	[tilespmem:$0x18680] =	vst v63  }
0x1f: {  	_ =	swait.ge [sflag:s12], $0x2800  }
0x20: {  	s3 =	rddreg [dreg:$0x4]  }
0x21: {  	[sflag:s12] =	ssyncset.done $0x0;
	s13 =	rddreg [dreg:$0x9]  }
0x22: {  	s10 =	rddreg [dreg:$0xa];
	[sflag:s12] =	ssyncadd.s32 $0xFFFFD800  }
0x23: {  	[spmem:s10], [sflag:s13] =	dma.local [hbm:s3], $0xED0  }
0x24: {  	_ =	swait.ge [sflag:s12], $0xED0  }
0x25: {  	[sflag:s12] =	ssyncset.done $0x0  }
0x26: {  	s10 =	simm.s32 $0x0;
	[sflag:s12] =	ssyncadd.s32 $0xFFFFF130  }
0x27: {  	[tilespmem:s15], [sflag:$0x1] =	stream.indirect.gather [hbm4b:s4+s14], $0x30, s10, s14, $0xb8;
	[tilespmem:$0x18680] =	vst v63  }
0x28: {  	_ = 	snop  }
0x29: {  	[tilespmem:s16], [sflag:$0x2] =	stream.indirect.gather [hbm4b:s4+s14], $0x30, s14, s14, $0xb8;
	[tilespmem:$0x18680] =	vst v63  }
0x2a: {  	s13 =	simm.s32 $0x100  }
0x2b: {  	[tilespmem:s18], [sflag:$0x3] =	stream.indirect.gather [hbm4b:s4+s14], $0x30, s13, s14, $0xb8;
	[tilespmem:$0x18680] =	vst v63  }
0x2c: {  	s12 =	simm.s32 $0x180  }
0x2d: {  	[tilespmem:s20], [sflag:$0x4] =	stream.indirect.gather [hbm4b:s4+s14], $0x30, s12, s14, $0xb8;
	[tilespmem:$0x18680] =	vst v63  }
0x2e: {  	s13 =	simm.s32 $0x200  }
0x2f: {  	[tilespmem:s22], [sflag:$0x5] =	stream.indirect.gather [hbm4b:s4+s14], $0x30, s13, s14, $0xb8;
	[tilespmem:$0x18680] =	vst v63  }
0x30: {  	s12 =	simm.s32 $0x280  }
0x31: {  	[tilespmem:s24], [sflag:$0x6] =	stream.indirect.gather [hbm4b:s4+s14], $0x30, s12, s14, $0xb8;
	[tilespmem:$0x18680] =	vst v63  }
0x32: {  	s13 =	simm.s32 $0x300  }
0x33: {  	[tilespmem:s26], [sflag:$0x7] =	stream.indirect.gather [hbm4b:s4+s14], $0x30, s13, s14, $0xb8;
	[tilespmem:$0x18680] =	vst v63  }
0x34: {  	s12 =	simm.s32 $0x380  }
0x35: {  	[tilespmem:s29], [sflag:$0x8] =	stream.indirect.gather [hbm4b:s4+s14], $0x30, s12, s14, $0xb8;
	[tilespmem:$0x18680] =	vst v63  }
0x36: {  	[bflag:$0x0] =	sbarrier.arrive $0xFFFF  }
0x37: {  	_ =	swait.ge [sflag:s30], $0x1800  }
0x38: {  	[sflag:s30] =	ssyncset.done $0x0  }
0x39: {  	s13 =	simm.s32 $0x2800;
	[sflag:s30] =	ssyncadd.s32 $0xFFFFE800  }
0x3a: {  	[spmem:s2] =	stream.indirect.scatter.add.f32 [tilespmem:s15], [sflag:$0x9], $0x30, s13, s14, $0xb8;
	[tilespmem:$0x18680] =	vst v63  }
0x3b: {  	_ =	swait.ge [sflag:s31], $0x1800  }
0x3c: {  	[sflag:s31] =	ssyncset.done $0x0  }
0x3d: {  	s12 =	simm.s32 $0x2880;
	[sflag:s31] =	ssyncadd.s32 $0xFFFFE800  }
0x3e: {  	[spmem:s2] =	stream.indirect.scatter.add.f32 [tilespmem:s16], [sflag:$0xA], $0x30, s12, s14, $0xb8;
	[tilespmem:$0x18680] =	vst v63  }
0x3f: {  	_ =	swait.ge [sflag:s0], $0x1800  }
0x40: {  	[sflag:s0] =	ssyncset.done $0x0  }
0x41: {  	s13 =	simm.s32 $0x2900;
	[sflag:s0] =	ssyncadd.s32 $0xFFFFE800  }
0x42: {  	[spmem:s2] =	stream.indirect.scatter.add.f32 [tilespmem:s18], [sflag:$0xB], $0x30, s13, s14, $0xb8;
	[tilespmem:$0x18680] =	vst v63  }
0x43: {  	_ =	swait.ge [sflag:s1], $0x1800  }
0x44: {  	[sflag:s1] =	ssyncset.done $0x0  }
0x45: {  	s12 =	simm.s32 $0x2980;
	[sflag:s1] =	ssyncadd.s32 $0xFFFFE800  }
0x46: {  	[spmem:s2] =	stream.indirect.scatter.add.f32 [tilespmem:s20], [sflag:$0xC], $0x30, s12, s14, $0xb8;
	[tilespmem:$0x18680] =	vst v63  }
0x47: {  	s13 =	smin.u32 s10, $0x47;
	_ =	swait.ge [sflag:s11], $0x1800  }
0x48: {  	s3 =	sshll.u32 s13, $0x7;
	[sflag:s11] =	ssyncset.done $0x0  }
0x49: {  	s3 =	sadd.s32 $0x400, s3;
	[sflag:s11] =	ssyncadd.s32 $0xFFFFE800  }
0x4a: {  	[tilespmem:s15], [sflag:$0x1] =	stream.indirect.gather [hbm4b:s4+s14], $0x30, s3, s14, $0xb8;
	[tilespmem:$0x18680] =	vst v63  }
0x4b: {  	s12 =	smin.u32 s10, $0x46;
	_ =	swait.ge [sflag:s17], $0x1800  }
0x4c: {  	s3 =	sshll.u32 s12, $0x7;
	[sflag:s17] =	ssyncset.done $0x0  }
0x4d: {  	s3 =	sadd.s32 $0x480, s3;
	[sflag:s17] =	ssyncadd.s32 $0xFFFFE800  }
0x4e: {  	[tilespmem:s16], [sflag:$0x2] =	stream.indirect.gather [hbm4b:s4+s14], $0x30, s3, s14, $0xb8;
	[tilespmem:$0x18680] =	vst v63  }
0x4f: {  	s13 =	smin.u32 s10, $0x45;
	_ =	swait.ge [sflag:s19], $0x1800  }
0x50: {  	s3 =	sshll.u32 s13, $0x7;
	[sflag:s19] =	ssyncset.done $0x0  }
0x51: {  	s3 =	sadd.s32 $0x500, s3;
	[sflag:s19] =	ssyncadd.s32 $0xFFFFE800  }
0x52: {  	[tilespmem:s18], [sflag:$0x3] =	stream.indirect.gather [hbm4b:s4+s14], $0x30, s3, s14, $0xb8;
	[tilespmem:$0x18680] =	vst v63  }
0x53: {  	s12 =	smin.u32 s10, $0x44;
	_ =	swait.ge [sflag:s21], $0x1800  }
0x54: {  	s3 =	sshll.u32 s12, $0x7;
	[sflag:s21] =	ssyncset.done $0x0  }
0x55: {  	s3 =	sadd.s32 $0x580, s3;
	[sflag:s21] =	ssyncadd.s32 $0xFFFFE800  }
0x56: {  	[tilespmem:s20], [sflag:$0x4] =	stream.indirect.gather [hbm4b:s4+s14], $0x30, s3, s14, $0xb8;
	[tilespmem:$0x18680] =	vst v63  }
0x57: {  	_ =	swait.ge [sflag:s23], $0x1800  }
0x58: {  	[sflag:s23] =	ssyncset.done $0x0  }
0x59: {  	s13 =	simm.s32 $0x2A00;
	[sflag:s23] =	ssyncadd.s32 $0xFFFFE800  }
0x5a: {  	[spmem:s2] =	stream.indirect.scatter.add.f32 [tilespmem:s22], [sflag:$0xD], $0x30, s13, s14, $0xb8;
	[tilespmem:$0x18680] =	vst v63  }
0x5b: {  	_ =	swait.ge [sflag:s25], $0x1800  }
0x5c: {  	[sflag:s25] =	ssyncset.done $0x0  }
0x5d: {  	s12 =	simm.s32 $0x2A80;
	[sflag:s25] =	ssyncadd.s32 $0xFFFFE800  }
0x5e: {  	[spmem:s2] =	stream.indirect.scatter.add.f32 [tilespmem:s24], [sflag:$0xE], $0x30, s12, s14, $0xb8;
	[tilespmem:$0x18680] =	vst v63  }
0x5f: {  	_ =	swait.ge [sflag:s28], $0x1800  }
0x60: {  	[sflag:s28] =	ssyncset.done $0x0  }
0x61: {  	s13 =	simm.s32 $0x2B00;
	[sflag:s28] =	ssyncadd.s32 $0xFFFFE800  }
0x62: {  	[spmem:s2] =	stream.indirect.scatter.add.f32 [tilespmem:s26], [sflag:$0xF], $0x30, s13, s14, $0xb8;
	[tilespmem:$0x18680] =	vst v63  }
0x63: {  	_ =	swait.ge [sflag:s5], $0x1800  }
0x64: {  	[sflag:s5] =	ssyncset.done $0x0  }
0x65: {  	s10 =	simm.s32 $0x0;
	s12 =	simm.s32 $0x2B80;
	[sflag:s5] =	ssyncadd.s32 $0xFFFFE800  }
0x66: {  	[spmem:s2] =	stream.indirect.scatter.add.f32 [tilespmem:s29], [sflag:$0x10], $0x30, s12, s14, $0xb8;
	[tilespmem:$0x18680] =	vst v63  }
0x67: {  	s13 =	smin.u32 s10, $0x43;
	_ =	swait.ge [sflag:s6], $0x1800  }
0x68: {  	s3 =	sshll.u32 s13, $0x7;
	[sflag:s6] =	ssyncset.done $0x0  }
0x69: {  	s3 =	sadd.s32 $0x600, s3;
	[sflag:s6] =	ssyncadd.s32 $0xFFFFE800  }
0x6a: {  	[tilespmem:s22], [sflag:$0x5] =	stream.indirect.gather [hbm4b:s4+s14], $0x30, s3, s14, $0xb8;
	[tilespmem:$0x18680] =	vst v63  }
0x6b: {  	s12 =	smin.u32 s10, $0x42;
	_ =	swait.ge [sflag:s7], $0x1800  }
0x6c: {  	s3 =	sshll.u32 s12, $0x7;
	[sflag:s7] =	ssyncset.done $0x0  }
0x6d: {  	s3 =	sadd.s32 $0x680, s3;
	[sflag:s7] =	ssyncadd.s32 $0xFFFFE800  }
0x6e: {  	[tilespmem:s24], [sflag:$0x6] =	stream.indirect.gather [hbm4b:s4+s14], $0x30, s3, s14, $0xb8;
	[tilespmem:$0x18680] =	vst v63  }
0x6f: {  	s13 =	smin.u32 s10, $0x41;
	_ =	swait.ge [sflag:s8], $0x1800  }
0x70: {  	s3 =	sshll.u32 s13, $0x7;
	[sflag:s8] =	ssyncset.done $0x0  }
0x71: {  	s3 =	sadd.s32 $0x700, s3;
	[sflag:s8] =	ssyncadd.s32 $0xFFFFE800  }
0x72: {  	[tilespmem:s26], [sflag:$0x7] =	stream.indirect.gather [hbm4b:s4+s14], $0x30, s3, s14, $0xb8;
	[tilespmem:$0x18680] =	vst v63  }
0x73: {  	s12 =	smin.u32 s10, $0x40;
	_ =	swait.ge [sflag:s9], $0x1800  }
0x74: {  	s13 =	simm.s32 $0x1000;
	s3 =	sshll.u32 s12, $0x7;
	[sflag:s9] =	ssyncset.done $0x0  }
0x75: {  	s10 =	sadd.s32 $0x780, s3;
	s3 =	simm.s32 $0x8;
	[sflag:s9] =	ssyncadd.s32 $0xFFFFE800  }
.LBB2_2:
0x76: {  	[tilespmem:s29], [sflag:$0x8] =	stream.indirect.gather [hbm4b:s4+s14], $0x30, s10, s14, $0xb8;
	[tilespmem:$0x18680] =	vst v63  }
0x77: {  	s10 =	smov.u32 s13  }
0x78: {  	p0 =	sne.s32 s13, $0x9000;
	s13 =	sadd.s32 $0x1000, s13;
	_ =	swait.ge [sflag:s30], $0x1800  }
0x79: {  	s10 =	sshra.s32 s10, $0x2;
	[sflag:s30] =	ssyncset.done $0x0  }
0x7a: {  	s12 =	sadd.s32 $0x2800, s10;
	[sflag:s30] =	ssyncadd.s32 $0xFFFFE800  }
0x7b: {  	[spmem:s2] =	stream.indirect.scatter.add.f32 [tilespmem:s15], [sflag:$0x9], $0x30, s12, s14, $0xb8;
	[tilespmem:$0x18680] =	vst v63  }
0x7c: {  	_ =	swait.ge [sflag:s31], $0x1800  }
0x7d: {  	[sflag:s31] =	ssyncset.done $0x0  }
0x7e: {  	s12 =	sadd.s32 $0x2880, s10;
	[sflag:s31] =	ssyncadd.s32 $0xFFFFE800  }
0x7f: {  	[spmem:s2] =	stream.indirect.scatter.add.f32 [tilespmem:s16], [sflag:$0xA], $0x30, s12, s14, $0xb8;
	[tilespmem:$0x18680] =	vst v63  }
0x80: {  	_ =	swait.ge [sflag:s0], $0x1800  }
0x81: {  	[sflag:s0] =	ssyncset.done $0x0  }
0x82: {  	s12 =	sadd.s32 $0x2900, s10;
	[sflag:s0] =	ssyncadd.s32 $0xFFFFE800  }
0x83: {  	[spmem:s2] =	stream.indirect.scatter.add.f32 [tilespmem:s18], [sflag:$0xB], $0x30, s12, s14, $0xb8;
	[tilespmem:$0x18680] =	vst v63  }
0x84: {  	_ =	swait.ge [sflag:s1], $0x1800  }
0x85: {  	[sflag:s1] =	ssyncset.done $0x0  }
0x86: {  	s12 =	sadd.s32 $0x2980, s10;
	[sflag:s1] =	ssyncadd.s32 $0xFFFFE800  }
0x87: {  	[spmem:s2] =	stream.indirect.scatter.add.f32 [tilespmem:s20], [sflag:$0xC], $0x30, s12, s14, $0xb8;
	[tilespmem:$0x18680] =	vst v63  }
0x88: {  	s12 =	smin.u32 s3, $0x47;
	_ =	swait.ge [sflag:s11], $0x1800  }
0x89: {  	s12 =	sshll.u32 s12, $0x7;
	[sflag:s11] =	ssyncset.done $0x0  }
0x8a: {  	s12 =	sadd.s32 $0x400, s12;
	[sflag:s11] =	ssyncadd.s32 $0xFFFFE800  }
0x8b: {  	[tilespmem:s15], [sflag:$0x1] =	stream.indirect.gather [hbm4b:s4+s14], $0x30, s12, s14, $0xb8;
	[tilespmem:$0x18680] =	vst v63  }
0x8c: {  	s12 =	smin.u32 s3, $0x46;
	_ =	swait.ge [sflag:s17], $0x1800  }
0x8d: {  	s12 =	sshll.u32 s12, $0x7;
	[sflag:s17] =	ssyncset.done $0x0  }
0x8e: {  	s12 =	sadd.s32 $0x480, s12;
	[sflag:s17] =	ssyncadd.s32 $0xFFFFE800  }
0x8f: {  	[tilespmem:s16], [sflag:$0x2] =	stream.indirect.gather [hbm4b:s4+s14], $0x30, s12, s14, $0xb8;
	[tilespmem:$0x18680] =	vst v63  }
0x90: {  	s12 =	smin.u32 s3, $0x45;
	_ =	swait.ge [sflag:s19], $0x1800  }
0x91: {  	s12 =	sshll.u32 s12, $0x7;
	[sflag:s19] =	ssyncset.done $0x0  }
0x92: {  	s12 =	sadd.s32 $0x500, s12;
	[sflag:s19] =	ssyncadd.s32 $0xFFFFE800  }
0x93: {  	[tilespmem:s18], [sflag:$0x3] =	stream.indirect.gather [hbm4b:s4+s14], $0x30, s12, s14, $0xb8;
	[tilespmem:$0x18680] =	vst v63  }
0x94: {  	s12 =	smin.u32 s3, $0x44;
	_ =	swait.ge [sflag:s21], $0x1800  }
0x95: {  	s12 =	sshll.u32 s12, $0x7;
	[sflag:s21] =	ssyncset.done $0x0  }
0x96: {  	s12 =	sadd.s32 $0x580, s12;
	[sflag:s21] =	ssyncadd.s32 $0xFFFFE800  }
0x97: {  	[tilespmem:s20], [sflag:$0x4] =	stream.indirect.gather [hbm4b:s4+s14], $0x30, s12, s14, $0xb8;
	[tilespmem:$0x18680] =	vst v63  }
0x98: {  	_ =	swait.ge [sflag:s23], $0x1800  }
0x99: {  	[sflag:s23] =	ssyncset.done $0x0  }
0x9a: {  	s12 =	sadd.s32 $0x2A00, s10;
	[sflag:s23] =	ssyncadd.s32 $0xFFFFE800  }
0x9b: {  	[spmem:s2] =	stream.indirect.scatter.add.f32 [tilespmem:s22], [sflag:$0xD], $0x30, s12, s14, $0xb8;
	[tilespmem:$0x18680] =	vst v63  }
0x9c: {  	_ =	swait.ge [sflag:s25], $0x1800  }
0x9d: {  	[sflag:s25] =	ssyncset.done $0x0  }
0x9e: {  	s12 =	sadd.s32 $0x2A80, s10;
	[sflag:s25] =	ssyncadd.s32 $0xFFFFE800  }
0x9f: {  	[spmem:s2] =	stream.indirect.scatter.add.f32 [tilespmem:s24], [sflag:$0xE], $0x30, s12, s14, $0xb8;
	[tilespmem:$0x18680] =	vst v63  }
0xa0: {  	_ =	swait.ge [sflag:s28], $0x1800  }
0xa1: {  	[sflag:s28] =	ssyncset.done $0x0  }
0xa2: {  	s12 =	sadd.s32 $0x2B00, s10;
	[sflag:s28] =	ssyncadd.s32 $0xFFFFE800  }
0xa3: {  	[spmem:s2] =	stream.indirect.scatter.add.f32 [tilespmem:s26], [sflag:$0xF], $0x30, s12, s14, $0xb8;
	[tilespmem:$0x18680] =	vst v63  }
0xa4: {  	_ =	swait.ge [sflag:s5], $0x1800  }
0xa5: {  	[sflag:s5] =	ssyncset.done $0x0  }
0xa6: {  	s10 =	sadd.s32 $0x2B80, s10;
	[sflag:s5] =	ssyncadd.s32 $0xFFFFE800  }
0xa7: {  	[spmem:s2] =	stream.indirect.scatter.add.f32 [tilespmem:s29], [sflag:$0x10], $0x30, s10, s14, $0xb8;
	[tilespmem:$0x18680] =	vst v63  }
0xa8: {  	s10 =	smin.u32 s3, $0x43;
	_ =	swait.ge [sflag:s6], $0x1800  }
0xa9: {  	s10 =	sshll.u32 s10, $0x7;
	[sflag:s6] =	ssyncset.done $0x0  }
0xaa: {  	s10 =	sadd.s32 $0x600, s10;
	[sflag:s6] =	ssyncadd.s32 $0xFFFFE800  }
0xab: {  	[tilespmem:s22], [sflag:$0x5] =	stream.indirect.gather [hbm4b:s4+s14], $0x30, s10, s14, $0xb8;
	[tilespmem:$0x18680] =	vst v63  }
0xac: {  	s10 =	smin.u32 s3, $0x42;
	_ =	swait.ge [sflag:s7], $0x1800  }
0xad: {  	s10 =	sshll.u32 s10, $0x7;
	[sflag:s7] =	ssyncset.done $0x0  }
0xae: {  	s10 =	sadd.s32 $0x680, s10;
	[sflag:s7] =	ssyncadd.s32 $0xFFFFE800  }
0xaf: {  	[tilespmem:s24], [sflag:$0x6] =	stream.indirect.gather [hbm4b:s4+s14], $0x30, s10, s14, $0xb8;
	[tilespmem:$0x18680] =	vst v63  }
0xb0: {  	s10 =	smin.u32 s3, $0x41;
	_ =	swait.ge [sflag:s8], $0x1800  }
0xb1: {  	s10 =	sshll.u32 s10, $0x7;
	[sflag:s8] =	ssyncset.done $0x0  }
.Ltmp0:
0xb2: {  	s10 =	sadd.s32 $0x700, s10;
	[sflag:s8] =	ssyncadd.s32 $0xFFFFE800;
	(pc) =	sbr.rel @p0 .LBB2_2-.Ltmp0, $4  }
0xb3: {  	[tilespmem:s26], [sflag:$0x7] =	stream.indirect.gather [hbm4b:s4+s14], $0x30, s10, s14, $0xb8;
	[tilespmem:$0x18680] =	vst v63  }
0xb4: {  	s10 =	smin.u32 s3, $0x40;
	_ =	swait.ge [sflag:s9], $0x1800  }
0xb5: {  	s10 =	sshll.u32 s10, $0x7;
	[sflag:s9] =	ssyncset.done $0x0  }
0xb6: {  	s3 =	sadd.s32 $0x8, s3;
	s10 =	sadd.s32 $0x780, s10;
	[sflag:s9] =	ssyncadd.s32 $0xFFFFE800  }
0xb7: {  	[tilespmem:s29], [sflag:$0x8] =	stream.indirect.gather [hbm4b:s4+s14], $0x30, s10, s14, $0xb8;
	[tilespmem:$0x18680] =	vst v63  }
0xb8: {  	_ =	swait.ge [sflag:s30], $0x1800  }
0xb9: {  	[sflag:s30] =	ssyncset.done $0x0  }
0xba: {  	[sflag:s30] =	ssyncadd.s32 $0xFFFFE800  }
0xbb: {  	_ =	swait.ge [sflag:s31], $0x1800  }
0xbc: {  	[sflag:s31] =	ssyncset.done $0x0  }
0xbd: {  	[sflag:s31] =	ssyncadd.s32 $0xFFFFE800  }
0xbe: {  	_ =	swait.ge [sflag:s0], $0x1800  }
0xbf: {  	[sflag:s0] =	ssyncset.done $0x0  }
0xc0: {  	[sflag:s0] =	ssyncadd.s32 $0xFFFFE800  }
0xc1: {  	_ =	swait.ge [sflag:s1], $0x1800  }
0xc2: {  	[sflag:s1] =	ssyncset.done $0x0  }
0xc3: {  	[sflag:s1] =	ssyncadd.s32 $0xFFFFE800  }
0xc4: {  	_ =	swait.ge [sflag:s23], $0x1800  }
0xc5: {  	[sflag:s23] =	ssyncset.done $0x0  }
0xc6: {  	[sflag:s23] =	ssyncadd.s32 $0xFFFFE800  }
0xc7: {  	_ =	swait.ge [sflag:s25], $0x1800  }
0xc8: {  	[sflag:s25] =	ssyncset.done $0x0  }
0xc9: {  	[sflag:s25] =	ssyncadd.s32 $0xFFFFE800  }
0xca: {  	_ =	swait.ge [sflag:s28], $0x1800  }
0xcb: {  	[sflag:s28] =	ssyncset.done $0x0  }
0xcc: {  	[sflag:s28] =	ssyncadd.s32 $0xFFFFE800  }
0xcd: {  	_ =	swait.ge [sflag:s5], $0x1800  }
0xce: {  	[sflag:s5] =	ssyncset.done $0x0  }
0xcf: {  	[sflag:s5] =	ssyncadd.s32 $0xFFFFE800  }
0xd0: {  	[bflag:$0x0] =	sbarrier.arrive $0xFFFF  }
0xd1: {  	s3 =	rddreg [dreg:$0x7]  }
0xd2: {  	s12 =	rddreg [dreg:$0x9]  }
0xd3: {  	s13 =	rddreg [dreg:$0xa]  }
0xd4: {  	[hbm:s3], [sflag:s12] =	dma.local [spmem:s13], $0xED0  }
0xd5: {  	s12 =	simm.s32 $0x11  }
0xd6: {  	_ =	swait.ge [sflag:s12], $0xED0  }
0xd7: {  	s13 =	rddreg [dreg:$0xb]  }
0xd8: {  	s10 =	rddreg [dreg:$0x8];
	s13 =	sadd.s32 $0x1, s13  }
0xd9: {  	p0 =	sne.s32 s13, s10  }
.Ltmp1:
0xda: {  	_ = 	snop;
	(pc) =	sbr.rel @p0 .LBB2_1-.Ltmp1, $3  }
0xdb: {  	_ =	sdelay $0x1  }
0xdc: {  	[sflag:s12] =	ssyncset.done $0x0  }
0xdd: {  	[sflag:s12] =	ssyncadd.s32 $0xFFFFF130;
	[dreg:$0xb] =	wrdreg s13  }
0xde: {  	_ =	sfence.sel $0x180000  }
0xdf: {  	[bflag:$0x0] =	sbarrier.arrive $0xFFFF  }
0xe0: {  	_ =	strace $0x9000004D  }
0xe1: {  	s0 =	stileid.u32;
	[bflag:$0x2] =	sbarrier.arrive $0xFFFF  }
0xe2: {  	p0 =	sne.s32 s0, $0x0;
	s0 =	rddreg [dreg:$0x3]  }
0xe3: {  	s0 =	sadd.s32 @!p0 $0x100000, s0  }
0xe4: {  	[sflag:s0] =	ssyncadd.tile.s32 @!p0 $0x1;
	_ =	shalt  }
.Lfunc_end2:
_tile_overlayer_lowered:
.L_overlay_start_2:
0xe5: {  	(tag) =	ssettag $0x2  }
0xe6: {  	s0 =	rddreg [dreg:$0x0];
	s2 =	stileid.u32  }
0xe7: {  	s1 =	rddreg [dreg:$0x1];
	p0 =	sne.s32 s2, $0x0  }
0xe8: {  	s3 =	rddreg [dreg:$0x2];
	[bflag:$0x3] =	sbarrier.arrive $0xFFFF;
	s2 =	simm.s32 @!p0 $0x1C11  }
0xe9: {  	[timem:s3], [sflag:s2] =	dma.local @!p0 [hbm:s0], s1  }
0xea: {  	s0 =	simm.s32 @!p0 $0x11  }
0xeb: {  	_ =	swait.ge @!p0 [sflag:s0], s1  }
0xec: {  	s1 =	ssub.s32 @!p0 $0x0, s1;
	[sflag:s0] =	ssyncset.done @!p0 $0x0  }
0xed: {  	[sflag:s0] =	ssyncadd.s32 @!p0 s1  }
0xee: {  	[bflag:$0x3] =	sbarrier.arrive $0xFFFF  }
0xef: {  	_ =	shalt  }

// kernel: kernel.8.cloned.1.call-start
scs
__scs_entry_jumppad:
0x0: {  	(pc) =	sbr.rel $0x88, $3  }
0x1: {  	(tag) =	ssettag $0x0;
	lr =	simm.s32 $0x1  }
0x2: {  	[smem:$0x3F9B] =	sst lr;
	_ =	strace $0xD0000000  }
0x3: {  	_ = 	snop  }
0x4: {  	_ = 	snop  }
0x5: {  	_ = 	snop  }
0x6: {  	_ = 	snop  }
0x7: {  	_ = 	snop  }
__scs_overlays_trampoline_lowered:
0x8: {  	[smem:$0x3FAA] =	sst s0  }
0x9: {  	[smem:$0x3FAB] =	sst s1  }
0xa: {  	[smem:$0x3FAC] =	sst s2  }
0xb: {  	[smem:$0x3FAD] =	sst s3  }
0xc: {  	[smem:$0x3FAE] =	sst s4  }
0xd: {  	[smem:$0x3FAF] =	sst s5  }
0xe: {  	[smem:$0x3FB0] =	sst s6  }
0xf: {  	[smem:$0x3FB1] =	sst s7  }
0x10: {  	[smem:$0x3FB2] =	sst s8  }
0x11: {  	[smem:$0x3FB3] =	sst s9;
	s0 =	simm.s32 @!p0 $0x0  }
0x12: {  	s1 =	sld [smem:$0x3F99];
	s0 =	simm.s32 @p0 $0x1  }
0x13: {  	[smem:$0x3FB4] =	sst s0;
	s0 =	simm.s32 @!p1 $0x0  }
0x14: {  	s2 =	sld [smem:$0x3F98];
	s0 =	simm.s32 @p1 $0x1  }
0x15: {  	[smem:$0x3FB5] =	sst s0;
	s0 =	simm.s32 @!p2 $0x0  }
0x16: {  	s3 =	sld [smem:$0x3FDB];
	s0 =	simm.s32 @p2 $0x1  }
0x17: {  	s4 =	simm.s32 $0x1BF5;
	[smem:$0x3FB7] =	sst s0  }
0x18: {  	s0 =	sld [smem:$0x3F9A];
	_ =	swait.ge [sflag:s4], $0x0  }
0x19: {  	s7 =	sld [smem:$0x3F9B]  }
0x1a: {  	s8 =	sadd.s32 $0xFFFFE003, lr  }
0x1b: {  	s9 =	sadd.s32 $0xFFFFFEF7, lr;
	s5 =	simm.s32 $0xFFFFFFFF;
	p2 =	slt.u32 s8, $0xFFFFF086  }
0x1c: {  	p1 =	slt.u32 s9, $0xF7A;
	s5 =	simm.s32 @!p2 $0x0  }
0x1d: {  	s5 =	simm.s32 @p1 $0x1;
	p0 =	seq.s32 s7, s2  }
0x1e: {  	s7 =	smul.u32 @!p0 $0xF7A, s2;
	p2 =	seq.s32 @!p0 s5, $0x0  }
0x1f: {  	s9 =	smul.u32 $0xF7A, s1;
	s8 =	simm.s32 @!p0 $0x1BF5;
	p2 =	por !p2, p0  }
0x20: {  	[sflag:s8] =	ssyncset.s32 @!p0 $0xFFFFF086;
	s6 =	sadd.s32 @!p0 s3, s7;
	s7 =	simm.s32 @!p0 $0x108  }
0x21: {  	s3 =	sadd.s32 s3, s9;
	s6 =	sadd.s32 @!p0 $0x88, s6;
	s7 =	simm.s32 @p2 $0x1082  }
0x22: {  	[simem:s7], [sflag:s8] =	dma.local @!p0 [hbm:s6], $0xF7A  }
0x23: {  	s9 =	sor.u32 $0xD0000000, s2;
	s6 =	simm.s32 $0x108;
	_ =	swait.ge @!p0 [sflag:s8], $0x0  }
0x24: {  	s3 =	sadd.s32 $0x88, s3;
	s6 =	simm.s32 @!p1 $0x1082;
	[sflag:s4] =	ssyncset.s32 $0xFFFFF086  }
0x25: {  	[simem:s6], [sflag:s4] =	dma.local [hbm:s3], $0xF7A  }
0x26: {  	[smem:$0x3F9B] =	sst s1;
	(tag) =	ssettag s2;
	_ =	strace s9  }
0x27: {  	s1 =	sld [smem:$0x3FAB]  }
0x28: {  	s2 =	sld [smem:$0x3FAC]  }
0x29: {  	s4 =	sld [smem:$0x3FAE]  }
0x2a: {  	p0 =	seq.s32 s5, $0x0;
	s5 =	sld [smem:$0x3FAF]  }
0x2b: {  	s6 =	sld [smem:$0x3FB0]  }
0x2c: {  	s7 =	sld [smem:$0x3FB1]  }
0x2d: {  	s3 =	simm.s32 $0x108;
	s8 =	sld [smem:$0x3FB2]  }
0x2e: {  	s3 =	simm.s32 @!p0 $0x1082;
	s9 =	sld [smem:$0x3FB3]  }
0x2f: {  	lr =	sadd.s32 s0, s3;
	s0 =	sld [smem:$0x3FAA]  }
0x30: {  	s3 =	sld [smem:$0x3FAD]  }
0x31: {  	[smem:$0x3FB6] =	sst s10  }
0x32: {  	s10 =	sld [smem:$0x3FB4];
	_ =	sdelay $0x3  }
0x33: {  	p0 =	seq.s32 s10, $0x1;
	s10 =	sld [smem:$0x3FB6];
	_ =	sdelay $0x3  }
0x34: {  	[smem:$0x3FB6] =	sst s10  }
0x35: {  	s10 =	sld [smem:$0x3FB5];
	_ =	sdelay $0x3  }
0x36: {  	p1 =	seq.s32 s10, $0x1;
	s10 =	sld [smem:$0x3FB6];
	_ =	sdelay $0x3  }
0x37: {  	[smem:$0x3FB6] =	sst s10  }
0x38: {  	s10 =	sld [smem:$0x3FB7]  }
0x39: {  	_ = 	snop;
	(pc) =	sbr.ind lr, $3  }
0x3a: {  	_ = 	snop  }
0x3b: {  	_ = 	snop  }
0x3c: {  	p2 =	seq.s32 s10, $0x1;
	s10 =	sld [smem:$0x3FB6]  }
0x3d: {  	_ =	shalt  }
0x3e: {  	_ =	shalt  }
0x3f: {  	_ =	shalt  }
0x40: {  	_ =	shalt  }
0x41: {  	_ =	shalt  }
0x42: {  	_ =	shalt  }
0x43: {  	_ =	shalt  }
0x44: {  	_ =	shalt  }
0x45: {  	_ =	shalt  }
0x46: {  	_ =	shalt  }
0x47: {  	_ =	shalt  }
0x48: {  	_ =	shalt  }
0x49: {  	_ =	shalt  }
0x4a: {  	_ =	shalt  }
0x4b: {  	_ =	shalt  }
0x4c: {  	_ =	shalt  }
0x4d: {  	_ =	shalt  }
0x4e: {  	_ =	shalt  }
0x4f: {  	_ =	shalt  }
0x50: {  	_ =	shalt  }
0x51: {  	_ =	shalt  }
0x52: {  	_ =	shalt  }
0x53: {  	_ =	shalt  }
0x54: {  	_ =	shalt  }
0x55: {  	_ =	shalt  }
0x56: {  	_ =	shalt  }
0x57: {  	_ =	shalt  }
0x58: {  	_ =	shalt  }
0x59: {  	_ =	shalt  }
0x5a: {  	_ =	shalt  }
0x5b: {  	_ =	shalt  }
0x5c: {  	_ =	shalt  }
0x5d: {  	_ =	shalt  }
0x5e: {  	_ =	shalt  }
0x5f: {  	_ =	shalt  }
0x60: {  	_ =	shalt  }
0x61: {  	_ =	shalt  }
0x62: {  	_ =	shalt  }
0x63: {  	_ =	shalt  }
0x64: {  	_ =	shalt  }
0x65: {  	_ =	shalt  }
0x66: {  	_ =	shalt  }
0x67: {  	_ =	shalt  }
0x68: {  	_ =	shalt  }
0x69: {  	_ =	shalt  }
0x6a: {  	_ =	shalt  }
0x6b: {  	_ =	shalt  }
0x6c: {  	_ =	shalt  }
0x6d: {  	_ =	shalt  }
0x6e: {  	_ =	shalt  }
0x6f: {  	_ =	shalt  }
0x70: {  	_ =	shalt  }
0x71: {  	_ =	shalt  }
0x72: {  	_ =	shalt  }
0x73: {  	_ =	shalt  }
0x74: {  	_ =	shalt  }
0x75: {  	_ =	shalt  }
0x76: {  	_ =	shalt  }
0x77: {  	_ =	shalt  }
0x78: {  	_ =	shalt  }
0x79: {  	_ =	shalt  }
0x7a: {  	_ =	shalt  }
0x7b: {  	_ =	shalt  }
0x7c: {  	_ =	shalt  }
0x7d: {  	_ =	shalt  }
0x7e: {  	_ =	shalt  }
0x7f: {  	_ =	shalt  }
0x80: {  	_ =	shalt  }
0x81: {  	_ =	shalt  }
0x82: {  	_ =	shalt  }
0x83: {  	_ =	shalt  }
0x84: {  	_ =	shalt  }
0x85: {  	_ =	shalt  }
0x86: {  	_ =	shalt  }
0x87: {  	_ =	shalt  }
.Lfunc_end0:
.L_simem_size_0:
called_computation_lowered:
.L_overlay_start_0:
0x88: {  	s2 =	sld [smem:$0x3FD9]  }
0x89: {  	s3 =	sld [smem:$0x3FFE];
	_ =	sdelay $0x1  }
0x8a: {  	s1 =	srdreg.scid  }
0x8b: {  	s0 =	sand.u32 $0x1, s1  }
0x8c: {  	s17 =	sshll.u32 s0, $0xA;
	s2 =	sadd.s32 s3, s2  }
0x8d: {  	s2 =	sadd.s32 s2, s17  }
0x8e: {  	[smem:$0x3FC2] =	sst s2  }
0x8f: {  	_ = 	snop  }
0x90: {  	s2 =	sld [smem:$0x3FD0];
	(tm) =	ssettm $0x1  }
0x91: {  	s18 =	sld [smem:$0x3FFB];
	_ =	sdelay $0x3  }
0x92: {  	_ =	strace s18  }
0x93: {  	s3 =	sld [smem:$0x3FFC];
	_ =	sdelay $0x3  }
0x94: {  	_ =	strace s3  }
0x95: {  	s3 =	sld [smem:$0x3FFD];
	_ =	sdelay $0x3  }
0x96: {  	_ =	strace s3  }
0x97: {  	_ =	strace $0x8FFFFFFF  }
0x98: {  	s19 =	sld [smem:$0x3FDB];
	_ =	sdelay $0x1  }
0x99: {  	s4 =	simm.s32 $_scs_section_size  }
0x9a: {  	s5 =	simm.s32 $_size__tile_overlayer_lowered;
	s6 =	simm.s32 $_tile_overlayer_lowered  }
0x9b: {  	s22 =	simm.s32 $0x1BFF;
	s21 =	sshll.u32 s6, $0x1;
	s3 =	sadd.s32 s4, s19  }
0x9c: {  	s7 =	simm.s32 $0x0;
	s20 =	sshll.u32 s5, $0x1;
	s5 =	sadd.s32 s21, s3  }
0x9d: {  	[timem:s7], [sflag:s22] =	dma.local [hbm:s5], s20  }
0x9e: {  	_ =	swait.ge [sflag:s22], s20  }
0x9f: {  	s4 =	ssub.s32 $0x0, s20;
	[sflag:s22] =	ssyncset.done $0x0  }
0xa0: {  	[sflag:s22] =	ssyncadd.s32 s4;
	_ =	sdelay $0x1  }
0xa1: {  	s23 =	simm.s32 $0x1B8B  }
0xa2: {  	_ =	swait.ge [sflag:s23], $0x1  }
0xa3: {  	[sflag:s23] =	ssyncset.done $0x0  }
0xa4: {  	s25 =	simm.s32 $0x1B8E;
	s24 =	sld [smem:$0x3FFE];
	[sflag:s23] =	ssyncadd.s32 $0xFFFFFFFF  }
0xa5: {  	s26 =	simm.s32 $execute0_lowered;
	[smem:$0x3FD2] =	sst s25  }
0xa6: {  	s5 =	sshll.u32 s26, $0x1;
	_ =	strace $0x80000046;
	[dreg:$0x1] =	wrdreg $0xFFFFFFFF  }
0xa7: {  	s28 =	simm.s32 $_size_execute0_lowered;
	s3 =	sadd.s32 s3, s5;
	[dreg:$0x0] =	wrdreg $0x0  }
0xa8: {  	s5 =	sshll.u32 s28, $0x1;
	[dreg:$0x2] =	wrdreg s3  }
0xa9: {  	[dreg:$0x3] =	wrdreg s5  }
0xaa: {  	[dreg:$0x4] =	wrdreg $0xC0  }
0xab: {  	_ =	task [dreg:s7], $0x5FFFF  }
0xac: {  	[dreg:$0x1] =	wrdreg $0xFFFFFFFF  }
0xad: {  	[dreg:$0x0] =	wrdreg $0x60  }
0xae: {  	[dreg:$0x2] =	wrdreg s2  }
0xaf: {  	[dreg:$0x3] =	wrdreg s24  }
0xb0: {  	[dreg:$0x4] =	wrdreg $0x28800  }
0xb1: {  	[dreg:$0x5] =	wrdreg $0x9  }
0xb2: {  	_ =	task.clear_ibuf [dreg:s7], $0x6FFFF;
	_ =	strace $0x90000046  }
0xb3: {  	s29 =	simm.s32 $0x9;
	_ =	strace $0x80000048  }
0xb4: {  	_ =	swait.ge [sflag:s29], $0x1  }
0xb5: {  	[sflag:s29] =	ssyncadd.s32 $0xFFFFFFFF  }
0xb6: {  	_ =	strace $0x90000048  }
0xb7: {  	_ =	sfence  }
0xb8: {  	s30 =	sld [smem:$0x0];
	_ =	sdelay $0x2  }
0xb9: {  	s31 =	sshll.u32 s1, $0xD;
	s1 =	sshrl.u32 s1, $0x2  }
0xba: {  	s3 =	sand.u32 $0x4000, s31;
	s1 =	sadd.s32 s1, s30  }
0xbb: {  	s0 =	sor.u32 s3, s0;
	s1 =	sshll.u32 s1, $0x11  }
0xbc: {  	s0 =	sor.u32 s1, s0  }
0xbd: {  	s0 =	sadd.s32 $0x8F2B, s0  }
0xbe: {  	[sflag:s0] =	ssyncadd.remote.s32 $0x1  }
0xbf: {  	_ =	sfence.sel $0xFFFF  }
0xc0: {  	[dreg:$0x0] =	wrdreg $0xFFFFFFFF;
	(pc) =	sbr.abs _section_cstart, $3  }
0xc1: {  	[dreg:$0x1] =	wrdreg $0xFFFFFFFF  }
0xc2: {  	_ =	task.clear_ibuf [dreg:s7], $0x2FFFF;
	_ =	strace $0x9FFFFFFF  }
0xc3: {  	(tm) =	ssettm $0x7FFFFFFF  }
tec
execute0_lowered:
.L_overlay_start_1:
0x0: {  	(tag) =	ssettag $0x1  }
0x1: {  	s5 =	rddreg [dreg:$0x0]  }
0x2: {  	s6 =	rddreg [dreg:$0x1];
	s1 =	srdreg.scid  }
0x3: {  	s0 =	stileid.u32;
	s2 =	rddreg [dreg:$0x2];
	s3 =	simm.s32 $0x0  }
0x4: {  	s11 =	simm.s32 $0x80;
	s12 =	simm.s32 $0x2800;
	s13 =	simm.s32 $0x0  }
0x5: {  	s4 =	sand.u32 $0x1, s1;
	s7 =	smul.u32 $0x278, s0;
	s1 =	rddreg [dreg:$0x3]  }
0x6: {  	[smem:$0x7FF] =	sst s3;
	s9 =	sshll.u32 s0, $0x1;
	s31 =	sshll.u32 s0, $0x6  }
0x7: {  	s8 =	smul.u32 $0x2780, s4;
	_ =	strace $0x80000047;
	s9 =	sor.u32 s4, s9  }
0x8: {  	s10 =	ssub.s32 $0x2, s4;
	s4 =	sadd.s32 $0xB600, s6;
	s9 =	smul.u32 $0x500, s9  }
0x9: {  	s29 =	sshrl.u32 s10, $0x1;
	s30 =	sadd.s32 s7, s2;
	s8 =	sadd.s32 s7, s8  }
0xa: {  	s8 =	sshrl.u32 s8, $0x3;
	s5 =	sadd.s32 s5, s9;
	s9 =	sor.u32 $0x1C01, s31  }
0xb: {  	s6 =	sadd.s32 s8, s6;
	s8 =	ssub.s32 s10, s29;
	s10 =	sshrl.u32 s30, $0x3  }
0xc: {  	v0 =	vimm.f32 $1.000000000e+00;
	s6 =	sadd.s32 $0xB800, s6;
	s7 =	smax.u32 s8, $0x1;
	s8 =	simm.s32 $0x1  }
.LBB2_1:
0xd: {  	[tilespmem:s3], [sflag:$0x1] =	stream.linear.gather [hbm4b:s5+s3], $0x2800, $0x38;
	[tilespmem:$0x2AF8] =	vst v63  }
0xe: {  	_ =	swait.ge [sflag:s8], $0x2800  }
0xf: {  	[sflag:s8] =	ssyncset.done $0x0  }
0x10: {  	[sflag:s8] =	ssyncadd.s32 $0xFFFFD800  }
0x11: {  	[tilespmem:$0x2800] =	vst v0  }
0x12: {  	[tilespmem:$0x2810] =	vst v0  }
0x13: {  	[tilespmem:$0x2820] =	vst v0  }
0x14: {  	[tilespmem:$0x2830] =	vst v0  }
0x15: {  	[tilespmem:$0x2840] =	vst v0  }
0x16: {  	[tilespmem:$0x2850] =	vst v0  }
0x17: {  	[tilespmem:$0x2860] =	vst v0  }
0x18: {  	[tilespmem:$0x2870] =	vst v0  }
0x19: {  	[spmem:s10], [sflag:s9] =	dma.local [hbm:s4], $0x4F  }
0x1a: {  	_ =	swait.ge [sflag:s8], $0x4F  }
0x1b: {  	[sflag:s8] =	ssyncset.done $0x0  }
0x1c: {  	[sflag:s8] =	ssyncadd.s32 $0xFFFFFFB1  }
0x1d: {  	s14 =	simm.s32 $0x0;
	[bflag:$0x0] =	sbarrier.arrive $0xFFFF  }
0x1e: {  	[spmem:s2] =	stream.indirect.scatter.add.f32 [tilespmem:s12], [sflag:$0x1], $0x1, s14, s11, $0xb8;
	[tilespmem:$0x2AF8] =	vst v63  }
0x1f: {  	_ =	swait.ge [sflag:s8], $0x80  }
0x20: {  	s14 =	simm.s32 $0x200;
	[sflag:s8] =	ssyncset.done $0x0  }
.LBB2_2:
0x21: {  	s15 =	sshra.s32 s14, $0x2;
	[sflag:s8] =	ssyncadd.s32 $0xFFFFFF80;
	p0 =	sne.s32 s14, $0x9E00  }
0x22: {  	[spmem:s2] =	stream.indirect.scatter.add.f32 [tilespmem:s12], [sflag:$0x1], $0x1, s15, s11, $0xb8;
	[tilespmem:$0x2AF8] =	vst v63  }
.Ltmp0:
0x23: {  	_ = 	snop;
	(pc) =	sbr.rel @p0 .LBB2_2-.Ltmp0, $4  }
0x24: {  	_ = 	snop  }
0x25: {  	s14 =	sadd.s32 $0x200, s14  }
0x26: {  	_ =	swait.ge [sflag:s8], $0x80  }
0x27: {  	[sflag:s8] =	ssyncset.done $0x0  }
0x28: {  	s13 =	sadd.s32 $0x1, s13  }
0x29: {  	[sflag:s8] =	ssyncadd.s32 $0xFFFFFF80;
	p0 =	sne.s32 s13, s7  }
.Ltmp1:
0x2a: {  	[bflag:$0x0] =	sbarrier.arrive $0xFFFF;
	(pc) =	sbr.rel @p0 .LBB2_1-.Ltmp1, $4  }
0x2b: {  	[hbm:s6], [sflag:s9] =	dma.local [spmem:s10], $0x4F  }
0x2c: {  	_ =	swait.ge [sflag:s8], $0x4F  }
0x2d: {  	[sflag:s8] =	ssyncset.done $0x0  }
0x2e: {  	[sflag:s8] =	ssyncadd.s32 $0xFFFFFFB1  }
0x2f: {  	_ =	sfence.sel $0x180000  }
0x30: {  	[bflag:$0x0] =	sbarrier.arrive $0xFFFF  }
0x31: {  	p0 =	sne.s32 s0, $0x0;
	_ =	strace $0x90000047  }
0x32: {  	s0 =	sadd.s32 @!p0 $0x100000, s1;
	[bflag:$0x2] =	sbarrier.arrive $0xFFFF  }
0x33: {  	[sflag:s0] =	ssyncadd.tile.s32 @!p0 $0x1;
	_ =	shalt  }
.Lfunc_end2:
_tile_overlayer_lowered:
.L_overlay_start_2:
0x34: {  	(tag) =	ssettag $0x2  }
0x35: {  	s0 =	rddreg [dreg:$0x0];
	s2 =	stileid.u32  }
0x36: {  	s1 =	rddreg [dreg:$0x1];
	p0 =	sne.s32 s2, $0x0  }
0x37: {  	s3 =	rddreg [dreg:$0x2];
	[bflag:$0x3] =	sbarrier.arrive $0xFFFF;
	s2 =	simm.s32 @!p0 $0x1C01  }
0x38: {  	[timem:s3], [sflag:s2] =	dma.local @!p0 [hbm:s0], s1  }
0x39: {  	s0 =	simm.s32 @!p0 $0x1  }
0x3a: {  	_ =	swait.ge @!p0 [sflag:s0], s1  }
0x3b: {  	s1 =	ssub.s32 @!p0 $0x0, s1;
	[sflag:s0] =	ssyncset.done @!p0 $0x0  }
0x3c: {  	[sflag:s0] =	ssyncadd.s32 @!p0 s1  }
0x3d: {  	[bflag:$0x3] =	sbarrier.arrive $0xFFFF  }
0x3e: {  	_ =	shalt  }

</sc_bundles>
